<compile_context>
chip_gen: v7x
topology: tpu7x:2x2x1
jax: 0.10.2.dev20260603
libtpu: 0.0.44.dev20260713+nightly
codegen_flags: <defaults>
</compile_context>

<pallas_src>
import functools

import jax
import jax.numpy as jnp
from jax import lax
from jax.experimental import pallas as pl
from jax.experimental.pallas import tpu as pltpu
from jax.experimental.pallas import tpu_sc as plsc

NC = 2
NS = 16
NW = NC * NS



def _pack_bf16(r):
    d2 = r.shape[1] // 2
    lo = jax.lax.bitcast_convert_type(
        r[:, :d2].astype(jnp.bfloat16), jnp.uint16).astype(jnp.uint32)
    hi = jax.lax.bitcast_convert_type(
        r[:, d2:].astype(jnp.bfloat16), jnp.uint16).astype(jnp.uint32)
    return jax.lax.bitcast_convert_type(lo | (hi << 16), jnp.float32)


def _unpack_bf16(p):
    u = jax.lax.bitcast_convert_type(p, jnp.uint32)
    lo = jax.lax.bitcast_convert_type(
        (u & 0xFFFF).astype(jnp.uint16), jnp.bfloat16)
    hi = jax.lax.bitcast_convert_type(
        (u >> 16).astype(jnp.uint16), jnp.bfloat16)
    return jnp.concatenate([lo, hi], axis=1).astype(jnp.float32)

def _node_proj_body(nf, w1, b1, w2, b2, w3, b3, w4, b4,
                    o1, o2, o3):
    x = nf[...]
    r1 = jnp.dot(x, w1[...], preferred_element_type=jnp.float32) + b1[...]
    r3 = jnp.dot(x, w3[...], preferred_element_type=jnp.float32) + b3[...]
    o1[...] = jnp.concatenate([_pack_bf16(r1), _pack_bf16(r3)], axis=1)
    o2[...] = jnp.dot(x, w2[...], preferred_element_type=jnp.float32) + b2[...]
    o3[...] = jnp.dot(x, w4[...], preferred_element_type=jnp.float32) + b4[...]


def _node_proj(node_feats, ws, bs):
    n, d = node_feats.shape
    bn = 1000
    grid = (n // bn,)
    blk = pl.BlockSpec((bn, d), lambda i: (i, 0))
    wblk = pl.BlockSpec((d, d), lambda i: (0, 0))
    bblk = pl.BlockSpec((1, d), lambda i: (0, 0))
    in_specs = [blk]
    args = [node_feats]
    for w, b in zip(ws, bs):
        in_specs += [wblk, bblk]
        args += [w, b.reshape(1, d)]
    out = pl.pallas_call(
        _node_proj_body,
        grid=grid,
        in_specs=in_specs,
        out_specs=[blk] * 3,
        out_shape=[jax.ShapeDtypeStruct((n, d), jnp.float32)] * 3,
    )(*args)
    return out


def _edge_compute_body(ef, g13, g2, w, b, m_o, ps_o, s1_o, s2_o):
    x = ef[...]
    d2 = x.shape[1] // 2
    ew = jnp.dot(x, w[...], preferred_element_type=jnp.float32) + b[...]
    m = _unpack_bf16(g13[:, :d2]) + g2[...] + ew
    sigma = 1.0 / (1.0 + jnp.exp(-m))
    m_o[...] = _pack_bf16(m)
    ps_o[0] = _unpack_bf16(g13[:, d2:]) * sigma
    ps_o[1] = sigma
    s1_o[0] = jnp.sum(m, axis=0, keepdims=True)
    s2_o[0] = jnp.sum(m * m, axis=0, keepdims=True)


def _edge_compute(edge_feats, g13, g2, w_edge, b_edge):
    e, d = edge_feats.shape
    be = 4000
    grid = (e // be,)
    blk = pl.BlockSpec((be, d), lambda i: (i, 0))
    hblk = pl.BlockSpec((be, d // 2), lambda i: (i, 0))
    m, ps, s1, s2 = pl.pallas_call(
        _edge_compute_body,
        grid=grid,
        in_specs=[blk, blk, blk,
                  pl.BlockSpec((d, d), lambda i: (0, 0)),
                  pl.BlockSpec((1, d), lambda i: (0, 0))],
        out_specs=[hblk,
                   pl.BlockSpec((2, be, d), lambda i: (0, i, 0)),
                   pl.BlockSpec((1, 1, d), lambda i: (i, 0, 0)),
                   pl.BlockSpec((1, 1, d), lambda i: (i, 0, 0))],
        out_shape=[jax.ShapeDtypeStruct((e, d // 2), jnp.float32),
                   jax.ShapeDtypeStruct((2, e, d), jnp.float32),
                   jax.ShapeDtypeStruct((e // be, 1, d), jnp.float32),
                   jax.ShapeDtypeStruct((e // be, 1, d), jnp.float32)],
    )(edge_feats, g13, g2, w_edge, b_edge.reshape(1, d))
    return m, ps, s1, s2


def _edge_stats_body(s1, s2, mu_o, rs_o, e_edges):
    mu = jnp.sum(s1[...], axis=(0, 1)) / e_edges
    msq = jnp.sum(s2[...], axis=(0, 1)) / e_edges
    var = msq - mu * mu
    mu_o[...] = mu.reshape(1, -1)
    rs_o[...] = (1.0 / jnp.sqrt(var + 1e-5)).reshape(1, -1)


def _edge_stats(s1, s2, e_edges):
    nb, _, d = s1.shape
    mu, rs = pl.pallas_call(
        functools.partial(_edge_stats_body, e_edges=float(e_edges)),
        in_specs=[pl.BlockSpec((nb, 1, d), lambda: (0, 0, 0))] * 2,
        out_specs=[pl.BlockSpec((1, d), lambda: (0, 0))] * 2,
        out_shape=[jax.ShapeDtypeStruct((1, d), jnp.float32)] * 2,
    )(s1, s2)
    return mu, rs


def _edge_out_body(ef, m, mu, rs, gamma, beta, y_o):
    bn = gamma[...] * (_unpack_bf16(m[...]) - mu[...]) * rs[...] + beta[...]
    sig = 1.0 / (1.0 + jnp.exp(-bn))
    y_o[...] = ef[...] + bn * sig


def _edge_out(edge_feats, m, mu, rs, gamma, beta):
    e, d = edge_feats.shape
    be = 4000
    blk = pl.BlockSpec((be, d), lambda i: (i, 0))
    hblk = pl.BlockSpec((be, d // 2), lambda i: (i, 0))
    one = pl.BlockSpec((1, d), lambda i: (0, 0))
    y = pl.pallas_call(
        _edge_out_body,
        grid=(e // be,),
        in_specs=[blk, hblk, one, one, one, one],
        out_specs=blk,
        out_shape=jax.ShapeDtypeStruct((e, d), jnp.float32),
    )(edge_feats, m, mu, rs, gamma.reshape(1, d), beta.reshape(1, d))
    return y


def _node_out_body(nf, ax, s, gamma, beta, x_o):
    n = nf.shape[0]
    h = s[0] / (s[1] + 1e-6)
    xp = ax[...] + h
    mu = jnp.sum(xp, axis=0, keepdims=True) / n
    dev = xp - mu
    var = jnp.sum(dev * dev, axis=0, keepdims=True) / n
    bn = gamma[...] * dev / jnp.sqrt(var + 1e-5) + beta[...]
    sig = 1.0 / (1.0 + jnp.exp(-bn))
    x_o[...] = nf[...] + bn * sig


def _node_out(node_feats, ax, s_acc, gamma, beta):
    n, d = node_feats.shape
    blk = pl.BlockSpec((n, d), lambda: (0, 0))
    one = pl.BlockSpec((1, d), lambda: (0, 0))
    x = pl.pallas_call(
        _node_out_body,
        in_specs=[blk, blk, pl.BlockSpec((2, n, d), lambda: (0, 0, 0)),
                  one, one],
        out_specs=blk,
        out_shape=jax.ShapeDtypeStruct((n, d), jnp.float32),
    )(node_feats, ax, s_acc, gamma.reshape(1, d), beta.reshape(1, d))
    return x



GB = 80
GSZ = 5
GROWS = GB * GSZ


def _sc_gather(t13, e_dst, src_idx, dst_idx):
    n, d = t13.shape
    e = src_idx.shape[0]
    epw = e // NW
    k = epw // GB
    ng = k // GSZ
    mesh = plsc.VectorSubcoreMesh(core_axis_name="c", subcore_axis_name="s")

    @functools.partial(
        pl.kernel, mesh=mesh,
        out_type=[jax.ShapeDtypeStruct((e, d), jnp.float32)] * 2,
        scratch_types=[pltpu.VMEM((epw,), jnp.int32),
                       pltpu.VMEM((GROWS, d), jnp.float32),
                       pltpu.VMEM((GROWS, d), jnp.float32),
                       pltpu.SemaphoreType.DMA,
                       pltpu.SemaphoreType.DMA,
                       pltpu.SemaphoreType.DMA,
                       pltpu.SemaphoreType.DMA],
    )
    def gk(t13_h, edst_h, src_h, dst_h, g13_h, g2_h,
           idx_v, buf_a, buf_b, gsem_a, gsem_b, wsem_a, wsem_b):
        wid = lax.axis_index("s") * NC + lax.axis_index("c")
        base = wid * epw

        def job(table_h, out_h):
            bufs = (buf_a, buf_b)
            gsems = (gsem_a, gsem_b)
            wsems = (wsem_a, wsem_b)

            def fire_g(p, g):
                for bb in range(GSZ):
                    pltpu.async_copy(
                        table_h.at[idx_v.at[pl.ds(g * GROWS + bb * GB, GB)]],
                        bufs[p].at[pl.ds(bb * GB, GB)], gsems[p])

            def drain_g(p, g):
                for bb in range(GSZ):
                    pltpu.make_async_copy(
                        table_h.at[idx_v.at[pl.ds(g * GROWS + bb * GB, GB)]],
                        bufs[p].at[pl.ds(bb * GB, GB)], gsems[p]).wait()

            def fire_w(p, g):
                pltpu.async_copy(
                    bufs[p], out_h.at[pl.ds(base + g * GROWS, GROWS)],
                    wsems[p])

            def drain_w(p):
                pltpu.make_async_copy(
                    bufs[p], out_h.at[pl.ds(base, GROWS)], wsems[p]).wait()

            fire_g(0, 0)

            def body(gi, carry):
                g1 = 2 * gi + 1
                g2 = 2 * gi + 2

                @pl.when(gi > 0)
                def _():
                    drain_w(1)
                fire_g(1, g1)
                drain_g(0, g1 - 1)
                fire_w(0, g1 - 1)
                drain_w(0)
                fire_g(0, g2)
                drain_g(1, g1)
                fire_w(1, g1)
                return carry
            lax.fori_loop(0, (ng - 1) // 2, body, 0)

            drain_g(0, ng - 1)
            fire_w(0, ng - 1)
            drain_w(1)
            drain_w(0)

        pltpu.sync_copy(src_h.at[pl.ds(base, epw)], idx_v)
        job(t13_h, g13_h)
        pltpu.sync_copy(dst_h.at[pl.ds(base, epw)], idx_v)
        job(edst_h, g2_h)

    return gk(t13, e_dst, src_idx, dst_idx)


def _sc_scatter(ps, dst_idx, zeros, n):
    _, e, d = ps.shape
    ept = e // NS
    k = ept // GB
    rpt = (n // NS) // 8 * 8
    rem = n - rpt * NS
    mesh = plsc.VectorSubcoreMesh(core_axis_name="c", subcore_axis_name="s")

    sgsz = 2
    srows = GB * sgsz
    ng = k // sgsz

    idx_scr = [pltpu.VMEM((GB,), jnp.int32) for _ in range(2 * sgsz)]

    @functools.partial(
        pl.kernel, mesh=mesh,
        out_type=jax.ShapeDtypeStruct((2, n, d), jnp.float32),
        scratch_types=[pltpu.VMEM((srows, d), jnp.float32),
                       pltpu.VMEM((srows, d), jnp.float32),
                       pltpu.VMEM_SHARED((n, d), jnp.float32)]
                      + idx_scr
                      + [pltpu.SemaphoreType.DMA] * 4,
    )
    def sk(ps_h, dst_h, zeros_h, s_h, buf_a, buf_b, acc_sh, *rest):
        idx_v = (rest[:sgsz], rest[sgsz:2 * sgsz])
        rsem = (rest[2 * sgsz], rest[2 * sgsz + 1])
        ssem = (rest[2 * sgsz + 2], rest[2 * sgsz + 3])
        bufs = (buf_a, buf_b)
        cid = lax.axis_index("c")
        sid = lax.axis_index("s")
        row0 = sid * rpt
        pltpu.sync_copy(zeros_h.at[pl.ds(row0, rpt)],
                        acc_sh.at[pl.ds(row0, rpt)])

        @pl.when(sid == NS - 1)
        def _():
            pltpu.sync_copy(zeros_h.at[pl.ds(rpt * NS, rem)],
                            acc_sh.at[pl.ds(rpt * NS, rem)])
        plsc.subcore_barrier()

        base = sid * ept

        def fire_r(p, g):
            off = base + g * srows
            pltpu.async_copy(ps_h.at[cid, pl.ds(off, srows)], bufs[p],
                             rsem[p])
            for bb in range(sgsz):
                pltpu.async_copy(dst_h.at[pl.ds(off + bb * GB, GB)],
                                 idx_v[p][bb], rsem[p])

        def drain_r(p):
            pltpu.make_async_copy(ps_h.at[cid, pl.ds(base, srows)], bufs[p],
                                  rsem[p]).wait()
            for bb in range(sgsz):
                pltpu.make_async_copy(dst_h.at[pl.ds(base, GB)],
                                      idx_v[p][bb], rsem[p]).wait()

        def fire_s(p):
            for bb in range(sgsz):
                pltpu.async_copy(bufs[p].at[pl.ds(bb * GB, GB)],
                                 acc_sh.at[idx_v[p][bb]], ssem[p], add=True)

        def drain_s(p):
            for bb in range(sgsz):
                pltpu.make_async_copy(bufs[p].at[pl.ds(bb * GB, GB)],
                                      acc_sh.at[idx_v[p][bb]],
                                      ssem[p]).wait()

        fire_r(0, 0)

        def body(gi, carry):
            g1 = 2 * gi + 1
            g2 = 2 * gi + 2

            @pl.when(gi > 0)
            def _():
                drain_s(1)
            fire_r(1, g1)
            drain_r(0)
            fire_s(0)
            drain_s(0)
            fire_r(0, g2)
            drain_r(1)
            fire_s(1)
            return carry
        lax.fori_loop(0, (ng - 1) // 2, body, 0)

        drain_r(0)
        fire_s(0)
        drain_s(1)
        drain_s(0)

        plsc.subcore_barrier()
        pltpu.sync_copy(acc_sh.at[pl.ds(row0, rpt)],
                        s_h.at[cid, pl.ds(row0, rpt)])

        @pl.when(sid == NS - 1)
        def _():
            pltpu.sync_copy(acc_sh.at[pl.ds(rpt * NS, rem)],
                            s_h.at[cid, pl.ds(rpt * NS, rem)])

    return sk(ps, dst_idx, zeros)



def kernel(node_feats, edge_feats, edge_index,
           W_src_gate, b_src_gate, W_dst_gate, b_dst_gate,
           W_edge_gate, b_edge_gate, W_src_update, b_src_update,
           W_dst_update, b_dst_update,
           gamma_nodes, beta_nodes, gamma_edges, beta_edges):
    n, d = node_feats.shape
    e = edge_feats.shape[0]
    src = edge_index[0]
    dst = edge_index[1]

    t13, e_dst_t, ax = _node_proj(
        node_feats,
        (W_src_gate, W_dst_gate, W_dst_update, W_src_update),
        (b_src_gate, b_dst_gate, b_dst_update, b_src_update))

    g13, g2 = _sc_gather(t13, e_dst_t, src, dst)

    m, ps, s1, s2 = _edge_compute(edge_feats, g13, g2,
                                  W_edge_gate, b_edge_gate)

    zeros = jnp.zeros((n, d), jnp.float32)
    mu_e, rs_e = _edge_stats(s1, s2, e)
    y = _edge_out(edge_feats, m, mu_e, rs_e, gamma_edges, beta_edges)

    s_acc = _sc_scatter(ps, dst, zeros, n)
    x = _node_out(node_feats, ax, s_acc, gamma_nodes, beta_nodes)
    return (x, y)

# --- scband reference (transcript-rebuilt; emitter-appended) ---
"""Pipeline reference for scband-alignn-18837726560686 (READ-ONLY COPY).

The authoritative reference and input builder live on the scoring server;
editing this copy changes nothing except your own understanding.
"""

import jax, jax.numpy as jnp
import numpy as np

N = 10000
E = 320000
D = 128

def _bn(x, gamma, beta):
    mu = jnp.mean(x, axis=0)
    var = jnp.var(x, axis=0)
    return gamma * (x - mu) / jnp.sqrt(var + 1e-5) + beta

def _silu(x):
    return x * jax.nn.sigmoid(x)

def setup_inputs(seed: int = 0):
    key = jax.random.key(seed)
    ks = jax.random.split(key, 20)
    s = 1.0 / np.sqrt(D)
    inp = {}
    inp["node_feats"] = jax.random.normal(ks[0], (N, D), dtype=jnp.float32)
    inp["edge_feats"] = jax.random.normal(ks[1], (E, D), dtype=jnp.float32)
    inp["edge_index"] = jax.random.randint(ks[2], (2, E), 0, N, dtype=jnp.int32)
    names = ["src_gate", "dst_gate", "edge_gate", "src_update", "dst_update"]
    for i, nm in enumerate(names):
        inp["W_" + nm] = jax.random.uniform(ks[3 + 2 * i], (D, D), minval=-s, maxval=s, dtype=jnp.float32)
        inp["b_" + nm] = jax.random.uniform(ks[4 + 2 * i], (D,), minval=-s, maxval=s, dtype=jnp.float32)
    inp["gamma_nodes"] = jnp.ones((D,), jnp.float32)
    inp["beta_nodes"] = jnp.zeros((D,), jnp.float32)
    inp["gamma_edges"] = jnp.ones((D,), jnp.float32)
    inp["beta_edges"] = jnp.zeros((D,), jnp.float32)
    return inp

def reference(node_feats, edge_feats, edge_index, W_src_gate, b_src_gate, W_dst_gate, b_dst_gate, W_edge_gate, b_edge_gate, W_src_update, b_src_update, W_dst_update, b_dst_update, gamma_nodes, beta_nodes, gamma_edges, beta_edges):
    src = edge_index[0]
    dst = edge_index[1]
    e_src = node_feats @ W_src_gate + b_src_gate
    e_dst = node_feats @ W_dst_gate + b_dst_gate
    m = e_src[src] + e_dst[dst] + (edge_feats @ W_edge_gate + b_edge_gate)
    sigma = jax.nn.sigmoid(m)
    Bh = node_feats @ W_dst_update + b_dst_update
    sum_sigma_h = jax.ops.segment_sum(Bh[src] * sigma, dst, num_segments=N)
    sum_sigma = jax.ops.segment_sum(sigma, dst, num_segments=N)
    h = sum_sigma_h / (sum_sigma + 1e-6)
    x = node_feats @ W_src_update + b_src_update + h
    x = _silu(_bn(x, gamma_nodes, beta_nodes))
    y = _silu(_bn(m, gamma_edges, beta_edges))
    x = node_feats + x
    y = edge_feats + y
    return (x, y)

if __name__ == "__main__":
    import jax
    _d = setup_inputs()
    print(jax.jit(kernel)(*tuple(_d.values())))

</pallas_src>

<mosaic_0001>
#map = affine_map<(d0, d1) -> (0, 0, 0)>
#map1 = affine_map<(d0, d1) -> (0)>
#map2 = affine_map<(d0, d1) -> (0, 0)>
module attributes {stable_mosaic.version = 14 : i64} {
  func.func @sk(%arg0: i32, %arg1: i32, %arg2: memref<2x320000x128xf32, #tpu.memory_space<hbm>>, %arg3: memref<320000xi32, #tpu.memory_space<hbm>>, %arg4: memref<10000x128xf32, #tpu.memory_space<hbm>>, %arg5: memref<2x10000x128xf32, #tpu.memory_space<hbm>>, %arg6: memref<160x128xf32, #tpu.memory_space<vmem>>, %arg7: memref<160x128xf32, #tpu.memory_space<vmem>>, %arg8: memref<10000x128xf32, #tpu.memory_space<vmem_shared>>, %arg9: memref<80xi32, #tpu.memory_space<vmem>>, %arg10: memref<80xi32, #tpu.memory_space<vmem>>, %arg11: memref<80xi32, #tpu.memory_space<vmem>>, %arg12: memref<80xi32, #tpu.memory_space<vmem>>, %arg13: memref<!tpu.dma_semaphore, #tpu.memory_space<semaphore_mem>>, %arg14: memref<!tpu.dma_semaphore, #tpu.memory_space<semaphore_mem>>, %arg15: memref<!tpu.dma_semaphore, #tpu.memory_space<semaphore_mem>>, %arg16: memref<!tpu.dma_semaphore, #tpu.memory_space<semaphore_mem>>) attributes {dimension_semantics = [#tpu.dimension_semantics<core_parallel>, #tpu.dimension_semantics<subcore_parallel>], iteration_bounds = array<i64: 2, 16>, scalar_prefetch = 0 : i64, scratch_operands = 11 : i64, tpu.core_type = #tpu.core_type<sc_vector_subcore>, window_params = [{transform_indices = #map}, {transform_indices = #map1}, {transform_indices = #map2}, {transform_indices = #map}]} {
    %mul3A = arith.constant 624 : i32
    %mul3A_0 = arith.muli %arg1, %mul3A : i32
    "tpu.region"() ({
      %run_scoped3A = tpu.sem_alloc : memref<!tpu.dma_semaphore, #tpu.memory_space<semaphore_mem>>
      %dma_start3A_75 = arith.constant 0 : i32
      %dma_start3A_76 = tpu.memref_slice %arg8[%mul3A_0, %dma_start3A_75] : memref<10000x128xf32, #tpu.memory_space<vmem_shared>> -> memref<624x128xf32, #tpu.memory_space<vmem_shared>>
      %dma_start3A_77 = arith.constant 0 : i32
      %dma_start3A_78 = tpu.memref_slice %arg4[%mul3A_0, %dma_start3A_77] : memref<10000x128xf32, #tpu.memory_space<hbm>> -> memref<624x128xf32, #tpu.memory_space<hbm>>
      tpu.enqueue_dma source(%dma_start3A_78 : memref<624x128xf32, #tpu.memory_space<hbm>>) target(%dma_start3A_76 : memref<624x128xf32, #tpu.memory_space<vmem_shared>>) target_semaphore(%run_scoped3A : memref<!tpu.dma_semaphore, #tpu.memory_space<semaphore_mem>>)
      %dma_wait3A_79 = arith.constant 0 : i32
      %dma_wait3A_80 = tpu.memref_slice %arg8[%mul3A_0, %dma_wait3A_79] : memref<10000x128xf32, #tpu.memory_space<vmem_shared>> -> memref<624x128xf32, #tpu.memory_space<vmem_shared>>
      %dma_wait3A_81 = arith.constant 0 : i32
      %dma_wait3A_82 = tpu.memref_slice %arg4[%mul3A_0, %dma_wait3A_81] : memref<10000x128xf32, #tpu.memory_space<hbm>> -> memref<624x128xf32, #tpu.memory_space<hbm>>
      tpu.wait_dma2 semaphore(%run_scoped3A : memref<!tpu.dma_semaphore, #tpu.memory_space<semaphore_mem>>) src(%dma_wait3A_82 : memref<624x128xf32, #tpu.memory_space<hbm>>) dst(%dma_wait3A_80 : memref<624x128xf32, #tpu.memory_space<vmem_shared>>)
      tpu.yield
    }) : () -> ()
    %eq3A = arith.constant 15 : i32
    %eq3A_1 = arith.cmpi eq, %arg1, %eq3A : i32
    %convert_element_type3A = arith.extui %eq3A_1 : i1 to i32
    %cond3A = arith.constant 0 : i32
    %cond3A_2 = arith.cmpi ne, %convert_element_type3A, %cond3A : i32
    scf.if %cond3A_2 {
      "tpu.region"() ({
        %run_scoped3A = tpu.sem_alloc : memref<!tpu.dma_semaphore, #tpu.memory_space<semaphore_mem>>
        %dma_start3A_75 = arith.constant 9984 : i32
        %dma_start3A_76 = arith.constant 0 : i32
        %dma_start3A_77 = tpu.memref_slice %arg8[%dma_start3A_75, %dma_start3A_76] : memref<10000x128xf32, #tpu.memory_space<vmem_shared>> -> memref<16x128xf32, #tpu.memory_space<vmem_shared>>
        %dma_start3A_78 = arith.constant 9984 : i32
        %dma_start3A_79 = arith.constant 0 : i32
        %dma_start3A_80 = tpu.memref_slice %arg4[%dma_start3A_78, %dma_start3A_79] : memref<10000x128xf32, #tpu.memory_space<hbm>> -> memref<16x128xf32, #tpu.memory_space<hbm>>
        tpu.enqueue_dma source(%dma_start3A_80 : memref<16x128xf32, #tpu.memory_space<hbm>>) target(%dma_start3A_77 : memref<16x128xf32, #tpu.memory_space<vmem_shared>>) target_semaphore(%run_scoped3A : memref<!tpu.dma_semaphore, #tpu.memory_space<semaphore_mem>>)
        %dma_wait3A_81 = arith.constant 9984 : i32
        %dma_wait3A_82 = arith.constant 0 : i32
        %dma_wait3A_83 = tpu.memref_slice %arg8[%dma_wait3A_81, %dma_wait3A_82] : memref<10000x128xf32, #tpu.memory_space<vmem_shared>> -> memref<16x128xf32, #tpu.memory_space<vmem_shared>>
        %dma_wait3A_84 = arith.constant 9984 : i32
        %dma_wait3A_85 = arith.constant 0 : i32
        %dma_wait3A_86 = tpu.memref_slice %arg4[%dma_wait3A_84, %dma_wait3A_85] : memref<10000x128xf32, #tpu.memory_space<hbm>> -> memref<16x128xf32, #tpu.memory_space<hbm>>
        tpu.wait_dma2 semaphore(%run_scoped3A : memref<!tpu.dma_semaphore, #tpu.memory_space<semaphore_mem>>) src(%dma_wait3A_86 : memref<16x128xf32, #tpu.memory_space<hbm>>) dst(%dma_wait3A_83 : memref<16x128xf32, #tpu.memory_space<vmem_shared>>)
        tpu.yield
      }) : () -> ()
    } else {
    }
    %barrier3A = arith.constant 0 : index
    tpu.barrier barrier_id(%barrier3A)
    %mul3A_3 = arith.constant 20000 : i32
    %mul3A_4 = arith.muli %arg1, %mul3A_3 : i32
    %add3A = arith.constant 0 : i32
    %add3A_5 = arith.addi %mul3A_4, %add3A : i32
    %dma_start3A = arith.constant 0 : i32
    %dma_start3A_6 = tpu.memref_slice %arg2[%arg0, %add3A_5, %dma_start3A] : memref<2x320000x128xf32, #tpu.memory_space<hbm>> -> memref<1x160x128xf32, #tpu.memory_space<hbm>>
    %dma_start3A_7 = tpu.memref_squeeze %dma_start3A_6 : memref<1x160x128xf32, #tpu.memory_space<hbm>> -> memref<160x128xf32, #tpu.memory_space<hbm>>
    %dma_start3A_8 = arith.constant 0 : i32
    %dma_start3A_9 = tpu.memref_slice %arg2[%arg0, %add3A_5, %dma_start3A_8] : memref<2x320000x128xf32, #tpu.memory_space<hbm>> -> memref<1x160x128xf32, #tpu.memory_space<hbm>>
    %dma_start3A_10 = tpu.memref_squeeze %dma_start3A_9 : memref<1x160x128xf32, #tpu.memory_space<hbm>> -> memref<160x128xf32, #tpu.memory_space<hbm>>
    tpu.enqueue_dma source(%dma_start3A_10 : memref<160x128xf32, #tpu.memory_space<hbm>>) target(%arg6 : memref<160x128xf32, #tpu.memory_space<vmem>>) target_semaphore(%arg13 : memref<!tpu.dma_semaphore, #tpu.memory_space<semaphore_mem>>)
    %add3A_11 = arith.constant 0 : i32
    %add3A_12 = arith.addi %add3A_5, %add3A_11 : i32
    %dma_start3A_13 = tpu.memref_slice %arg3[%add3A_12] : memref<320000xi32, #tpu.memory_space<hbm>> -> memref<80xi32, #tpu.memory_space<hbm>>
    %dma_start3A_14 = tpu.memref_slice %arg3[%add3A_12] : memref<320000xi32, #tpu.memory_space<hbm>> -> memref<80xi32, #tpu.memory_space<hbm>>
    tpu.enqueue_dma source(%dma_start3A_14 : memref<80xi32, #tpu.memory_space<hbm>>) target(%arg9 : memref<80xi32, #tpu.memory_space<vmem>>) target_semaphore(%arg13 : memref<!tpu.dma_semaphore, #tpu.memory_space<semaphore_mem>>)
    %add3A_15 = arith.constant 80 : i32
    %add3A_16 = arith.addi %add3A_5, %add3A_15 : i32
    %dma_start3A_17 = tpu.memref_slice %arg3[%add3A_16] : memref<320000xi32, #tpu.memory_space<hbm>> -> memref<80xi32, #tpu.memory_space<hbm>>
    %dma_start3A_18 = tpu.memref_slice %arg3[%add3A_16] : memref<320000xi32, #tpu.memory_space<hbm>> -> memref<80xi32, #tpu.memory_space<hbm>>
    tpu.enqueue_dma source(%dma_start3A_18 : memref<80xi32, #tpu.memory_space<hbm>>) target(%arg10 : memref<80xi32, #tpu.memory_space<vmem>>) target_semaphore(%arg13 : memref<!tpu.dma_semaphore, #tpu.memory_space<semaphore_mem>>)
    %scan3A = arith.constant 0 : i32
    %scan3A_19 = arith.constant 0 : i32
    %scan3A_20 = arith.constant 62 : i32
    %scan3A_21 = arith.addi %scan3A_19, %scan3A_20 : i32
    %scan3A_22 = arith.constant 1 : i32
    scf.for %scan3A_75 = %scan3A_19 to %scan3A_21 step %scan3A_22  : i32 {
      %mul3A_76 = arith.constant 2 : i32
      %mul3A_77 = arith.muli %mul3A_76, %scan3A_75 : i32
      %add3A_78 = arith.constant 1 : i32
      %add3A_79 = arith.addi %mul3A_77, %add3A_78 : i32
      %mul3A_80 = arith.constant 2 : i32
      %mul3A_81 = arith.muli %mul3A_80, %scan3A_75 : i32
      %add3A_82 = arith.constant 2 : i32
      %add3A_83 = arith.addi %mul3A_81, %add3A_82 : i32
      %gt3A = arith.constant 0 : i32
      %gt3A_84 = arith.cmpi sgt, %scan3A_75, %gt3A : i32
      %convert_element_type3A_85 = arith.extui %gt3A_84 : i1 to i32
      %cond3A_86 = arith.constant 0 : i32
      %cond3A_87 = arith.cmpi ne, %convert_element_type3A_85, %cond3A_86 : i32
      scf.if %cond3A_87 {
        %dma_wait3A_178 = arith.constant 0 : i32
        %dma_wait3A_179 = arith.constant 0 : i32
        %dma_wait3A_180 = tpu.memref_slice %arg7[%dma_wait3A_178, %dma_wait3A_179] : memref<160x128xf32, #tpu.memory_space<vmem>> -> memref<80x128xf32, #tpu.memory_space<vmem>>
        %dma_wait3A_181 = arith.constant 0 : i32
        %dma_wait3A_182 = arith.constant 0 : i32
        %dma_wait3A_183 = tpu.memref_slice %arg8[%dma_wait3A_181, %dma_wait3A_182] : memref<10000x128xf32, #tpu.memory_space<vmem_shared>> -> memref<10000x128xf32, #tpu.memory_space<vmem_shared>>
        tpu.wait_indirect_dma semaphore(%arg16 : memref<!tpu.dma_semaphore, #tpu.memory_space<semaphore_mem>>) src(%dma_wait3A_180 : memref<80x128xf32, #tpu.memory_space<vmem>>) dst(%dma_wait3A_183 : memref<10000x128xf32, #tpu.memory_space<vmem_shared>>)
        %dma_wait3A_184 = arith.constant 80 : i32
        %dma_wait3A_185 = arith.constant 0 : i32
        %dma_wait3A_186 = tpu.memref_slice %arg7[%dma_wait3A_184, %dma_wait3A_185] : memref<160x128xf32, #tpu.memory_space<vmem>> -> memref<80x128xf32, #tpu.memory_space<vmem>>
        %dma_wait3A_187 = arith.constant 0 : i32
        %dma_wait3A_188 = arith.constant 0 : i32
        %dma_wait3A_189 = tpu.memref_slice %arg8[%dma_wait3A_187, %dma_wait3A_188] : memref<10000x128xf32, #tpu.memory_space<vmem_shared>> -> memref<10000x128xf32, #tpu.memory_space<vmem_shared>>
        tpu.wait_indirect_dma semaphore(%arg16 : memref<!tpu.dma_semaphore, #tpu.memory_space<semaphore_mem>>) src(%dma_wait3A_186 : memref<80x128xf32, #tpu.memory_space<vmem>>) dst(%dma_wait3A_189 : memref<10000x128xf32, #tpu.memory_space<vmem_shared>>)
      } else {
      }
      %mul3A_88 = arith.constant 160 : i32
      %mul3A_89 = arith.muli %add3A_79, %mul3A_88 : i32
      %add3A_90 = arith.addi %mul3A_4, %mul3A_89 : i32
      %dma_start3A_91 = arith.constant 0 : i32
      %dma_start3A_92 = tpu.memref_slice %arg2[%arg0, %add3A_90, %dma_start3A_91] : memref<2x320000x128xf32, #tpu.memory_space<hbm>> -> memref<1x160x128xf32, #tpu.memory_space<hbm>>
      %dma_start3A_93 = tpu.memref_squeeze %dma_start3A_92 : memref<1x160x128xf32, #tpu.memory_space<hbm>> -> memref<160x128xf32, #tpu.memory_space<hbm>>
      %dma_start3A_94 = arith.constant 0 : i32
      %dma_start3A_95 = tpu.memref_slice %arg2[%arg0, %add3A_90, %dma_start3A_94] : memref<2x320000x128xf32, #tpu.memory_space<hbm>> -> memref<1x160x128xf32, #tpu.memory_space<hbm>>
      %dma_start3A_96 = tpu.memref_squeeze %dma_start3A_95 : memref<1x160x128xf32, #tpu.memory_space<hbm>> -> memref<160x128xf32, #tpu.memory_space<hbm>>
      tpu.enqueue_dma source(%dma_start3A_96 : memref<160x128xf32, #tpu.memory_space<hbm>>) target(%arg7 : memref<160x128xf32, #tpu.memory_space<vmem>>) target_semaphore(%arg14 : memref<!tpu.dma_semaphore, #tpu.memory_space<semaphore_mem>>)
      %add3A_97 = arith.constant 0 : i32
      %add3A_98 = arith.addi %add3A_90, %add3A_97 : i32
      %dma_start3A_99 = tpu.memref_slice %arg3[%add3A_98] : memref<320000xi32, #tpu.memory_space<hbm>> -> memref<80xi32, #tpu.memory_space<hbm>>
      %dma_start3A_100 = tpu.memref_slice %arg3[%add3A_98] : memref<320000xi32, #tpu.memory_space<hbm>> -> memref<80xi32, #tpu.memory_space<hbm>>
      tpu.enqueue_dma source(%dma_start3A_100 : memref<80xi32, #tpu.memory_space<hbm>>) target(%arg11 : memref<80xi32, #tpu.memory_space<vmem>>) target_semaphore(%arg14 : memref<!tpu.dma_semaphore, #tpu.memory_space<semaphore_mem>>)
      %add3A_101 = arith.constant 80 : i32
      %add3A_102 = arith.addi %add3A_90, %add3A_101 : i32
      %dma_start3A_103 = tpu.memref_slice %arg3[%add3A_102] : memref<320000xi32, #tpu.memory_space<hbm>> -> memref<80xi32, #tpu.memory_space<hbm>>
      %dma_start3A_104 = tpu.memref_slice %arg3[%add3A_102] : memref<320000xi32, #tpu.memory_space<hbm>> -> memref<80xi32, #tpu.memory_space<hbm>>
      tpu.enqueue_dma source(%dma_start3A_104 : memref<80xi32, #tpu.memory_space<hbm>>) target(%arg12 : memref<80xi32, #tpu.memory_space<vmem>>) target_semaphore(%arg14 : memref<!tpu.dma_semaphore, #tpu.memory_space<semaphore_mem>>)
      %dma_wait3A_105 = arith.constant 0 : i32
      %dma_wait3A_106 = tpu.memref_slice %arg2[%arg0, %mul3A_4, %dma_wait3A_105] : memref<2x320000x128xf32, #tpu.memory_space<hbm>> -> memref<1x160x128xf32, #tpu.memory_space<hbm>>
      %dma_wait3A_107 = tpu.memref_squeeze %dma_wait3A_106 : memref<1x160x128xf32, #tpu.memory_space<hbm>> -> memref<160x128xf32, #tpu.memory_space<hbm>>
      %dma_wait3A_108 = arith.constant 0 : i32
      %dma_wait3A_109 = tpu.memref_slice %arg2[%arg0, %mul3A_4, %dma_wait3A_108] : memref<2x320000x128xf32, #tpu.memory_space<hbm>> -> memref<1x160x128xf32, #tpu.memory_space<hbm>>
      %dma_wait3A_110 = tpu.memref_squeeze %dma_wait3A_109 : memref<1x160x128xf32, #tpu.memory_space<hbm>> -> memref<160x128xf32, #tpu.memory_space<hbm>>
      tpu.wait_dma2 semaphore(%arg13 : memref<!tpu.dma_semaphore, #tpu.memory_space<semaphore_mem>>) src(%dma_wait3A_110 : memref<160x128xf32, #tpu.memory_space<hbm>>) dst(%arg6 : memref<160x128xf32, #tpu.memory_space<vmem>>)
      %dma_wait3A_111 = tpu.memref_slice %arg3[%mul3A_4] : memref<320000xi32, #tpu.memory_space<hbm>> -> memref<80xi32, #tpu.memory_space<hbm>>
      %dma_wait3A_112 = tpu.memref_slice %arg3[%mul3A_4] : memref<320000xi32, #tpu.memory_space<hbm>> -> memref<80xi32, #tpu.memory_space<hbm>>
      tpu.wait_dma2 semaphore(%arg13 : memref<!tpu.dma_semaphore, #tpu.memory_space<semaphore_mem>>) src(%dma_wait3A_112 : memref<80xi32, #tpu.memory_space<hbm>>) dst(%arg9 : memref<80xi32, #tpu.memory_space<vmem>>)
      %dma_wait3A_113 = tpu.memref_slice %arg3[%mul3A_4] : memref<320000xi32, #tpu.memory_space<hbm>> -> memref<80xi32, #tpu.memory_space<hbm>>
      %dma_wait3A_114 = tpu.memref_slice %arg3[%mul3A_4] : memref<320000xi32, #tpu.memory_space<hbm>> -> memref<80xi32, #tpu.memory_space<hbm>>
      tpu.wait_dma2 semaphore(%arg13 : memref<!tpu.dma_semaphore, #tpu.memory_space<semaphore_mem>>) src(%dma_wait3A_114 : memref<80xi32, #tpu.memory_space<hbm>>) dst(%arg10 : memref<80xi32, #tpu.memory_space<vmem>>)
      %dma_start3A_115 = arith.constant 0 : i32
      %dma_start3A_116 = arith.constant 0 : i32
      %dma_start3A_117 = tpu.memref_slice %arg6[%dma_start3A_115, %dma_start3A_116] : memref<160x128xf32, #tpu.memory_space<vmem>> -> memref<80x128xf32, #tpu.memory_space<vmem>>
      %dma_start3A_118 = arith.constant 0 : i32
      %dma_start3A_119 = arith.constant 0 : i32
      %dma_start3A_120 = tpu.memref_slice %arg8[%dma_start3A_118, %dma_start3A_119] : memref<10000x128xf32, #tpu.memory_space<vmem_shared>> -> memref<10000x128xf32, #tpu.memory_space<vmem_shared>>
      tpu.enqueue_indirect_dma source(%dma_start3A_117 : memref<80x128xf32, #tpu.memory_space<vmem>>) target(%dma_start3A_120 : memref<10000x128xf32, #tpu.memory_space<vmem_shared>>) offsets(%arg9 : memref<80xi32, #tpu.memory_space<vmem>>) semaphore(%arg15 : memref<!tpu.dma_semaphore, #tpu.memory_space<semaphore_mem>>) {add = true}
      %dma_start3A_121 = arith.constant 80 : i32
      %dma_start3A_122 = arith.constant 0 : i32
      %dma_start3A_123 = tpu.memref_slice %arg6[%dma_start3A_121, %dma_start3A_122] : memref<160x128xf32, #tpu.memory_space<vmem>> -> memref<80x128xf32, #tpu.memory_space<vmem>>
      %dma_start3A_124 = arith.constant 0 : i32
      %dma_start3A_125 = arith.constant 0 : i32
      %dma_start3A_126 = tpu.memref_slice %arg8[%dma_start3A_124, %dma_start3A_125] : memref<10000x128xf32, #tpu.memory_space<vmem_shared>> -> memref<10000x128xf32, #tpu.memory_space<vmem_shared>>
      tpu.enqueue_indirect_dma source(%dma_start3A_123 : memref<80x128xf32, #tpu.memory_space<vmem>>) target(%dma_start3A_126 : memref<10000x128xf32, #tpu.memory_space<vmem_shared>>) offsets(%arg10 : memref<80xi32, #tpu.memory_space<vmem>>) semaphore(%arg15 : memref<!tpu.dma_semaphore, #tpu.memory_space<semaphore_mem>>) {add = true}
      %dma_wait3A_127 = arith.constant 0 : i32
      %dma_wait3A_128 = arith.constant 0 : i32
      %dma_wait3A_129 = tpu.memref_slice %arg6[%dma_wait3A_127, %dma_wait3A_128] : memref<160x128xf32, #tpu.memory_space<vmem>> -> memref<80x128xf32, #tpu.memory_space<vmem>>
      %dma_wait3A_130 = arith.constant 0 : i32
      %dma_wait3A_131 = arith.constant 0 : i32
      %dma_wait3A_132 = tpu.memref_slice %arg8[%dma_wait3A_130, %dma_wait3A_131] : memref<10000x128xf32, #tpu.memory_space<vmem_shared>> -> memref<10000x128xf32, #tpu.memory_space<vmem_shared>>
      tpu.wait_indirect_dma semaphore(%arg15 : memref<!tpu.dma_semaphore, #tpu.memory_space<semaphore_mem>>) src(%dma_wait3A_129 : memref<80x128xf32, #tpu.memory_space<vmem>>) dst(%dma_wait3A_132 : memref<10000x128xf32, #tpu.memory_space<vmem_shared>>)
      %dma_wait3A_133 = arith.constant 80 : i32
      %dma_wait3A_134 = arith.constant 0 : i32
      %dma_wait3A_135 = tpu.memref_slice %arg6[%dma_wait3A_133, %dma_wait3A_134] : memref<160x128xf32, #tpu.memory_space<vmem>> -> memref<80x128xf32, #tpu.memory_space<vmem>>
      %dma_wait3A_136 = arith.constant 0 : i32
      %dma_wait3A_137 = arith.constant 0 : i32
      %dma_wait3A_138 = tpu.memref_slice %arg8[%dma_wait3A_136, %dma_wait3A_137] : memref<10000x128xf32, #tpu.memory_space<vmem_shared>> -> memref<10000x128xf32, #tpu.memory_space<vmem_shared>>
      tpu.wait_indirect_dma semaphore(%arg15 : memref<!tpu.dma_semaphore, #tpu.memory_space<semaphore_mem>>) src(%dma_wait3A_135 : memref<80x128xf32, #tpu.memory_space<vmem>>) dst(%dma_wait3A_138 : memref<10000x128xf32, #tpu.memory_space<vmem_shared>>)
      %mul3A_139 = arith.constant 160 : i32
      %mul3A_140 = arith.muli %add3A_83, %mul3A_139 : i32
      %add3A_141 = arith.addi %mul3A_4, %mul3A_140 : i32
      %dma_start3A_142 = arith.constant 0 : i32
      %dma_start3A_143 = tpu.memref_slice %arg2[%arg0, %add3A_141, %dma_start3A_142] : memref<2x320000x128xf32, #tpu.memory_space<hbm>> -> memref<1x160x128xf32, #tpu.memory_space<hbm>>
      %dma_start3A_144 = tpu.memref_squeeze %dma_start3A_143 : memref<1x160x128xf32, #tpu.memory_space<hbm>> -> memref<160x128xf32, #tpu.memory_space<hbm>>
      %dma_start3A_145 = arith.constant 0 : i32
      %dma_start3A_146 = tpu.memref_slice %arg2[%arg0, %add3A_141, %dma_start3A_145] : memref<2x320000x128xf32, #tpu.memory_space<hbm>> -> memref<1x160x128xf32, #tpu.memory_space<hbm>>
      %dma_start3A_147 = tpu.memref_squeeze %dma_start3A_146 : memref<1x160x128xf32, #tpu.memory_space<hbm>> -> memref<160x128xf32, #tpu.memory_space<hbm>>
      tpu.enqueue_dma source(%dma_start3A_147 : memref<160x128xf32, #tpu.memory_space<hbm>>) target(%arg6 : memref<160x128xf32, #tpu.memory_space<vmem>>) target_semaphore(%arg13 : memref<!tpu.dma_semaphore, #tpu.memory_space<semaphore_mem>>)
      %add3A_148 = arith.constant 0 : i32
      %add3A_149 = arith.addi %add3A_141, %add3A_148 : i32
      %dma_start3A_150 = tpu.memref_slice %arg3[%add3A_149] : memref<320000xi32, #tpu.memory_space<hbm>> -> memref<80xi32, #tpu.memory_space<hbm>>
      %dma_start3A_151 = tpu.memref_slice %arg3[%add3A_149] : memref<320000xi32, #tpu.memory_space<hbm>> -> memref<80xi32, #tpu.memory_space<hbm>>
      tpu.enqueue_dma source(%dma_start3A_151 : memref<80xi32, #tpu.memory_space<hbm>>) target(%arg9 : memref<80xi32, #tpu.memory_space<vmem>>) target_semaphore(%arg13 : memref<!tpu.dma_semaphore, #tpu.memory_space<semaphore_mem>>)
      %add3A_152 = arith.constant 80 : i32
      %add3A_153 = arith.addi %add3A_141, %add3A_152 : i32
      %dma_start3A_154 = tpu.memref_slice %arg3[%add3A_153] : memref<320000xi32, #tpu.memory_space<hbm>> -> memref<80xi32, #tpu.memory_space<hbm>>
      %dma_start3A_155 = tpu.memref_slice %arg3[%add3A_153] : memref<320000xi32, #tpu.memory_space<hbm>> -> memref<80xi32, #tpu.memory_space<hbm>>
      tpu.enqueue_dma source(%dma_start3A_155 : memref<80xi32, #tpu.memory_space<hbm>>) target(%arg10 : memref<80xi32, #tpu.memory_space<vmem>>) target_semaphore(%arg13 : memref<!tpu.dma_semaphore, #tpu.memory_space<semaphore_mem>>)
      %dma_wait3A_156 = arith.constant 0 : i32
      %dma_wait3A_157 = tpu.memref_slice %arg2[%arg0, %mul3A_4, %dma_wait3A_156] : memref<2x320000x128xf32, #tpu.memory_space<hbm>> -> memref<1x160x128xf32, #tpu.memory_space<hbm>>
      %dma_wait3A_158 = tpu.memref_squeeze %dma_wait3A_157 : memref<1x160x128xf32, #tpu.memory_space<hbm>> -> memref<160x128xf32, #tpu.memory_space<hbm>>
      %dma_wait3A_159 = arith.constant 0 : i32
      %dma_wait3A_160 = tpu.memref_slice %arg2[%arg0, %mul3A_4, %dma_wait3A_159] : memref<2x320000x128xf32, #tpu.memory_space<hbm>> -> memref<1x160x128xf32, #tpu.memory_space<hbm>>
      %dma_wait3A_161 = tpu.memref_squeeze %dma_wait3A_160 : memref<1x160x128xf32, #tpu.memory_space<hbm>> -> memref<160x128xf32, #tpu.memory_space<hbm>>
      tpu.wait_dma2 semaphore(%arg14 : memref<!tpu.dma_semaphore, #tpu.memory_space<semaphore_mem>>) src(%dma_wait3A_161 : memref<160x128xf32, #tpu.memory_space<hbm>>) dst(%arg7 : memref<160x128xf32, #tpu.memory_space<vmem>>)
      %dma_wait3A_162 = tpu.memref_slice %arg3[%mul3A_4] : memref<320000xi32, #tpu.memory_space<hbm>> -> memref<80xi32, #tpu.memory_space<hbm>>
      %dma_wait3A_163 = tpu.memref_slice %arg3[%mul3A_4] : memref<320000xi32, #tpu.memory_space<hbm>> -> memref<80xi32, #tpu.memory_space<hbm>>
      tpu.wait_dma2 semaphore(%arg14 : memref<!tpu.dma_semaphore, #tpu.memory_space<semaphore_mem>>) src(%dma_wait3A_163 : memref<80xi32, #tpu.memory_space<hbm>>) dst(%arg11 : memref<80xi32, #tpu.memory_space<vmem>>)
      %dma_wait3A_164 = tpu.memref_slice %arg3[%mul3A_4] : memref<320000xi32, #tpu.memory_space<hbm>> -> memref<80xi32, #tpu.memory_space<hbm>>
      %dma_wait3A_165 = tpu.memref_slice %arg3[%mul3A_4] : memref<320000xi32, #tpu.memory_space<hbm>> -> memref<80xi32, #tpu.memory_space<hbm>>
      tpu.wait_dma2 semaphore(%arg14 : memref<!tpu.dma_semaphore, #tpu.memory_space<semaphore_mem>>) src(%dma_wait3A_165 : memref<80xi32, #tpu.memory_space<hbm>>) dst(%arg12 : memref<80xi32, #tpu.memory_space<vmem>>)
      %dma_start3A_166 = arith.constant 0 : i32
      %dma_start3A_167 = arith.constant 0 : i32
      %dma_start3A_168 = tpu.memref_slice %arg7[%dma_start3A_166, %dma_start3A_167] : memref<160x128xf32, #tpu.memory_space<vmem>> -> memref<80x128xf32, #tpu.memory_space<vmem>>
      %dma_start3A_169 = arith.constant 0 : i32
      %dma_start3A_170 = arith.constant 0 : i32
      %dma_start3A_171 = tpu.memref_slice %arg8[%dma_start3A_169, %dma_start3A_170] : memref<10000x128xf32, #tpu.memory_space<vmem_shared>> -> memref<10000x128xf32, #tpu.memory_space<vmem_shared>>
      tpu.enqueue_indirect_dma source(%dma_start3A_168 : memref<80x128xf32, #tpu.memory_space<vmem>>) target(%dma_start3A_171 : memref<10000x128xf32, #tpu.memory_space<vmem_shared>>) offsets(%arg11 : memref<80xi32, #tpu.memory_space<vmem>>) semaphore(%arg16 : memref<!tpu.dma_semaphore, #tpu.memory_space<semaphore_mem>>) {add = true}
      %dma_start3A_172 = arith.constant 80 : i32
      %dma_start3A_173 = arith.constant 0 : i32
      %dma_start3A_174 = tpu.memref_slice %arg7[%dma_start3A_172, %dma_start3A_173] : memref<160x128xf32, #tpu.memory_space<vmem>> -> memref<80x128xf32, #tpu.memory_space<vmem>>
      %dma_start3A_175 = arith.constant 0 : i32
      %dma_start3A_176 = arith.constant 0 : i32
      %dma_start3A_177 = tpu.memref_slice %arg8[%dma_start3A_175, %dma_start3A_176] : memref<10000x128xf32, #tpu.memory_space<vmem_shared>> -> memref<10000x128xf32, #tpu.memory_space<vmem_shared>>
      tpu.enqueue_indirect_dma source(%dma_start3A_174 : memref<80x128xf32, #tpu.memory_space<vmem>>) target(%dma_start3A_177 : memref<10000x128xf32, #tpu.memory_space<vmem_shared>>) offsets(%arg12 : memref<80xi32, #tpu.memory_space<vmem>>) semaphore(%arg16 : memref<!tpu.dma_semaphore, #tpu.memory_space<semaphore_mem>>) {add = true}
    }
    %scan3A_23 = arith.constant 62 : i32
    %dma_wait3A = arith.constant 0 : i32
    %dma_wait3A_24 = tpu.memref_slice %arg2[%arg0, %mul3A_4, %dma_wait3A] : memref<2x320000x128xf32, #tpu.memory_space<hbm>> -> memref<1x160x128xf32, #tpu.memory_space<hbm>>
    %dma_wait3A_25 = tpu.memref_squeeze %dma_wait3A_24 : memref<1x160x128xf32, #tpu.memory_space<hbm>> -> memref<160x128xf32, #tpu.memory_space<hbm>>
    %dma_wait3A_26 = arith.constant 0 : i32
    %dma_wait3A_27 = tpu.memref_slice %arg2[%arg0, %mul3A_4, %dma_wait3A_26] : memref<2x320000x128xf32, #tpu.memory_space<hbm>> -> memref<1x160x128xf32, #tpu.memory_space<hbm>>
    %dma_wait3A_28 = tpu.memref_squeeze %dma_wait3A_27 : memref<1x160x128xf32, #tpu.memory_space<hbm>> -> memref<160x128xf32, #tpu.memory_space<hbm>>
    tpu.wait_dma2 semaphore(%arg13 : memref<!tpu.dma_semaphore, #tpu.memory_space<semaphore_mem>>) src(%dma_wait3A_28 : memref<160x128xf32, #tpu.memory_space<hbm>>) dst(%arg6 : memref<160x128xf32, #tpu.memory_space<vmem>>)
    %dma_wait3A_29 = tpu.memref_slice %arg3[%mul3A_4] : memref<320000xi32, #tpu.memory_space<hbm>> -> memref<80xi32, #tpu.memory_space<hbm>>
    %dma_wait3A_30 = tpu.memref_slice %arg3[%mul3A_4] : memref<320000xi32, #tpu.memory_space<hbm>> -> memref<80xi32, #tpu.memory_space<hbm>>
    tpu.wait_dma2 semaphore(%arg13 : memref<!tpu.dma_semaphore, #tpu.memory_space<semaphore_mem>>) src(%dma_wait3A_30 : memref<80xi32, #tpu.memory_space<hbm>>) dst(%arg9 : memref<80xi32, #tpu.memory_space<vmem>>)
    %dma_wait3A_31 = tpu.memref_slice %arg3[%mul3A_4] : memref<320000xi32, #tpu.memory_space<hbm>> -> memref<80xi32, #tpu.memory_space<hbm>>
    %dma_wait3A_32 = tpu.memref_slice %arg3[%mul3A_4] : memref<320000xi32, #tpu.memory_space<hbm>> -> memref<80xi32, #tpu.memory_space<hbm>>
    tpu.wait_dma2 semaphore(%arg13 : memref<!tpu.dma_semaphore, #tpu.memory_space<semaphore_mem>>) src(%dma_wait3A_32 : memref<80xi32, #tpu.memory_space<hbm>>) dst(%arg10 : memref<80xi32, #tpu.memory_space<vmem>>)
    %dma_start3A_33 = arith.constant 0 : i32
    %dma_start3A_34 = arith.constant 0 : i32
    %dma_start3A_35 = tpu.memref_slice %arg6[%dma_start3A_33, %dma_start3A_34] : memref<160x128xf32, #tpu.memory_space<vmem>> -> memref<80x128xf32, #tpu.memory_space<vmem>>
    %dma_start3A_36 = arith.constant 0 : i32
    %dma_start3A_37 = arith.constant 0 : i32
    %dma_start3A_38 = tpu.memref_slice %arg8[%dma_start3A_36, %dma_start3A_37] : memref<10000x128xf32, #tpu.memory_space<vmem_shared>> -> memref<10000x128xf32, #tpu.memory_space<vmem_shared>>
    tpu.enqueue_indirect_dma source(%dma_start3A_35 : memref<80x128xf32, #tpu.memory_space<vmem>>) target(%dma_start3A_38 : memref<10000x128xf32, #tpu.memory_space<vmem_shared>>) offsets(%arg9 : memref<80xi32, #tpu.memory_space<vmem>>) semaphore(%arg15 : memref<!tpu.dma_semaphore, #tpu.memory_space<semaphore_mem>>) {add = true}
    %dma_start3A_39 = arith.constant 80 : i32
    %dma_start3A_40 = arith.constant 0 : i32
    %dma_start3A_41 = tpu.memref_slice %arg6[%dma_start3A_39, %dma_start3A_40] : memref<160x128xf32, #tpu.memory_space<vmem>> -> memref<80x128xf32, #tpu.memory_space<vmem>>
    %dma_start3A_42 = arith.constant 0 : i32
    %dma_start3A_43 = arith.constant 0 : i32
    %dma_start3A_44 = tpu.memref_slice %arg8[%dma_start3A_42, %dma_start3A_43] : memref<10000x128xf32, #tpu.memory_space<vmem_shared>> -> memref<10000x128xf32, #tpu.memory_space<vmem_shared>>
    tpu.enqueue_indirect_dma source(%dma_start3A_41 : memref<80x128xf32, #tpu.memory_space<vmem>>) target(%dma_start3A_44 : memref<10000x128xf32, #tpu.memory_space<vmem_shared>>) offsets(%arg10 : memref<80xi32, #tpu.memory_space<vmem>>) semaphore(%arg15 : memref<!tpu.dma_semaphore, #tpu.memory_space<semaphore_mem>>) {add = true}
    %dma_wait3A_45 = arith.constant 0 : i32
    %dma_wait3A_46 = arith.constant 0 : i32
    %dma_wait3A_47 = tpu.memref_slice %arg7[%dma_wait3A_45, %dma_wait3A_46] : memref<160x128xf32, #tpu.memory_space<vmem>> -> memref<80x128xf32, #tpu.memory_space<vmem>>
    %dma_wait3A_48 = arith.constant 0 : i32
    %dma_wait3A_49 = arith.constant 0 : i32
    %dma_wait3A_50 = tpu.memref_slice %arg8[%dma_wait3A_48, %dma_wait3A_49] : memref<10000x128xf32, #tpu.memory_space<vmem_shared>> -> memref<10000x128xf32, #tpu.memory_space<vmem_shared>>
    tpu.wait_indirect_dma semaphore(%arg16 : memref<!tpu.dma_semaphore, #tpu.memory_space<semaphore_mem>>) src(%dma_wait3A_47 : memref<80x128xf32, #tpu.memory_space<vmem>>) dst(%dma_wait3A_50 : memref<10000x128xf32, #tpu.memory_space<vmem_shared>>)
    %dma_wait3A_51 = arith.constant 80 : i32
    %dma_wait3A_52 = arith.constant 0 : i32
    %dma_wait3A_53 = tpu.memref_slice %arg7[%dma_wait3A_51, %dma_wait3A_52] : memref<160x128xf32, #tpu.memory_space<vmem>> -> memref<80x128xf32, #tpu.memory_space<vmem>>
    %dma_wait3A_54 = arith.constant 0 : i32
    %dma_wait3A_55 = arith.constant 0 : i32
    %dma_wait3A_56 = tpu.memref_slice %arg8[%dma_wait3A_54, %dma_wait3A_55] : memref<10000x128xf32, #tpu.memory_space<vmem_shared>> -> memref<10000x128xf32, #tpu.memory_space<vmem_shared>>
    tpu.wait_indirect_dma semaphore(%arg16 : memref<!tpu.dma_semaphore, #tpu.memory_space<semaphore_mem>>) src(%dma_wait3A_53 : memref<80x128xf32, #tpu.memory_space<vmem>>) dst(%dma_wait3A_56 : memref<10000x128xf32, #tpu.memory_space<vmem_shared>>)
    %dma_wait3A_57 = arith.constant 0 : i32
    %dma_wait3A_58 = arith.constant 0 : i32
    %dma_wait3A_59 = tpu.memref_slice %arg6[%dma_wait3A_57, %dma_wait3A_58] : memref<160x128xf32, #tpu.memory_space<vmem>> -> memref<80x128xf32, #tpu.memory_space<vmem>>
    %dma_wait3A_60 = arith.constant 0 : i32
    %dma_wait3A_61 = arith.constant 0 : i32
    %dma_wait3A_62 = tpu.memref_slice %arg8[%dma_wait3A_60, %dma_wait3A_61] : memref<10000x128xf32, #tpu.memory_space<vmem_shared>> -> memref<10000x128xf32, #tpu.memory_space<vmem_shared>>
    tpu.wait_indirect_dma semaphore(%arg15 : memref<!tpu.dma_semaphore, #tpu.memory_space<semaphore_mem>>) src(%dma_wait3A_59 : memref<80x128xf32, #tpu.memory_space<vmem>>) dst(%dma_wait3A_62 : memref<10000x128xf32, #tpu.memory_space<vmem_shared>>)
    %dma_wait3A_63 = arith.constant 80 : i32
    %dma_wait3A_64 = arith.constant 0 : i32
    %dma_wait3A_65 = tpu.memref_slice %arg6[%dma_wait3A_63, %dma_wait3A_64] : memref<160x128xf32, #tpu.memory_space<vmem>> -> memref<80x128xf32, #tpu.memory_space<vmem>>
    %dma_wait3A_66 = arith.constant 0 : i32
    %dma_wait3A_67 = arith.constant 0 : i32
    %dma_wait3A_68 = tpu.memref_slice %arg8[%dma_wait3A_66, %dma_wait3A_67] : memref<10000x128xf32, #tpu.memory_space<vmem_shared>> -> memref<10000x128xf32, #tpu.memory_space<vmem_shared>>
    tpu.wait_indirect_dma semaphore(%arg15 : memref<!tpu.dma_semaphore, #tpu.memory_space<semaphore_mem>>) src(%dma_wait3A_65 : memref<80x128xf32, #tpu.memory_space<vmem>>) dst(%dma_wait3A_68 : memref<10000x128xf32, #tpu.memory_space<vmem_shared>>)
    %barrier3A_69 = arith.constant 0 : index
    tpu.barrier barrier_id(%barrier3A_69)
    "tpu.region"() ({
      %run_scoped3A = tpu.sem_alloc : memref<!tpu.dma_semaphore, #tpu.memory_space<semaphore_mem>>
      %dma_start3A_75 = arith.constant 0 : i32
      %dma_start3A_76 = tpu.memref_slice %arg5[%arg0, %mul3A_0, %dma_start3A_75] : memref<2x10000x128xf32, #tpu.memory_space<hbm>> -> memref<1x624x128xf32, #tpu.memory_space<hbm>>
      %dma_start3A_77 = tpu.memref_squeeze %dma_start3A_76 : memref<1x624x128xf32, #tpu.memory_space<hbm>> -> memref<624x128xf32, #tpu.memory_space<hbm>>
      %dma_start3A_78 = arith.constant 0 : i32
      %dma_start3A_79 = tpu.memref_slice %arg8[%mul3A_0, %dma_start3A_78] : memref<10000x128xf32, #tpu.memory_space<vmem_shared>> -> memref<624x128xf32, #tpu.memory_space<vmem_shared>>
      tpu.enqueue_dma source(%dma_start3A_79 : memref<624x128xf32, #tpu.memory_space<vmem_shared>>) target(%dma_start3A_77 : memref<624x128xf32, #tpu.memory_space<hbm>>) target_semaphore(%run_scoped3A : memref<!tpu.dma_semaphore, #tpu.memory_space<semaphore_mem>>)
      %dma_wait3A_80 = arith.constant 0 : i32
      %dma_wait3A_81 = tpu.memref_slice %arg5[%arg0, %mul3A_0, %dma_wait3A_80] : memref<2x10000x128xf32, #tpu.memory_space<hbm>> -> memref<1x624x128xf32, #tpu.memory_space<hbm>>
      %dma_wait3A_82 = tpu.memref_squeeze %dma_wait3A_81 : memref<1x624x128xf32, #tpu.memory_space<hbm>> -> memref<624x128xf32, #tpu.memory_space<hbm>>
      %dma_wait3A_83 = arith.constant 0 : i32
      %dma_wait3A_84 = tpu.memref_slice %arg8[%mul3A_0, %dma_wait3A_83] : memref<10000x128xf32, #tpu.memory_space<vmem_shared>> -> memref<624x128xf32, #tpu.memory_space<vmem_shared>>
      tpu.wait_dma2 semaphore(%run_scoped3A : memref<!tpu.dma_semaphore, #tpu.memory_space<semaphore_mem>>) src(%dma_wait3A_84 : memref<624x128xf32, #tpu.memory_space<vmem_shared>>) dst(%dma_wait3A_82 : memref<624x128xf32, #tpu.memory_space<hbm>>)
      tpu.yield
    }) : () -> ()
    %eq3A_70 = arith.constant 15 : i32
    %eq3A_71 = arith.cmpi eq, %arg1, %eq3A_70 : i32
    %convert_element_type3A_72 = arith.extui %eq3A_71 : i1 to i32
    %cond3A_73 = arith.constant 0 : i32
    %cond3A_74 = arith.cmpi ne, %convert_element_type3A_72, %cond3A_73 : i32
    scf.if %cond3A_74 {
      "tpu.region"() ({
        %run_scoped3A = tpu.sem_alloc : memref<!tpu.dma_semaphore, #tpu.memory_space<semaphore_mem>>
        %dma_start3A_75 = arith.constant 9984 : i32
        %dma_start3A_76 = arith.constant 0 : i32
        %dma_start3A_77 = tpu.memref_slice %arg5[%arg0, %dma_start3A_75, %dma_start3A_76] : memref<2x10000x128xf32, #tpu.memory_space<hbm>> -> memref<1x16x128xf32, #tpu.memory_space<hbm>>
        %dma_start3A_78 = tpu.memref_squeeze %dma_start3A_77 : memref<1x16x128xf32, #tpu.memory_space<hbm>> -> memref<16x128xf32, #tpu.memory_space<hbm>>
        %dma_start3A_79 = arith.constant 9984 : i32
        %dma_start3A_80 = arith.constant 0 : i32
        %dma_start3A_81 = tpu.memref_slice %arg8[%dma_start3A_79, %dma_start3A_80] : memref<10000x128xf32, #tpu.memory_space<vmem_shared>> -> memref<16x128xf32, #tpu.memory_space<vmem_shared>>
        tpu.enqueue_dma source(%dma_start3A_81 : memref<16x128xf32, #tpu.memory_space<vmem_shared>>) target(%dma_start3A_78 : memref<16x128xf32, #tpu.memory_space<hbm>>) target_semaphore(%run_scoped3A : memref<!tpu.dma_semaphore, #tpu.memory_space<semaphore_mem>>)
        %dma_wait3A_82 = arith.constant 9984 : i32
        %dma_wait3A_83 = arith.constant 0 : i32
        %dma_wait3A_84 = tpu.memref_slice %arg5[%arg0, %dma_wait3A_82, %dma_wait3A_83] : memref<2x10000x128xf32, #tpu.memory_space<hbm>> -> memref<1x16x128xf32, #tpu.memory_space<hbm>>
        %dma_wait3A_85 = tpu.memref_squeeze %dma_wait3A_84 : memref<1x16x128xf32, #tpu.memory_space<hbm>> -> memref<16x128xf32, #tpu.memory_space<hbm>>
        %dma_wait3A_86 = arith.constant 9984 : i32
        %dma_wait3A_87 = arith.constant 0 : i32
        %dma_wait3A_88 = tpu.memref_slice %arg8[%dma_wait3A_86, %dma_wait3A_87] : memref<10000x128xf32, #tpu.memory_space<vmem_shared>> -> memref<16x128xf32, #tpu.memory_space<vmem_shared>>
        tpu.wait_dma2 semaphore(%run_scoped3A : memref<!tpu.dma_semaphore, #tpu.memory_space<semaphore_mem>>) src(%dma_wait3A_88 : memref<16x128xf32, #tpu.memory_space<vmem_shared>>) dst(%dma_wait3A_85 : memref<16x128xf32, #tpu.memory_space<hbm>>)
        tpu.yield
      }) : () -> ()
    } else {
    }
    return
  }
}

#map = affine_map<(d0, d1) -> (0, 0)>
#map1 = affine_map<(d0, d1) -> (0)>
module attributes {stable_mosaic.version = 14 : i64} {
  func.func @gk(%arg0: i32, %arg1: i32, %arg2: memref<10000x128xf32, #tpu.memory_space<hbm>>, %arg3: memref<10000x128xf32, #tpu.memory_space<hbm>>, %arg4: memref<320000xi32, #tpu.memory_space<hbm>>, %arg5: memref<320000xi32, #tpu.memory_space<hbm>>, %arg6: memref<320000x128xf32, #tpu.memory_space<hbm>>, %arg7: memref<320000x128xf32, #tpu.memory_space<hbm>>, %arg8: memref<10000xi32, #tpu.memory_space<vmem>>, %arg9: memref<400x128xf32, #tpu.memory_space<vmem>>, %arg10: memref<400x128xf32, #tpu.memory_space<vmem>>, %arg11: memref<!tpu.dma_semaphore, #tpu.memory_space<semaphore_mem>>, %arg12: memref<!tpu.dma_semaphore, #tpu.memory_space<semaphore_mem>>, %arg13: memref<!tpu.dma_semaphore, #tpu.memory_space<semaphore_mem>>, %arg14: memref<!tpu.dma_semaphore, #tpu.memory_space<semaphore_mem>>) attributes {dimension_semantics = [#tpu.dimension_semantics<core_parallel>, #tpu.dimension_semantics<subcore_parallel>], iteration_bounds = array<i64: 2, 16>, scalar_prefetch = 0 : i64, scratch_operands = 7 : i64, tpu.core_type = #tpu.core_type<sc_vector_subcore>, window_params = [{transform_indices = #map}, {transform_indices = #map}, {transform_indices = #map1}, {transform_indices = #map1}, {transform_indices = #map}, {transform_indices = #map}]} {
    %mul3A = arith.constant 2 : i32
    %mul3A_0 = arith.muli %arg1, %mul3A : i32
    %add3A = arith.addi %mul3A_0, %arg0 : i32
    %mul3A_1 = arith.constant 10000 : i32
    %mul3A_2 = arith.muli %add3A, %mul3A_1 : i32
    "tpu.region"() ({
      %run_scoped3A = tpu.sem_alloc : memref<!tpu.dma_semaphore, #tpu.memory_space<semaphore_mem>>
      %dma_start3A_200 = tpu.memref_slice %arg4[%mul3A_2] : memref<320000xi32, #tpu.memory_space<hbm>> -> memref<10000xi32, #tpu.memory_space<hbm>>
      %dma_start3A_201 = tpu.memref_slice %arg4[%mul3A_2] : memref<320000xi32, #tpu.memory_space<hbm>> -> memref<10000xi32, #tpu.memory_space<hbm>>
      tpu.enqueue_dma source(%dma_start3A_201 : memref<10000xi32, #tpu.memory_space<hbm>>) target(%arg8 : memref<10000xi32, #tpu.memory_space<vmem>>) target_semaphore(%run_scoped3A : memref<!tpu.dma_semaphore, #tpu.memory_space<semaphore_mem>>)
      %dma_wait3A_202 = tpu.memref_slice %arg4[%mul3A_2] : memref<320000xi32, #tpu.memory_space<hbm>> -> memref<10000xi32, #tpu.memory_space<hbm>>
      %dma_wait3A_203 = tpu.memref_slice %arg4[%mul3A_2] : memref<320000xi32, #tpu.memory_space<hbm>> -> memref<10000xi32, #tpu.memory_space<hbm>>
      tpu.wait_dma2 semaphore(%run_scoped3A : memref<!tpu.dma_semaphore, #tpu.memory_space<semaphore_mem>>) src(%dma_wait3A_203 : memref<10000xi32, #tpu.memory_space<hbm>>) dst(%arg8 : memref<10000xi32, #tpu.memory_space<vmem>>)
      tpu.yield
    }) : () -> ()
    %dma_start3A = arith.constant 0 : i32
    %dma_start3A_3 = arith.constant 0 : i32
    %dma_start3A_4 = tpu.memref_slice %arg9[%dma_start3A, %dma_start3A_3] : memref<400x128xf32, #tpu.memory_space<vmem>> -> memref<80x128xf32, #tpu.memory_space<vmem>>
    %dma_start3A_5 = arith.constant 0 : i32
    %dma_start3A_6 = tpu.memref_slice %arg8[%dma_start3A_5] : memref<10000xi32, #tpu.memory_space<vmem>> -> memref<80xi32, #tpu.memory_space<vmem>>
    %dma_start3A_7 = arith.constant 0 : i32
    %dma_start3A_8 = arith.constant 0 : i32
    %dma_start3A_9 = tpu.memref_slice %arg2[%dma_start3A_7, %dma_start3A_8] : memref<10000x128xf32, #tpu.memory_space<hbm>> -> memref<10000x128xf32, #tpu.memory_space<hbm>>
    tpu.enqueue_indirect_dma source(%dma_start3A_9 : memref<10000x128xf32, #tpu.memory_space<hbm>>) target(%dma_start3A_4 : memref<80x128xf32, #tpu.memory_space<vmem>>) offsets(%dma_start3A_6 : memref<80xi32, #tpu.memory_space<vmem>>) semaphore(%arg11 : memref<!tpu.dma_semaphore, #tpu.memory_space<semaphore_mem>>)
    %dma_start3A_10 = arith.constant 80 : i32
    %dma_start3A_11 = arith.constant 0 : i32
    %dma_start3A_12 = tpu.memref_slice %arg9[%dma_start3A_10, %dma_start3A_11] : memref<400x128xf32, #tpu.memory_space<vmem>> -> memref<80x128xf32, #tpu.memory_space<vmem>>
    %dma_start3A_13 = arith.constant 80 : i32
    %dma_start3A_14 = tpu.memref_slice %arg8[%dma_start3A_13] : memref<10000xi32, #tpu.memory_space<vmem>> -> memref<80xi32, #tpu.memory_space<vmem>>
    %dma_start3A_15 = arith.constant 0 : i32
    %dma_start3A_16 = arith.constant 0 : i32
    %dma_start3A_17 = tpu.memref_slice %arg2[%dma_start3A_15, %dma_start3A_16] : memref<10000x128xf32, #tpu.memory_space<hbm>> -> memref<10000x128xf32, #tpu.memory_space<hbm>>
    tpu.enqueue_indirect_dma source(%dma_start3A_17 : memref<10000x128xf32, #tpu.memory_space<hbm>>) target(%dma_start3A_12 : memref<80x128xf32, #tpu.memory_space<vmem>>) offsets(%dma_start3A_14 : memref<80xi32, #tpu.memory_space<vmem>>) semaphore(%arg11 : memref<!tpu.dma_semaphore, #tpu.memory_space<semaphore_mem>>)
    %dma_start3A_18 = arith.constant 160 : i32
    %dma_start3A_19 = arith.constant 0 : i32
    %dma_start3A_20 = tpu.memref_slice %arg9[%dma_start3A_18, %dma_start3A_19] : memref<400x128xf32, #tpu.memory_space<vmem>> -> memref<80x128xf32, #tpu.memory_space<vmem>>
    %dma_start3A_21 = arith.constant 160 : i32
    %dma_start3A_22 = tpu.memref_slice %arg8[%dma_start3A_21] : memref<10000xi32, #tpu.memory_space<vmem>> -> memref<80xi32, #tpu.memory_space<vmem>>
    %dma_start3A_23 = arith.constant 0 : i32
    %dma_start3A_24 = arith.constant 0 : i32
    %dma_start3A_25 = tpu.memref_slice %arg2[%dma_start3A_23, %dma_start3A_24] : memref<10000x128xf32, #tpu.memory_space<hbm>> -> memref<10000x128xf32, #tpu.memory_space<hbm>>
    tpu.enqueue_indirect_dma source(%dma_start3A_25 : memref<10000x128xf32, #tpu.memory_space<hbm>>) target(%dma_start3A_20 : memref<80x128xf32, #tpu.memory_space<vmem>>) offsets(%dma_start3A_22 : memref<80xi32, #tpu.memory_space<vmem>>) semaphore(%arg11 : memref<!tpu.dma_semaphore, #tpu.memory_space<semaphore_mem>>)
    %dma_start3A_26 = arith.constant 240 : i32
    %dma_start3A_27 = arith.constant 0 : i32
    %dma_start3A_28 = tpu.memref_slice %arg9[%dma_start3A_26, %dma_start3A_27] : memref<400x128xf32, #tpu.memory_space<vmem>> -> memref<80x128xf32, #tpu.memory_space<vmem>>
    %dma_start3A_29 = arith.constant 240 : i32
    %dma_start3A_30 = tpu.memref_slice %arg8[%dma_start3A_29] : memref<10000xi32, #tpu.memory_space<vmem>> -> memref<80xi32, #tpu.memory_space<vmem>>
    %dma_start3A_31 = arith.constant 0 : i32
    %dma_start3A_32 = arith.constant 0 : i32
    %dma_start3A_33 = tpu.memref_slice %arg2[%dma_start3A_31, %dma_start3A_32] : memref<10000x128xf32, #tpu.memory_space<hbm>> -> memref<10000x128xf32, #tpu.memory_space<hbm>>
    tpu.enqueue_indirect_dma source(%dma_start3A_33 : memref<10000x128xf32, #tpu.memory_space<hbm>>) target(%dma_start3A_28 : memref<80x128xf32, #tpu.memory_space<vmem>>) offsets(%dma_start3A_30 : memref<80xi32, #tpu.memory_space<vmem>>) semaphore(%arg11 : memref<!tpu.dma_semaphore, #tpu.memory_space<semaphore_mem>>)
    %dma_start3A_34 = arith.constant 320 : i32
    %dma_start3A_35 = arith.constant 0 : i32
    %dma_start3A_36 = tpu.memref_slice %arg9[%dma_start3A_34, %dma_start3A_35] : memref<400x128xf32, #tpu.memory_space<vmem>> -> memref<80x128xf32, #tpu.memory_space<vmem>>
    %dma_start3A_37 = arith.constant 320 : i32
    %dma_start3A_38 = tpu.memref_slice %arg8[%dma_start3A_37] : memref<10000xi32, #tpu.memory_space<vmem>> -> memref<80xi32, #tpu.memory_space<vmem>>
    %dma_start3A_39 = arith.constant 0 : i32
    %dma_start3A_40 = arith.constant 0 : i32
    %dma_start3A_41 = tpu.memref_slice %arg2[%dma_start3A_39, %dma_start3A_40] : memref<10000x128xf32, #tpu.memory_space<hbm>> -> memref<10000x128xf32, #tpu.memory_space<hbm>>
    tpu.enqueue_indirect_dma source(%dma_start3A_41 : memref<10000x128xf32, #tpu.memory_space<hbm>>) target(%dma_start3A_36 : memref<80x128xf32, #tpu.memory_space<vmem>>) offsets(%dma_start3A_38 : memref<80xi32, #tpu.memory_space<vmem>>) semaphore(%arg11 : memref<!tpu.dma_semaphore, #tpu.memory_space<semaphore_mem>>)
    %scan3A = arith.constant 0 : i32
    %scan3A_42 = arith.constant 0 : i32
    %scan3A_43 = arith.constant 12 : i32
    %scan3A_44 = arith.addi %scan3A_42, %scan3A_43 : i32
    %scan3A_45 = arith.constant 1 : i32
    scf.for %scan3A_200 = %scan3A_42 to %scan3A_44 step %scan3A_45  : i32 {
      %mul3A_201 = arith.constant 2 : i32
      %mul3A_202 = arith.muli %mul3A_201, %scan3A_200 : i32
      %add3A_203 = arith.constant 1 : i32
      %add3A_204 = arith.addi %mul3A_202, %add3A_203 : i32
      %mul3A_205 = arith.constant 2 : i32
      %mul3A_206 = arith.muli %mul3A_205, %scan3A_200 : i32
      %add3A_207 = arith.constant 2 : i32
      %add3A_208 = arith.addi %mul3A_206, %add3A_207 : i32
      %gt3A = arith.constant 0 : i32
      %gt3A_209 = arith.cmpi sgt, %scan3A_200, %gt3A : i32
      %convert_element_type3A = arith.extui %gt3A_209 : i1 to i32
      %cond3A = arith.constant 0 : i32
      %cond3A_210 = arith.cmpi ne, %convert_element_type3A, %cond3A : i32
      scf.if %cond3A_210 {
        %dma_wait3A_452 = arith.constant 0 : i32
        %dma_wait3A_453 = tpu.memref_slice %arg6[%mul3A_2, %dma_wait3A_452] : memref<320000x128xf32, #tpu.memory_space<hbm>> -> memref<400x128xf32, #tpu.memory_space<hbm>>
        %dma_wait3A_454 = arith.constant 0 : i32
        %dma_wait3A_455 = tpu.memref_slice %arg6[%mul3A_2, %dma_wait3A_454] : memref<320000x128xf32, #tpu.memory_space<hbm>> -> memref<400x128xf32, #tpu.memory_space<hbm>>
        tpu.wait_dma2 semaphore(%arg14 : memref<!tpu.dma_semaphore, #tpu.memory_space<semaphore_mem>>) src(%arg10 : memref<400x128xf32, #tpu.memory_space<vmem>>) dst(%dma_wait3A_455 : memref<400x128xf32, #tpu.memory_space<hbm>>)
      } else {
      }
      %mul3A_211 = arith.constant 400 : i32
      %mul3A_212 = arith.muli %add3A_204, %mul3A_211 : i32
      %add3A_213 = arith.constant 0 : i32
      %add3A_214 = arith.addi %mul3A_212, %add3A_213 : i32
      %dma_start3A_215 = arith.constant 0 : i32
      %dma_start3A_216 = arith.constant 0 : i32
      %dma_start3A_217 = tpu.memref_slice %arg10[%dma_start3A_215, %dma_start3A_216] : memref<400x128xf32, #tpu.memory_space<vmem>> -> memref<80x128xf32, #tpu.memory_space<vmem>>
      %dma_start3A_218 = tpu.memref_slice %arg8[%add3A_214] : memref<10000xi32, #tpu.memory_space<vmem>> -> memref<80xi32, #tpu.memory_space<vmem>>
      %dma_start3A_219 = arith.constant 0 : i32
      %dma_start3A_220 = arith.constant 0 : i32
      %dma_start3A_221 = tpu.memref_slice %arg2[%dma_start3A_219, %dma_start3A_220] : memref<10000x128xf32, #tpu.memory_space<hbm>> -> memref<10000x128xf32, #tpu.memory_space<hbm>>
      tpu.enqueue_indirect_dma source(%dma_start3A_221 : memref<10000x128xf32, #tpu.memory_space<hbm>>) target(%dma_start3A_217 : memref<80x128xf32, #tpu.memory_space<vmem>>) offsets(%dma_start3A_218 : memref<80xi32, #tpu.memory_space<vmem>>) semaphore(%arg12 : memref<!tpu.dma_semaphore, #tpu.memory_space<semaphore_mem>>)
      %mul3A_222 = arith.constant 400 : i32
      %mul3A_223 = arith.muli %add3A_204, %mul3A_222 : i32
      %add3A_224 = arith.constant 80 : i32
      %add3A_225 = arith.addi %mul3A_223, %add3A_224 : i32
      %dma_start3A_226 = arith.constant 80 : i32
      %dma_start3A_227 = arith.constant 0 : i32
      %dma_start3A_228 = tpu.memref_slice %arg10[%dma_start3A_226, %dma_start3A_227] : memref<400x128xf32, #tpu.memory_space<vmem>> -> memref<80x128xf32, #tpu.memory_space<vmem>>
      %dma_start3A_229 = tpu.memref_slice %arg8[%add3A_225] : memref<10000xi32, #tpu.memory_space<vmem>> -> memref<80xi32, #tpu.memory_space<vmem>>
      %dma_start3A_230 = arith.constant 0 : i32
      %dma_start3A_231 = arith.constant 0 : i32
      %dma_start3A_232 = tpu.memref_slice %arg2[%dma_start3A_230, %dma_start3A_231] : memref<10000x128xf32, #tpu.memory_space<hbm>> -> memref<10000x128xf32, #tpu.memory_space<hbm>>
      tpu.enqueue_indirect_dma source(%dma_start3A_232 : memref<10000x128xf32, #tpu.memory_space<hbm>>) target(%dma_start3A_228 : memref<80x128xf32, #tpu.memory_space<vmem>>) offsets(%dma_start3A_229 : memref<80xi32, #tpu.memory_space<vmem>>) semaphore(%arg12 : memref<!tpu.dma_semaphore, #tpu.memory_space<semaphore_mem>>)
      %mul3A_233 = arith.constant 400 : i32
      %mul3A_234 = arith.muli %add3A_204, %mul3A_233 : i32
      %add3A_235 = arith.constant 160 : i32
      %add3A_236 = arith.addi %mul3A_234, %add3A_235 : i32
      %dma_start3A_237 = arith.constant 160 : i32
      %dma_start3A_238 = arith.constant 0 : i32
      %dma_start3A_239 = tpu.memref_slice %arg10[%dma_start3A_237, %dma_start3A_238] : memref<400x128xf32, #tpu.memory_space<vmem>> -> memref<80x128xf32, #tpu.memory_space<vmem>>
      %dma_start3A_240 = tpu.memref_slice %arg8[%add3A_236] : memref<10000xi32, #tpu.memory_space<vmem>> -> memref<80xi32, #tpu.memory_space<vmem>>
      %dma_start3A_241 = arith.constant 0 : i32
      %dma_start3A_242 = arith.constant 0 : i32
      %dma_start3A_243 = tpu.memref_slice %arg2[%dma_start3A_241, %dma_start3A_242] : memref<10000x128xf32, #tpu.memory_space<hbm>> -> memref<10000x128xf32, #tpu.memory_space<hbm>>
      tpu.enqueue_indirect_dma source(%dma_start3A_243 : memref<10000x128xf32, #tpu.memory_space<hbm>>) target(%dma_start3A_239 : memref<80x128xf32, #tpu.memory_space<vmem>>) offsets(%dma_start3A_240 : memref<80xi32, #tpu.memory_space<vmem>>) semaphore(%arg12 : memref<!tpu.dma_semaphore, #tpu.memory_space<semaphore_mem>>)
      %mul3A_244 = arith.constant 400 : i32
      %mul3A_245 = arith.muli %add3A_204, %mul3A_244 : i32
      %add3A_246 = arith.constant 240 : i32
      %add3A_247 = arith.addi %mul3A_245, %add3A_246 : i32
      %dma_start3A_248 = arith.constant 240 : i32
      %dma_start3A_249 = arith.constant 0 : i32
      %dma_start3A_250 = tpu.memref_slice %arg10[%dma_start3A_248, %dma_start3A_249] : memref<400x128xf32, #tpu.memory_space<vmem>> -> memref<80x128xf32, #tpu.memory_space<vmem>>
      %dma_start3A_251 = tpu.memref_slice %arg8[%add3A_247] : memref<10000xi32, #tpu.memory_space<vmem>> -> memref<80xi32, #tpu.memory_space<vmem>>
      %dma_start3A_252 = arith.constant 0 : i32
      %dma_start3A_253 = arith.constant 0 : i32
      %dma_start3A_254 = tpu.memref_slice %arg2[%dma_start3A_252, %dma_start3A_253] : memref<10000x128xf32, #tpu.memory_space<hbm>> -> memref<10000x128xf32, #tpu.memory_space<hbm>>
      tpu.enqueue_indirect_dma source(%dma_start3A_254 : memref<10000x128xf32, #tpu.memory_space<hbm>>) target(%dma_start3A_250 : memref<80x128xf32, #tpu.memory_space<vmem>>) offsets(%dma_start3A_251 : memref<80xi32, #tpu.memory_space<vmem>>) semaphore(%arg12 : memref<!tpu.dma_semaphore, #tpu.memory_space<semaphore_mem>>)
      %mul3A_255 = arith.constant 400 : i32
      %mul3A_256 = arith.muli %add3A_204, %mul3A_255 : i32
      %add3A_257 = arith.constant 320 : i32
      %add3A_258 = arith.addi %mul3A_256, %add3A_257 : i32
      %dma_start3A_259 = arith.constant 320 : i32
      %dma_start3A_260 = arith.constant 0 : i32
      %dma_start3A_261 = tpu.memref_slice %arg10[%dma_start3A_259, %dma_start3A_260] : memref<400x128xf32, #tpu.memory_space<vmem>> -> memref<80x128xf32, #tpu.memory_space<vmem>>
      %dma_start3A_262 = tpu.memref_slice %arg8[%add3A_258] : memref<10000xi32, #tpu.memory_space<vmem>> -> memref<80xi32, #tpu.memory_space<vmem>>
      %dma_start3A_263 = arith.constant 0 : i32
      %dma_start3A_264 = arith.constant 0 : i32
      %dma_start3A_265 = tpu.memref_slice %arg2[%dma_start3A_263, %dma_start3A_264] : memref<10000x128xf32, #tpu.memory_space<hbm>> -> memref<10000x128xf32, #tpu.memory_space<hbm>>
      tpu.enqueue_indirect_dma source(%dma_start3A_265 : memref<10000x128xf32, #tpu.memory_space<hbm>>) target(%dma_start3A_261 : memref<80x128xf32, #tpu.memory_space<vmem>>) offsets(%dma_start3A_262 : memref<80xi32, #tpu.memory_space<vmem>>) semaphore(%arg12 : memref<!tpu.dma_semaphore, #tpu.memory_space<semaphore_mem>>)
      %sub3A = arith.constant 1 : i32
      %sub3A_266 = arith.subi %add3A_204, %sub3A : i32
      %mul3A_267 = arith.constant 400 : i32
      %mul3A_268 = arith.muli %sub3A_266, %mul3A_267 : i32
      %add3A_269 = arith.constant 0 : i32
      %add3A_270 = arith.addi %mul3A_268, %add3A_269 : i32
      %dma_wait3A_271 = arith.constant 0 : i32
      %dma_wait3A_272 = arith.constant 0 : i32
      %dma_wait3A_273 = tpu.memref_slice %arg9[%dma_wait3A_271, %dma_wait3A_272] : memref<400x128xf32, #tpu.memory_space<vmem>> -> memref<80x128xf32, #tpu.memory_space<vmem>>
      %dma_wait3A_274 = tpu.memref_slice %arg8[%add3A_270] : memref<10000xi32, #tpu.memory_space<vmem>> -> memref<80xi32, #tpu.memory_space<vmem>>
      %dma_wait3A_275 = arith.constant 0 : i32
      %dma_wait3A_276 = arith.constant 0 : i32
      %dma_wait3A_277 = tpu.memref_slice %arg2[%dma_wait3A_275, %dma_wait3A_276] : memref<10000x128xf32, #tpu.memory_space<hbm>> -> memref<10000x128xf32, #tpu.memory_space<hbm>>
      tpu.wait_indirect_dma semaphore(%arg11 : memref<!tpu.dma_semaphore, #tpu.memory_space<semaphore_mem>>) src(%dma_wait3A_277 : memref<10000x128xf32, #tpu.memory_space<hbm>>) dst(%dma_wait3A_273 : memref<80x128xf32, #tpu.memory_space<vmem>>)
      %mul3A_278 = arith.constant 400 : i32
      %mul3A_279 = arith.muli %sub3A_266, %mul3A_278 : i32
      %add3A_280 = arith.constant 80 : i32
      %add3A_281 = arith.addi %mul3A_279, %add3A_280 : i32
      %dma_wait3A_282 = arith.constant 80 : i32
      %dma_wait3A_283 = arith.constant 0 : i32
      %dma_wait3A_284 = tpu.memref_slice %arg9[%dma_wait3A_282, %dma_wait3A_283] : memref<400x128xf32, #tpu.memory_space<vmem>> -> memref<80x128xf32, #tpu.memory_space<vmem>>
      %dma_wait3A_285 = tpu.memref_slice %arg8[%add3A_281] : memref<10000xi32, #tpu.memory_space<vmem>> -> memref<80xi32, #tpu.memory_space<vmem>>
      %dma_wait3A_286 = arith.constant 0 : i32
      %dma_wait3A_287 = arith.constant 0 : i32
      %dma_wait3A_288 = tpu.memref_slice %arg2[%dma_wait3A_286, %dma_wait3A_287] : memref<10000x128xf32, #tpu.memory_space<hbm>> -> memref<10000x128xf32, #tpu.memory_space<hbm>>
      tpu.wait_indirect_dma semaphore(%arg11 : memref<!tpu.dma_semaphore, #tpu.memory_space<semaphore_mem>>) src(%dma_wait3A_288 : memref<10000x128xf32, #tpu.memory_space<hbm>>) dst(%dma_wait3A_284 : memref<80x128xf32, #tpu.memory_space<vmem>>)
      %mul3A_289 = arith.constant 400 : i32
      %mul3A_290 = arith.muli %sub3A_266, %mul3A_289 : i32
      %add3A_291 = arith.constant 160 : i32
      %add3A_292 = arith.addi %mul3A_290, %add3A_291 : i32
      %dma_wait3A_293 = arith.constant 160 : i32
      %dma_wait3A_294 = arith.constant 0 : i32
      %dma_wait3A_295 = tpu.memref_slice %arg9[%dma_wait3A_293, %dma_wait3A_294] : memref<400x128xf32, #tpu.memory_space<vmem>> -> memref<80x128xf32, #tpu.memory_space<vmem>>
      %dma_wait3A_296 = tpu.memref_slice %arg8[%add3A_292] : memref<10000xi32, #tpu.memory_space<vmem>> -> memref<80xi32, #tpu.memory_space<vmem>>
      %dma_wait3A_297 = arith.constant 0 : i32
      %dma_wait3A_298 = arith.constant 0 : i32
      %dma_wait3A_299 = tpu.memref_slice %arg2[%dma_wait3A_297, %dma_wait3A_298] : memref<10000x128xf32, #tpu.memory_space<hbm>> -> memref<10000x128xf32, #tpu.memory_space<hbm>>
      tpu.wait_indirect_dma semaphore(%arg11 : memref<!tpu.dma_semaphore, #tpu.memory_space<semaphore_mem>>) src(%dma_wait3A_299 : memref<10000x128xf32, #tpu.memory_space<hbm>>) dst(%dma_wait3A_295 : memref<80x128xf32, #tpu.memory_space<vmem>>)
      %mul3A_300 = arith.constant 400 : i32
      %mul3A_301 = arith.muli %sub3A_266, %mul3A_300 : i32
      %add3A_302 = arith.constant 240 : i32
      %add3A_303 = arith.addi %mul3A_301, %add3A_302 : i32
      %dma_wait3A_304 = arith.constant 240 : i32
      %dma_wait3A_305 = arith.constant 0 : i32
      %dma_wait3A_306 = tpu.memref_slice %arg9[%dma_wait3A_304, %dma_wait3A_305] : memref<400x128xf32, #tpu.memory_space<vmem>> -> memref<80x128xf32, #tpu.memory_space<vmem>>
      %dma_wait3A_307 = tpu.memref_slice %arg8[%add3A_303] : memref<10000xi32, #tpu.memory_space<vmem>> -> memref<80xi32, #tpu.memory_space<vmem>>
      %dma_wait3A_308 = arith.constant 0 : i32
      %dma_wait3A_309 = arith.constant 0 : i32
      %dma_wait3A_310 = tpu.memref_slice %arg2[%dma_wait3A_308, %dma_wait3A_309] : memref<10000x128xf32, #tpu.memory_space<hbm>> -> memref<10000x128xf32, #tpu.memory_space<hbm>>
      tpu.wait_indirect_dma semaphore(%arg11 : memref<!tpu.dma_semaphore, #tpu.memory_space<semaphore_mem>>) src(%dma_wait3A_310 : memref<10000x128xf32, #tpu.memory_space<hbm>>) dst(%dma_wait3A_306 : memref<80x128xf32, #tpu.memory_space<vmem>>)
      %mul3A_311 = arith.constant 400 : i32
      %mul3A_312 = arith.muli %sub3A_266, %mul3A_311 : i32
      %add3A_313 = arith.constant 320 : i32
      %add3A_314 = arith.addi %mul3A_312, %add3A_313 : i32
      %dma_wait3A_315 = arith.constant 320 : i32
      %dma_wait3A_316 = arith.constant 0 : i32
      %dma_wait3A_317 = tpu.memref_slice %arg9[%dma_wait3A_315, %dma_wait3A_316] : memref<400x128xf32, #tpu.memory_space<vmem>> -> memref<80x128xf32, #tpu.memory_space<vmem>>
      %dma_wait3A_318 = tpu.memref_slice %arg8[%add3A_314] : memref<10000xi32, #tpu.memory_space<vmem>> -> memref<80xi32, #tpu.memory_space<vmem>>
      %dma_wait3A_319 = arith.constant 0 : i32
      %dma_wait3A_320 = arith.constant 0 : i32
      %dma_wait3A_321 = tpu.memref_slice %arg2[%dma_wait3A_319, %dma_wait3A_320] : memref<10000x128xf32, #tpu.memory_space<hbm>> -> memref<10000x128xf32, #tpu.memory_space<hbm>>
      tpu.wait_indirect_dma semaphore(%arg11 : memref<!tpu.dma_semaphore, #tpu.memory_space<semaphore_mem>>) src(%dma_wait3A_321 : memref<10000x128xf32, #tpu.memory_space<hbm>>) dst(%dma_wait3A_317 : memref<80x128xf32, #tpu.memory_space<vmem>>)
      %sub3A_322 = arith.constant 1 : i32
      %sub3A_323 = arith.subi %add3A_204, %sub3A_322 : i32
      %mul3A_324 = arith.constant 400 : i32
      %mul3A_325 = arith.muli %sub3A_323, %mul3A_324 : i32
      %add3A_326 = arith.addi %mul3A_2, %mul3A_325 : i32
      %dma_start3A_327 = arith.constant 0 : i32
      %dma_start3A_328 = tpu.memref_slice %arg6[%add3A_326, %dma_start3A_327] : memref<320000x128xf32, #tpu.memory_space<hbm>> -> memref<400x128xf32, #tpu.memory_space<hbm>>
      %dma_start3A_329 = arith.constant 0 : i32
      %dma_start3A_330 = tpu.memref_slice %arg6[%add3A_326, %dma_start3A_329] : memref<320000x128xf32, #tpu.memory_space<hbm>> -> memref<400x128xf32, #tpu.memory_space<hbm>>
      tpu.enqueue_dma source(%arg9 : memref<400x128xf32, #tpu.memory_space<vmem>>) target(%dma_start3A_330 : memref<400x128xf32, #tpu.memory_space<hbm>>) target_semaphore(%arg13 : memref<!tpu.dma_semaphore, #tpu.memory_space<semaphore_mem>>)
      %dma_wait3A_331 = arith.constant 0 : i32
      %dma_wait3A_332 = tpu.memref_slice %arg6[%mul3A_2, %dma_wait3A_331] : memref<320000x128xf32, #tpu.memory_space<hbm>> -> memref<400x128xf32, #tpu.memory_space<hbm>>
      %dma_wait3A_333 = arith.constant 0 : i32
      %dma_wait3A_334 = tpu.memref_slice %arg6[%mul3A_2, %dma_wait3A_333] : memref<320000x128xf32, #tpu.memory_space<hbm>> -> memref<400x128xf32, #tpu.memory_space<hbm>>
      tpu.wait_dma2 semaphore(%arg13 : memref<!tpu.dma_semaphore, #tpu.memory_space<semaphore_mem>>) src(%arg9 : memref<400x128xf32, #tpu.memory_space<vmem>>) dst(%dma_wait3A_334 : memref<400x128xf32, #tpu.memory_space<hbm>>)
      %mul3A_335 = arith.constant 400 : i32
      %mul3A_336 = arith.muli %add3A_208, %mul3A_335 : i32
      %add3A_337 = arith.constant 0 : i32
      %add3A_338 = arith.addi %mul3A_336, %add3A_337 : i32
      %dma_start3A_339 = arith.constant 0 : i32
      %dma_start3A_340 = arith.constant 0 : i32
      %dma_start3A_341 = tpu.memref_slice %arg9[%dma_start3A_339, %dma_start3A_340] : memref<400x128xf32, #tpu.memory_space<vmem>> -> memref<80x128xf32, #tpu.memory_space<vmem>>
      %dma_start3A_342 = tpu.memref_slice %arg8[%add3A_338] : memref<10000xi32, #tpu.memory_space<vmem>> -> memref<80xi32, #tpu.memory_space<vmem>>
      %dma_start3A_343 = arith.constant 0 : i32
      %dma_start3A_344 = arith.constant 0 : i32
      %dma_start3A_345 = tpu.memref_slice %arg2[%dma_start3A_343, %dma_start3A_344] : memref<10000x128xf32, #tpu.memory_space<hbm>> -> memref<10000x128xf32, #tpu.memory_space<hbm>>
      tpu.enqueue_indirect_dma source(%dma_start3A_345 : memref<10000x128xf32, #tpu.memory_space<hbm>>) target(%dma_start3A_341 : memref<80x128xf32, #tpu.memory_space<vmem>>) offsets(%dma_start3A_342 : memref<80xi32, #tpu.memory_space<vmem>>) semaphore(%arg11 : memref<!tpu.dma_semaphore, #tpu.memory_space<semaphore_mem>>)
      %mul3A_346 = arith.constant 400 : i32
      %mul3A_347 = arith.muli %add3A_208, %mul3A_346 : i32
      %add3A_348 = arith.constant 80 : i32
      %add3A_349 = arith.addi %mul3A_347, %add3A_348 : i32
      %dma_start3A_350 = arith.constant 80 : i32
      %dma_start3A_351 = arith.constant 0 : i32
      %dma_start3A_352 = tpu.memref_slice %arg9[%dma_start3A_350, %dma_start3A_351] : memref<400x128xf32, #tpu.memory_space<vmem>> -> memref<80x128xf32, #tpu.memory_space<vmem>>
      %dma_start3A_353 = tpu.memref_slice %arg8[%add3A_349] : memref<10000xi32, #tpu.memory_space<vmem>> -> memref<80xi32, #tpu.memory_space<vmem>>
      %dma_start3A_354 = arith.constant 0 : i32
      %dma_start3A_355 = arith.constant 0 : i32
      %dma_start3A_356 = tpu.memref_slice %arg2[%dma_start3A_354, %dma_start3A_355] : memref<10000x128xf32, #tpu.memory_space<hbm>> -> memref<10000x128xf32, #tpu.memory_space<hbm>>
      tpu.enqueue_indirect_dma source(%dma_start3A_356 : memref<10000x128xf32, #tpu.memory_space<hbm>>) target(%dma_start3A_352 : memref<80x128xf32, #tpu.memory_space<vmem>>) offsets(%dma_start3A_353 : memref<80xi32, #tpu.memory_space<vmem>>) semaphore(%arg11 : memref<!tpu.dma_semaphore, #tpu.memory_space<semaphore_mem>>)
      %mul3A_357 = arith.constant 400 : i32
      %mul3A_358 = arith.muli %add3A_208, %mul3A_357 : i32
      %add3A_359 = arith.constant 160 : i32
      %add3A_360 = arith.addi %mul3A_358, %add3A_359 : i32
      %dma_start3A_361 = arith.constant 160 : i32
      %dma_start3A_362 = arith.constant 0 : i32
      %dma_start3A_363 = tpu.memref_slice %arg9[%dma_start3A_361, %dma_start3A_362] : memref<400x128xf32, #tpu.memory_space<vmem>> -> memref<80x128xf32, #tpu.memory_space<vmem>>
      %dma_start3A_364 = tpu.memref_slice %arg8[%add3A_360] : memref<10000xi32, #tpu.memory_space<vmem>> -> memref<80xi32, #tpu.memory_space<vmem>>
      %dma_start3A_365 = arith.constant 0 : i32
      %dma_start3A_366 = arith.constant 0 : i32
      %dma_start3A_367 = tpu.memref_slice %arg2[%dma_start3A_365, %dma_start3A_366] : memref<10000x128xf32, #tpu.memory_space<hbm>> -> memref<10000x128xf32, #tpu.memory_space<hbm>>
      tpu.enqueue_indirect_dma source(%dma_start3A_367 : memref<10000x128xf32, #tpu.memory_space<hbm>>) target(%dma_start3A_363 : memref<80x128xf32, #tpu.memory_space<vmem>>) offsets(%dma_start3A_364 : memref<80xi32, #tpu.memory_space<vmem>>) semaphore(%arg11 : memref<!tpu.dma_semaphore, #tpu.memory_space<semaphore_mem>>)
      %mul3A_368 = arith.constant 400 : i32
      %mul3A_369 = arith.muli %add3A_208, %mul3A_368 : i32
      %add3A_370 = arith.constant 240 : i32
      %add3A_371 = arith.addi %mul3A_369, %add3A_370 : i32
      %dma_start3A_372 = arith.constant 240 : i32
      %dma_start3A_373 = arith.constant 0 : i32
      %dma_start3A_374 = tpu.memref_slice %arg9[%dma_start3A_372, %dma_start3A_373] : memref<400x128xf32, #tpu.memory_space<vmem>> -> memref<80x128xf32, #tpu.memory_space<vmem>>
      %dma_start3A_375 = tpu.memref_slice %arg8[%add3A_371] : memref<10000xi32, #tpu.memory_space<vmem>> -> memref<80xi32, #tpu.memory_space<vmem>>
      %dma_start3A_376 = arith.constant 0 : i32
      %dma_start3A_377 = arith.constant 0 : i32
      %dma_start3A_378 = tpu.memref_slice %arg2[%dma_start3A_376, %dma_start3A_377] : memref<10000x128xf32, #tpu.memory_space<hbm>> -> memref<10000x128xf32, #tpu.memory_space<hbm>>
      tpu.enqueue_indirect_dma source(%dma_start3A_378 : memref<10000x128xf32, #tpu.memory_space<hbm>>) target(%dma_start3A_374 : memref<80x128xf32, #tpu.memory_space<vmem>>) offsets(%dma_start3A_375 : memref<80xi32, #tpu.memory_space<vmem>>) semaphore(%arg11 : memref<!tpu.dma_semaphore, #tpu.memory_space<semaphore_mem>>)
      %mul3A_379 = arith.constant 400 : i32
      %mul3A_380 = arith.muli %add3A_208, %mul3A_379 : i32
      %add3A_381 = arith.constant 320 : i32
      %add3A_382 = arith.addi %mul3A_380, %add3A_381 : i32
      %dma_start3A_383 = arith.constant 320 : i32
      %dma_start3A_384 = arith.constant 0 : i32
      %dma_start3A_385 = tpu.memref_slice %arg9[%dma_start3A_383, %dma_start3A_384] : memref<400x128xf32, #tpu.memory_space<vmem>> -> memref<80x128xf32, #tpu.memory_space<vmem>>
      %dma_start3A_386 = tpu.memref_slice %arg8[%add3A_382] : memref<10000xi32, #tpu.memory_space<vmem>> -> memref<80xi32, #tpu.memory_space<vmem>>
      %dma_start3A_387 = arith.constant 0 : i32
      %dma_start3A_388 = arith.constant 0 : i32
      %dma_start3A_389 = tpu.memref_slice %arg2[%dma_start3A_387, %dma_start3A_388] : memref<10000x128xf32, #tpu.memory_space<hbm>> -> memref<10000x128xf32, #tpu.memory_space<hbm>>
      tpu.enqueue_indirect_dma source(%dma_start3A_389 : memref<10000x128xf32, #tpu.memory_space<hbm>>) target(%dma_start3A_385 : memref<80x128xf32, #tpu.memory_space<vmem>>) offsets(%dma_start3A_386 : memref<80xi32, #tpu.memory_space<vmem>>) semaphore(%arg11 : memref<!tpu.dma_semaphore, #tpu.memory_space<semaphore_mem>>)
      %mul3A_390 = arith.constant 400 : i32
      %mul3A_391 = arith.muli %add3A_204, %mul3A_390 : i32
      %add3A_392 = arith.constant 0 : i32
      %add3A_393 = arith.addi %mul3A_391, %add3A_392 : i32
      %dma_wait3A_394 = arith.constant 0 : i32
      %dma_wait3A_395 = arith.constant 0 : i32
      %dma_wait3A_396 = tpu.memref_slice %arg10[%dma_wait3A_394, %dma_wait3A_395] : memref<400x128xf32, #tpu.memory_space<vmem>> -> memref<80x128xf32, #tpu.memory_space<vmem>>
      %dma_wait3A_397 = tpu.memref_slice %arg8[%add3A_393] : memref<10000xi32, #tpu.memory_space<vmem>> -> memref<80xi32, #tpu.memory_space<vmem>>
      %dma_wait3A_398 = arith.constant 0 : i32
      %dma_wait3A_399 = arith.constant 0 : i32
      %dma_wait3A_400 = tpu.memref_slice %arg2[%dma_wait3A_398, %dma_wait3A_399] : memref<10000x128xf32, #tpu.memory_space<hbm>> -> memref<10000x128xf32, #tpu.memory_space<hbm>>
      tpu.wait_indirect_dma semaphore(%arg12 : memref<!tpu.dma_semaphore, #tpu.memory_space<semaphore_mem>>) src(%dma_wait3A_400 : memref<10000x128xf32, #tpu.memory_space<hbm>>) dst(%dma_wait3A_396 : memref<80x128xf32, #tpu.memory_space<vmem>>)
      %mul3A_401 = arith.constant 400 : i32
      %mul3A_402 = arith.muli %add3A_204, %mul3A_401 : i32
      %add3A_403 = arith.constant 80 : i32
      %add3A_404 = arith.addi %mul3A_402, %add3A_403 : i32
      %dma_wait3A_405 = arith.constant 80 : i32
      %dma_wait3A_406 = arith.constant 0 : i32
      %dma_wait3A_407 = tpu.memref_slice %arg10[%dma_wait3A_405, %dma_wait3A_406] : memref<400x128xf32, #tpu.memory_space<vmem>> -> memref<80x128xf32, #tpu.memory_space<vmem>>
      %dma_wait3A_408 = tpu.memref_slice %arg8[%add3A_404] : memref<10000xi32, #tpu.memory_space<vmem>> -> memref<80xi32, #tpu.memory_space<vmem>>
      %dma_wait3A_409 = arith.constant 0 : i32
      %dma_wait3A_410 = arith.constant 0 : i32
      %dma_wait3A_411 = tpu.memref_slice %arg2[%dma_wait3A_409, %dma_wait3A_410] : memref<10000x128xf32, #tpu.memory_space<hbm>> -> memref<10000x128xf32, #tpu.memory_space<hbm>>
      tpu.wait_indirect_dma semaphore(%arg12 : memref<!tpu.dma_semaphore, #tpu.memory_space<semaphore_mem>>) src(%dma_wait3A_411 : memref<10000x128xf32, #tpu.memory_space<hbm>>) dst(%dma_wait3A_407 : memref<80x128xf32, #tpu.memory_space<vmem>>)
      %mul3A_412 = arith.constant 400 : i32
      %mul3A_413 = arith.muli %add3A_204, %mul3A_412 : i32
      %add3A_414 = arith.constant 160 : i32
      %add3A_415 = arith.addi %mul3A_413, %add3A_414 : i32
      %dma_wait3A_416 = arith.constant 160 : i32
      %dma_wait3A_417 = arith.constant 0 : i32
      %dma_wait3A_418 = tpu.memref_slice %arg10[%dma_wait3A_416, %dma_wait3A_417] : memref<400x128xf32, #tpu.memory_space<vmem>> -> memref<80x128xf32, #tpu.memory_space<vmem>>
      %dma_wait3A_419 = tpu.memref_slice %arg8[%add3A_415] : memref<10000xi32, #tpu.memory_space<vmem>> -> memref<80xi32, #tpu.memory_space<vmem>>
      %dma_wait3A_420 = arith.constant 0 : i32
      %dma_wait3A_421 = arith.constant 0 : i32
      %dma_wait3A_422 = tpu.memref_slice %arg2[%dma_wait3A_420, %dma_wait3A_421] : memref<10000x128xf32, #tpu.memory_space<hbm>> -> memref<10000x128xf32, #tpu.memory_space<hbm>>
      tpu.wait_indirect_dma semaphore(%arg12 : memref<!tpu.dma_semaphore, #tpu.memory_space<semaphore_mem>>) src(%dma_wait3A_422 : memref<10000x128xf32, #tpu.memory_space<hbm>>) dst(%dma_wait3A_418 : memref<80x128xf32, #tpu.memory_space<vmem>>)
      %mul3A_423 = arith.constant 400 : i32
      %mul3A_424 = arith.muli %add3A_204, %mul3A_423 : i32
      %add3A_425 = arith.constant 240 : i32
      %add3A_426 = arith.addi %mul3A_424, %add3A_425 : i32
      %dma_wait3A_427 = arith.constant 240 : i32
      %dma_wait3A_428 = arith.constant 0 : i32
      %dma_wait3A_429 = tpu.memref_slice %arg10[%dma_wait3A_427, %dma_wait3A_428] : memref<400x128xf32, #tpu.memory_space<vmem>> -> memref<80x128xf32, #tpu.memory_space<vmem>>
      %dma_wait3A_430 = tpu.memref_slice %arg8[%add3A_426] : memref<10000xi32, #tpu.memory_space<vmem>> -> memref<80xi32, #tpu.memory_space<vmem>>
      %dma_wait3A_431 = arith.constant 0 : i32
      %dma_wait3A_432 = arith.constant 0 : i32
      %dma_wait3A_433 = tpu.memref_slice %arg2[%dma_wait3A_431, %dma_wait3A_432] : memref<10000x128xf32, #tpu.memory_space<hbm>> -> memref<10000x128xf32, #tpu.memory_space<hbm>>
      tpu.wait_indirect_dma semaphore(%arg12 : memref<!tpu.dma_semaphore, #tpu.memory_space<semaphore_mem>>) src(%dma_wait3A_433 : memref<10000x128xf32, #tpu.memory_space<hbm>>) dst(%dma_wait3A_429 : memref<80x128xf32, #tpu.memory_space<vmem>>)
      %mul3A_434 = arith.constant 400 : i32
      %mul3A_435 = arith.muli %add3A_204, %mul3A_434 : i32
      %add3A_436 = arith.constant 320 : i32
      %add3A_437 = arith.addi %mul3A_435, %add3A_436 : i32
      %dma_wait3A_438 = arith.constant 320 : i32
      %dma_wait3A_439 = arith.constant 0 : i32
      %dma_wait3A_440 = tpu.memref_slice %arg10[%dma_wait3A_438, %dma_wait3A_439] : memref<400x128xf32, #tpu.memory_space<vmem>> -> memref<80x128xf32, #tpu.memory_space<vmem>>
      %dma_wait3A_441 = tpu.memref_slice %arg8[%add3A_437] : memref<10000xi32, #tpu.memory_space<vmem>> -> memref<80xi32, #tpu.memory_space<vmem>>
      %dma_wait3A_442 = arith.constant 0 : i32
      %dma_wait3A_443 = arith.constant 0 : i32
      %dma_wait3A_444 = tpu.memref_slice %arg2[%dma_wait3A_442, %dma_wait3A_443] : memref<10000x128xf32, #tpu.memory_space<hbm>> -> memref<10000x128xf32, #tpu.memory_space<hbm>>
      tpu.wait_indirect_dma semaphore(%arg12 : memref<!tpu.dma_semaphore, #tpu.memory_space<semaphore_mem>>) src(%dma_wait3A_444 : memref<10000x128xf32, #tpu.memory_space<hbm>>) dst(%dma_wait3A_440 : memref<80x128xf32, #tpu.memory_space<vmem>>)
      %mul3A_445 = arith.constant 400 : i32
      %mul3A_446 = arith.muli %add3A_204, %mul3A_445 : i32
      %add3A_447 = arith.addi %mul3A_2, %mul3A_446 : i32
      %dma_start3A_448 = arith.constant 0 : i32
      %dma_start3A_449 = tpu.memref_slice %arg6[%add3A_447, %dma_start3A_448] : memref<320000x128xf32, #tpu.memory_space<hbm>> -> memref<400x128xf32, #tpu.memory_space<hbm>>
      %dma_start3A_450 = arith.constant 0 : i32
      %dma_start3A_451 = tpu.memref_slice %arg6[%add3A_447, %dma_start3A_450] : memref<320000x128xf32, #tpu.memory_space<hbm>> -> memref<400x128xf32, #tpu.memory_space<hbm>>
      tpu.enqueue_dma source(%arg10 : memref<400x128xf32, #tpu.memory_space<vmem>>) target(%dma_start3A_451 : memref<400x128xf32, #tpu.memory_space<hbm>>) target_semaphore(%arg14 : memref<!tpu.dma_semaphore, #tpu.memory_space<semaphore_mem>>)
    }
    %scan3A_46 = arith.constant 12 : i32
    %dma_wait3A = arith.constant 0 : i32
    %dma_wait3A_47 = arith.constant 0 : i32
    %dma_wait3A_48 = tpu.memref_slice %arg9[%dma_wait3A, %dma_wait3A_47] : memref<400x128xf32, #tpu.memory_space<vmem>> -> memref<80x128xf32, #tpu.memory_space<vmem>>
    %dma_wait3A_49 = arith.constant 9600 : i32
    %dma_wait3A_50 = tpu.memref_slice %arg8[%dma_wait3A_49] : memref<10000xi32, #tpu.memory_space<vmem>> -> memref<80xi32, #tpu.memory_space<vmem>>
    %dma_wait3A_51 = arith.constant 0 : i32
    %dma_wait3A_52 = arith.constant 0 : i32
    %dma_wait3A_53 = tpu.memref_slice %arg2[%dma_wait3A_51, %dma_wait3A_52] : memref<10000x128xf32, #tpu.memory_space<hbm>> -> memref<10000x128xf32, #tpu.memory_space<hbm>>
    tpu.wait_indirect_dma semaphore(%arg11 : memref<!tpu.dma_semaphore, #tpu.memory_space<semaphore_mem>>) src(%dma_wait3A_53 : memref<10000x128xf32, #tpu.memory_space<hbm>>) dst(%dma_wait3A_48 : memref<80x128xf32, #tpu.memory_space<vmem>>)
    %dma_wait3A_54 = arith.constant 80 : i32
    %dma_wait3A_55 = arith.constant 0 : i32
    %dma_wait3A_56 = tpu.memref_slice %arg9[%dma_wait3A_54, %dma_wait3A_55] : memref<400x128xf32, #tpu.memory_space<vmem>> -> memref<80x128xf32, #tpu.memory_space<vmem>>
    %dma_wait3A_57 = arith.constant 9680 : i32
    %dma_wait3A_58 = tpu.memref_slice %arg8[%dma_wait3A_57] : memref<10000xi32, #tpu.memory_space<vmem>> -> memref<80xi32, #tpu.memory_space<vmem>>
    %dma_wait3A_59 = arith.constant 0 : i32
    %dma_wait3A_60 = arith.constant 0 : i32
    %dma_wait3A_61 = tpu.memref_slice %arg2[%dma_wait3A_59, %dma_wait3A_60] : memref<10000x128xf32, #tpu.memory_space<hbm>> -> memref<10000x128xf32, #tpu.memory_space<hbm>>
    tpu.wait_indirect_dma semaphore(%arg11 : memref<!tpu.dma_semaphore, #tpu.memory_space<semaphore_mem>>) src(%dma_wait3A_61 : memref<10000x128xf32, #tpu.memory_space<hbm>>) dst(%dma_wait3A_56 : memref<80x128xf32, #tpu.memory_space<vmem>>)
    %dma_wait3A_62 = arith.constant 160 : i32
    %dma_wait3A_63 = arith.constant 0 : i32
    %dma_wait3A_64 = tpu.memref_slice %arg9[%dma_wait3A_62, %dma_wait3A_63] : memref<400x128xf32, #tpu.memory_space<vmem>> -> memref<80x128xf32, #tpu.memory_space<vmem>>
    %dma_wait3A_65 = arith.constant 9760 : i32
    %dma_wait3A_66 = tpu.memref_slice %arg8[%dma_wait3A_65] : memref<10000xi32, #tpu.memory_space<vmem>> -> memref<80xi32, #tpu.memory_space<vmem>>
    %dma_wait3A_67 = arith.constant 0 : i32
    %dma_wait3A_68 = arith.constant 0 : i32
    %dma_wait3A_69 = tpu.memref_slice %arg2[%dma_wait3A_67, %dma_wait3A_68] : memref<10000x128xf32, #tpu.memory_space<hbm>> -> memref<10000x128xf32, #tpu.memory_space<hbm>>
    tpu.wait_indirect_dma semaphore(%arg11 : memref<!tpu.dma_semaphore, #tpu.memory_space<semaphore_mem>>) src(%dma_wait3A_69 : memref<10000x128xf32, #tpu.memory_space<hbm>>) dst(%dma_wait3A_64 : memref<80x128xf32, #tpu.memory_space<vmem>>)
    %dma_wait3A_70 = arith.constant 240 : i32
    %dma_wait3A_71 = arith.constant 0 : i32
    %dma_wait3A_72 = tpu.memref_slice %arg9[%dma_wait3A_70, %dma_wait3A_71] : memref<400x128xf32, #tpu.memory_space<vmem>> -> memref<80x128xf32, #tpu.memory_space<vmem>>
    %dma_wait3A_73 = arith.constant 9840 : i32
    %dma_wait3A_74 = tpu.memref_slice %arg8[%dma_wait3A_73] : memref<10000xi32, #tpu.memory_space<vmem>> -> memref<80xi32, #tpu.memory_space<vmem>>
    %dma_wait3A_75 = arith.constant 0 : i32
    %dma_wait3A_76 = arith.constant 0 : i32
    %dma_wait3A_77 = tpu.memref_slice %arg2[%dma_wait3A_75, %dma_wait3A_76] : memref<10000x128xf32, #tpu.memory_space<hbm>> -> memref<10000x128xf32, #tpu.memory_space<hbm>>
    tpu.wait_indirect_dma semaphore(%arg11 : memref<!tpu.dma_semaphore, #tpu.memory_space<semaphore_mem>>) src(%dma_wait3A_77 : memref<10000x128xf32, #tpu.memory_space<hbm>>) dst(%dma_wait3A_72 : memref<80x128xf32, #tpu.memory_space<vmem>>)
    %dma_wait3A_78 = arith.constant 320 : i32
    %dma_wait3A_79 = arith.constant 0 : i32
    %dma_wait3A_80 = tpu.memref_slice %arg9[%dma_wait3A_78, %dma_wait3A_79] : memref<400x128xf32, #tpu.memory_space<vmem>> -> memref<80x128xf32, #tpu.memory_space<vmem>>
    %dma_wait3A_81 = arith.constant 9920 : i32
    %dma_wait3A_82 = tpu.memref_slice %arg8[%dma_wait3A_81] : memref<10000xi32, #tpu.memory_space<vmem>> -> memref<80xi32, #tpu.memory_space<vmem>>
    %dma_wait3A_83 = arith.constant 0 : i32
    %dma_wait3A_84 = arith.constant 0 : i32
    %dma_wait3A_85 = tpu.memref_slice %arg2[%dma_wait3A_83, %dma_wait3A_84] : memref<10000x128xf32, #tpu.memory_space<hbm>> -> memref<10000x128xf32, #tpu.memory_space<hbm>>
    tpu.wait_indirect_dma semaphore(%arg11 : memref<!tpu.dma_semaphore, #tpu.memory_space<semaphore_mem>>) src(%dma_wait3A_85 : memref<10000x128xf32, #tpu.memory_space<hbm>>) dst(%dma_wait3A_80 : memref<80x128xf32, #tpu.memory_space<vmem>>)
    %add3A_86 = arith.constant 9600 : i32
    %add3A_87 = arith.addi %mul3A_2, %add3A_86 : i32
    %dma_start3A_88 = arith.constant 0 : i32
    %dma_start3A_89 = tpu.memref_slice %arg6[%add3A_87, %dma_start3A_88] : memref<320000x128xf32, #tpu.memory_space<hbm>> -> memref<400x128xf32, #tpu.memory_space<hbm>>
    %dma_start3A_90 = arith.constant 0 : i32
    %dma_start3A_91 = tpu.memref_slice %arg6[%add3A_87, %dma_start3A_90] : memref<320000x128xf32, #tpu.memory_space<hbm>> -> memref<400x128xf32, #tpu.memory_space<hbm>>
    tpu.enqueue_dma source(%arg9 : memref<400x128xf32, #tpu.memory_space<vmem>>) target(%dma_start3A_91 : memref<400x128xf32, #tpu.memory_space<hbm>>) target_semaphore(%arg13 : memref<!tpu.dma_semaphore, #tpu.memory_space<semaphore_mem>>)
    %dma_wait3A_92 = arith.constant 0 : i32
    %dma_wait3A_93 = tpu.memref_slice %arg6[%mul3A_2, %dma_wait3A_92] : memref<320000x128xf32, #tpu.memory_space<hbm>> -> memref<400x128xf32, #tpu.memory_space<hbm>>
    %dma_wait3A_94 = arith.constant 0 : i32
    %dma_wait3A_95 = tpu.memref_slice %arg6[%mul3A_2, %dma_wait3A_94] : memref<320000x128xf32, #tpu.memory_space<hbm>> -> memref<400x128xf32, #tpu.memory_space<hbm>>
    tpu.wait_dma2 semaphore(%arg14 : memref<!tpu.dma_semaphore, #tpu.memory_space<semaphore_mem>>) src(%arg10 : memref<400x128xf32, #tpu.memory_space<vmem>>) dst(%dma_wait3A_95 : memref<400x128xf32, #tpu.memory_space<hbm>>)
    %dma_wait3A_96 = arith.constant 0 : i32
    %dma_wait3A_97 = tpu.memref_slice %arg6[%mul3A_2, %dma_wait3A_96] : memref<320000x128xf32, #tpu.memory_space<hbm>> -> memref<400x128xf32, #tpu.memory_space<hbm>>
    %dma_wait3A_98 = arith.constant 0 : i32
    %dma_wait3A_99 = tpu.memref_slice %arg6[%mul3A_2, %dma_wait3A_98] : memref<320000x128xf32, #tpu.memory_space<hbm>> -> memref<400x128xf32, #tpu.memory_space<hbm>>
    tpu.wait_dma2 semaphore(%arg13 : memref<!tpu.dma_semaphore, #tpu.memory_space<semaphore_mem>>) src(%arg9 : memref<400x128xf32, #tpu.memory_space<vmem>>) dst(%dma_wait3A_99 : memref<400x128xf32, #tpu.memory_space<hbm>>)
    "tpu.region"() ({
      %run_scoped3A = tpu.sem_alloc : memref<!tpu.dma_semaphore, #tpu.memory_space<semaphore_mem>>
      %dma_start3A_200 = tpu.memref_slice %arg5[%mul3A_2] : memref<320000xi32, #tpu.memory_space<hbm>> -> memref<10000xi32, #tpu.memory_space<hbm>>
      %dma_start3A_201 = tpu.memref_slice %arg5[%mul3A_2] : memref<320000xi32, #tpu.memory_space<hbm>> -> memref<10000xi32, #tpu.memory_space<hbm>>
      tpu.enqueue_dma source(%dma_start3A_201 : memref<10000xi32, #tpu.memory_space<hbm>>) target(%arg8 : memref<10000xi32, #tpu.memory_space<vmem>>) target_semaphore(%run_scoped3A : memref<!tpu.dma_semaphore, #tpu.memory_space<semaphore_mem>>)
      %dma_wait3A_202 = tpu.memref_slice %arg5[%mul3A_2] : memref<320000xi32, #tpu.memory_space<hbm>> -> memref<10000xi32, #tpu.memory_space<hbm>>
      %dma_wait3A_203 = tpu.memref_slice %arg5[%mul3A_2] : memref<320000xi32, #tpu.memory_space<hbm>> -> memref<10000xi32, #tpu.memory_space<hbm>>
      tpu.wait_dma2 semaphore(%run_scoped3A : memref<!tpu.dma_semaphore, #tpu.memory_space<semaphore_mem>>) src(%dma_wait3A_203 : memref<10000xi32, #tpu.memory_space<hbm>>) dst(%arg8 : memref<10000xi32, #tpu.memory_space<vmem>>)
      tpu.yield
    }) : () -> ()
    %dma_start3A_100 = arith.constant 0 : i32
    %dma_start3A_101 = arith.constant 0 : i32
    %dma_start3A_102 = tpu.memref_slice %arg9[%dma_start3A_100, %dma_start3A_101] : memref<400x128xf32, #tpu.memory_space<vmem>> -> memref<80x128xf32, #tpu.memory_space<vmem>>
    %dma_start3A_103 = arith.constant 0 : i32
    %dma_start3A_104 = tpu.memref_slice %arg8[%dma_start3A_103] : memref<10000xi32, #tpu.memory_space<vmem>> -> memref<80xi32, #tpu.memory_space<vmem>>
    %dma_start3A_105 = arith.constant 0 : i32
    %dma_start3A_106 = arith.constant 0 : i32
    %dma_start3A_107 = tpu.memref_slice %arg3[%dma_start3A_105, %dma_start3A_106] : memref<10000x128xf32, #tpu.memory_space<hbm>> -> memref<10000x128xf32, #tpu.memory_space<hbm>>
    tpu.enqueue_indirect_dma source(%dma_start3A_107 : memref<10000x128xf32, #tpu.memory_space<hbm>>) target(%dma_start3A_102 : memref<80x128xf32, #tpu.memory_space<vmem>>) offsets(%dma_start3A_104 : memref<80xi32, #tpu.memory_space<vmem>>) semaphore(%arg11 : memref<!tpu.dma_semaphore, #tpu.memory_space<semaphore_mem>>)
    %dma_start3A_108 = arith.constant 80 : i32
    %dma_start3A_109 = arith.constant 0 : i32
    %dma_start3A_110 = tpu.memref_slice %arg9[%dma_start3A_108, %dma_start3A_109] : memref<400x128xf32, #tpu.memory_space<vmem>> -> memref<80x128xf32, #tpu.memory_space<vmem>>
    %dma_start3A_111 = arith.constant 80 : i32
    %dma_start3A_112 = tpu.memref_slice %arg8[%dma_start3A_111] : memref<10000xi32, #tpu.memory_space<vmem>> -> memref<80xi32, #tpu.memory_space<vmem>>
    %dma_start3A_113 = arith.constant 0 : i32
    %dma_start3A_114 = arith.constant 0 : i32
    %dma_start3A_115 = tpu.memref_slice %arg3[%dma_start3A_113, %dma_start3A_114] : memref<10000x128xf32, #tpu.memory_space<hbm>> -> memref<10000x128xf32, #tpu.memory_space<hbm>>
    tpu.enqueue_indirect_dma source(%dma_start3A_115 : memref<10000x128xf32, #tpu.memory_space<hbm>>) target(%dma_start3A_110 : memref<80x128xf32, #tpu.memory_space<vmem>>) offsets(%dma_start3A_112 : memref<80xi32, #tpu.memory_space<vmem>>) semaphore(%arg11 : memref<!tpu.dma_semaphore, #tpu.memory_space<semaphore_mem>>)
    %dma_start3A_116 = arith.constant 160 : i32
    %dma_start3A_117 = arith.constant 0 : i32
    %dma_start3A_118 = tpu.memref_slice %arg9[%dma_start3A_116, %dma_start3A_117] : memref<400x128xf32, #tpu.memory_space<vmem>> -> memref<80x128xf32, #tpu.memory_space<vmem>>
    %dma_start3A_119 = arith.constant 160 : i32
    %dma_start3A_120 = tpu.memref_slice %arg8[%dma_start3A_119] : memref<10000xi32, #tpu.memory_space<vmem>> -> memref<80xi32, #tpu.memory_space<vmem>>
    %dma_start3A_121 = arith.constant 0 : i32
    %dma_start3A_122 = arith.constant 0 : i32
    %dma_start3A_123 = tpu.memref_slice %arg3[%dma_start3A_121, %dma_start3A_122] : memref<10000x128xf32, #tpu.memory_space<hbm>> -> memref<10000x128xf32, #tpu.memory_space<hbm>>
    tpu.enqueue_indirect_dma source(%dma_start3A_123 : memref<10000x128xf32, #tpu.memory_space<hbm>>) target(%dma_start3A_118 : memref<80x128xf32, #tpu.memory_space<vmem>>) offsets(%dma_start3A_120 : memref<80xi32, #tpu.memory_space<vmem>>) semaphore(%arg11 : memref<!tpu.dma_semaphore, #tpu.memory_space<semaphore_mem>>)
    %dma_start3A_124 = arith.constant 240 : i32
    %dma_start3A_125 = arith.constant 0 : i32
    %dma_start3A_126 = tpu.memref_slice %arg9[%dma_start3A_124, %dma_start3A_125] : memref<400x128xf32, #tpu.memory_space<vmem>> -> memref<80x128xf32, #tpu.memory_space<vmem>>
    %dma_start3A_127 = arith.constant 240 : i32
    %dma_start3A_128 = tpu.memref_slice %arg8[%dma_start3A_127] : memref<10000xi32, #tpu.memory_space<vmem>> -> memref<80xi32, #tpu.memory_space<vmem>>
    %dma_start3A_129 = arith.constant 0 : i32
    %dma_start3A_130 = arith.constant 0 : i32
    %dma_start3A_131 = tpu.memref_slice %arg3[%dma_start3A_129, %dma_start3A_130] : memref<10000x128xf32, #tpu.memory_space<hbm>> -> memref<10000x128xf32, #tpu.memory_space<hbm>>
    tpu.enqueue_indirect_dma source(%dma_start3A_131 : memref<10000x128xf32, #tpu.memory_space<hbm>>) target(%dma_start3A_126 : memref<80x128xf32, #tpu.memory_space<vmem>>) offsets(%dma_start3A_128 : memref<80xi32, #tpu.memory_space<vmem>>) semaphore(%arg11 : memref<!tpu.dma_semaphore, #tpu.memory_space<semaphore_mem>>)
    %dma_start3A_132 = arith.constant 320 : i32
    %dma_start3A_133 = arith.constant 0 : i32
    %dma_start3A_134 = tpu.memref_slice %arg9[%dma_start3A_132, %dma_start3A_133] : memref<400x128xf32, #tpu.memory_space<vmem>> -> memref<80x128xf32, #tpu.memory_space<vmem>>
    %dma_start3A_135 = arith.constant 320 : i32
    %dma_start3A_136 = tpu.memref_slice %arg8[%dma_start3A_135] : memref<10000xi32, #tpu.memory_space<vmem>> -> memref<80xi32, #tpu.memory_space<vmem>>
    %dma_start3A_137 = arith.constant 0 : i32
    %dma_start3A_138 = arith.constant 0 : i32
    %dma_start3A_139 = tpu.memref_slice %arg3[%dma_start3A_137, %dma_start3A_138] : memref<10000x128xf32, #tpu.memory_space<hbm>> -> memref<10000x128xf32, #tpu.memory_space<hbm>>
    tpu.enqueue_indirect_dma source(%dma_start3A_139 : memref<10000x128xf32, #tpu.memory_space<hbm>>) target(%dma_start3A_134 : memref<80x128xf32, #tpu.memory_space<vmem>>) offsets(%dma_start3A_136 : memref<80xi32, #tpu.memory_space<vmem>>) semaphore(%arg11 : memref<!tpu.dma_semaphore, #tpu.memory_space<semaphore_mem>>)
    %scan3A_140 = arith.constant 0 : i32
    %scan3A_141 = arith.constant 0 : i32
    %scan3A_142 = arith.constant 12 : i32
    %scan3A_143 = arith.addi %scan3A_141, %scan3A_142 : i32
    %scan3A_144 = arith.constant 1 : i32
    scf.for %scan3A_200 = %scan3A_141 to %scan3A_143 step %scan3A_144  : i32 {
      %mul3A_201 = arith.constant 2 : i32
      %mul3A_202 = arith.muli %mul3A_201, %scan3A_200 : i32
      %add3A_203 = arith.constant 1 : i32
      %add3A_204 = arith.addi %mul3A_202, %add3A_203 : i32
      %mul3A_205 = arith.constant 2 : i32
      %mul3A_206 = arith.muli %mul3A_205, %scan3A_200 : i32
      %add3A_207 = arith.constant 2 : i32
      %add3A_208 = arith.addi %mul3A_206, %add3A_207 : i32
      %gt3A = arith.constant 0 : i32
      %gt3A_209 = arith.cmpi sgt, %scan3A_200, %gt3A : i32
      %convert_element_type3A = arith.extui %gt3A_209 : i1 to i32
      %cond3A = arith.constant 0 : i32
      %cond3A_210 = arith.cmpi ne, %convert_element_type3A, %cond3A : i32
      scf.if %cond3A_210 {
        %dma_wait3A_452 = arith.constant 0 : i32
        %dma_wait3A_453 = tpu.memref_slice %arg7[%mul3A_2, %dma_wait3A_452] : memref<320000x128xf32, #tpu.memory_space<hbm>> -> memref<400x128xf32, #tpu.memory_space<hbm>>
        %dma_wait3A_454 = arith.constant 0 : i32
        %dma_wait3A_455 = tpu.memref_slice %arg7[%mul3A_2, %dma_wait3A_454] : memref<320000x128xf32, #tpu.memory_space<hbm>> -> memref<400x128xf32, #tpu.memory_space<hbm>>
        tpu.wait_dma2 semaphore(%arg14 : memref<!tpu.dma_semaphore, #tpu.memory_space<semaphore_mem>>) src(%arg10 : memref<400x128xf32, #tpu.memory_space<vmem>>) dst(%dma_wait3A_455 : memref<400x128xf32, #tpu.memory_space<hbm>>)
      } else {
      }
      %mul3A_211 = arith.constant 400 : i32
      %mul3A_212 = arith.muli %add3A_204, %mul3A_211 : i32
      %add3A_213 = arith.constant 0 : i32
      %add3A_214 = arith.addi %mul3A_212, %add3A_213 : i32
      %dma_start3A_215 = arith.constant 0 : i32
      %dma_start3A_216 = arith.constant 0 : i32
      %dma_start3A_217 = tpu.memref_slice %arg10[%dma_start3A_215, %dma_start3A_216] : memref<400x128xf32, #tpu.memory_space<vmem>> -> memref<80x128xf32, #tpu.memory_space<vmem>>
      %dma_start3A_218 = tpu.memref_slice %arg8[%add3A_214] : memref<10000xi32, #tpu.memory_space<vmem>> -> memref<80xi32, #tpu.memory_space<vmem>>
      %dma_start3A_219 = arith.constant 0 : i32
      %dma_start3A_220 = arith.constant 0 : i32
      %dma_start3A_221 = tpu.memref_slice %arg3[%dma_start3A_219, %dma_start3A_220] : memref<10000x128xf32, #tpu.memory_space<hbm>> -> memref<10000x128xf32, #tpu.memory_space<hbm>>
      tpu.enqueue_indirect_dma source(%dma_start3A_221 : memref<10000x128xf32, #tpu.memory_space<hbm>>) target(%dma_start3A_217 : memref<80x128xf32, #tpu.memory_space<vmem>>) offsets(%dma_start3A_218 : memref<80xi32, #tpu.memory_space<vmem>>) semaphore(%arg12 : memref<!tpu.dma_semaphore, #tpu.memory_space<semaphore_mem>>)
      %mul3A_222 = arith.constant 400 : i32
      %mul3A_223 = arith.muli %add3A_204, %mul3A_222 : i32
      %add3A_224 = arith.constant 80 : i32
      %add3A_225 = arith.addi %mul3A_223, %add3A_224 : i32
      %dma_start3A_226 = arith.constant 80 : i32
      %dma_start3A_227 = arith.constant 0 : i32
      %dma_start3A_228 = tpu.memref_slice %arg10[%dma_start3A_226, %dma_start3A_227] : memref<400x128xf32, #tpu.memory_space<vmem>> -> memref<80x128xf32, #tpu.memory_space<vmem>>
      %dma_start3A_229 = tpu.memref_slice %arg8[%add3A_225] : memref<10000xi32, #tpu.memory_space<vmem>> -> memref<80xi32, #tpu.memory_space<vmem>>
      %dma_start3A_230 = arith.constant 0 : i32
      %dma_start3A_231 = arith.constant 0 : i32
      %dma_start3A_232 = tpu.memref_slice %arg3[%dma_start3A_230, %dma_start3A_231] : memref<10000x128xf32, #tpu.memory_space<hbm>> -> memref<10000x128xf32, #tpu.memory_space<hbm>>
      tpu.enqueue_indirect_dma source(%dma_start3A_232 : memref<10000x128xf32, #tpu.memory_space<hbm>>) target(%dma_start3A_228 : memref<80x128xf32, #tpu.memory_space<vmem>>) offsets(%dma_start3A_229 : memref<80xi32, #tpu.memory_space<vmem>>) semaphore(%arg12 : memref<!tpu.dma_semaphore, #tpu.memory_space<semaphore_mem>>)
      %mul3A_233 = arith.constant 400 : i32
      %mul3A_234 = arith.muli %add3A_204, %mul3A_233 : i32
      %add3A_235 = arith.constant 160 : i32
      %add3A_236 = arith.addi %mul3A_234, %add3A_235 : i32
      %dma_start3A_237 = arith.constant 160 : i32
      %dma_start3A_238 = arith.constant 0 : i32
      %dma_start3A_239 = tpu.memref_slice %arg10[%dma_start3A_237, %dma_start3A_238] : memref<400x128xf32, #tpu.memory_space<vmem>> -> memref<80x128xf32, #tpu.memory_space<vmem>>
      %dma_start3A_240 = tpu.memref_slice %arg8[%add3A_236] : memref<10000xi32, #tpu.memory_space<vmem>> -> memref<80xi32, #tpu.memory_space<vmem>>
      %dma_start3A_241 = arith.constant 0 : i32
      %dma_start3A_242 = arith.constant 0 : i32
      %dma_start3A_243 = tpu.memref_slice %arg3[%dma_start3A_241, %dma_start3A_242] : memref<10000x128xf32, #tpu.memory_space<hbm>> -> memref<10000x128xf32, #tpu.memory_space<hbm>>
      tpu.enqueue_indirect_dma source(%dma_start3A_243 : memref<10000x128xf32, #tpu.memory_space<hbm>>) target(%dma_start3A_239 : memref<80x128xf32, #tpu.memory_space<vmem>>) offsets(%dma_start3A_240 : memref<80xi32, #tpu.memory_space<vmem>>) semaphore(%arg12 : memref<!tpu.dma_semaphore, #tpu.memory_space<semaphore_mem>>)
      %mul3A_244 = arith.constant 400 : i32
      %mul3A_245 = arith.muli %add3A_204, %mul3A_244 : i32
      %add3A_246 = arith.constant 240 : i32
      %add3A_247 = arith.addi %mul3A_245, %add3A_246 : i32
      %dma_start3A_248 = arith.constant 240 : i32
      %dma_start3A_249 = arith.constant 0 : i32
      %dma_start3A_250 = tpu.memref_slice %arg10[%dma_start3A_248, %dma_start3A_249] : memref<400x128xf32, #tpu.memory_space<vmem>> -> memref<80x128xf32, #tpu.memory_space<vmem>>
      %dma_start3A_251 = tpu.memref_slice %arg8[%add3A_247] : memref<10000xi32, #tpu.memory_space<vmem>> -> memref<80xi32, #tpu.memory_space<vmem>>
      %dma_start3A_252 = arith.constant 0 : i32
      %dma_start3A_253 = arith.constant 0 : i32
      %dma_start3A_254 = tpu.memref_slice %arg3[%dma_start3A_252, %dma_start3A_253] : memref<10000x128xf32, #tpu.memory_space<hbm>> -> memref<10000x128xf32, #tpu.memory_space<hbm>>
      tpu.enqueue_indirect_dma source(%dma_start3A_254 : memref<10000x128xf32, #tpu.memory_space<hbm>>) target(%dma_start3A_250 : memref<80x128xf32, #tpu.memory_space<vmem>>) offsets(%dma_start3A_251 : memref<80xi32, #tpu.memory_space<vmem>>) semaphore(%arg12 : memref<!tpu.dma_semaphore, #tpu.memory_space<semaphore_mem>>)
      %mul3A_255 = arith.constant 400 : i32
      %mul3A_256 = arith.muli %add3A_204, %mul3A_255 : i32
      %add3A_257 = arith.constant 320 : i32
      %add3A_258 = arith.addi %mul3A_256, %add3A_257 : i32
      %dma_start3A_259 = arith.constant 320 : i32
      %dma_start3A_260 = arith.constant 0 : i32
      %dma_start3A_261 = tpu.memref_slice %arg10[%dma_start3A_259, %dma_start3A_260] : memref<400x128xf32, #tpu.memory_space<vmem>> -> memref<80x128xf32, #tpu.memory_space<vmem>>
      %dma_start3A_262 = tpu.memref_slice %arg8[%add3A_258] : memref<10000xi32, #tpu.memory_space<vmem>> -> memref<80xi32, #tpu.memory_space<vmem>>
      %dma_start3A_263 = arith.constant 0 : i32
      %dma_start3A_264 = arith.constant 0 : i32
      %dma_start3A_265 = tpu.memref_slice %arg3[%dma_start3A_263, %dma_start3A_264] : memref<10000x128xf32, #tpu.memory_space<hbm>> -> memref<10000x128xf32, #tpu.memory_space<hbm>>
      tpu.enqueue_indirect_dma source(%dma_start3A_265 : memref<10000x128xf32, #tpu.memory_space<hbm>>) target(%dma_start3A_261 : memref<80x128xf32, #tpu.memory_space<vmem>>) offsets(%dma_start3A_262 : memref<80xi32, #tpu.memory_space<vmem>>) semaphore(%arg12 : memref<!tpu.dma_semaphore, #tpu.memory_space<semaphore_mem>>)
      %sub3A = arith.constant 1 : i32
      %sub3A_266 = arith.subi %add3A_204, %sub3A : i32
      %mul3A_267 = arith.constant 400 : i32
      %mul3A_268 = arith.muli %sub3A_266, %mul3A_267 : i32
      %add3A_269 = arith.constant 0 : i32
      %add3A_270 = arith.addi %mul3A_268, %add3A_269 : i32
      %dma_wait3A_271 = arith.constant 0 : i32
      %dma_wait3A_272 = arith.constant 0 : i32
      %dma_wait3A_273 = tpu.memref_slice %arg9[%dma_wait3A_271, %dma_wait3A_272] : memref<400x128xf32, #tpu.memory_space<vmem>> -> memref<80x128xf32, #tpu.memory_space<vmem>>
      %dma_wait3A_274 = tpu.memref_slice %arg8[%add3A_270] : memref<10000xi32, #tpu.memory_space<vmem>> -> memref<80xi32, #tpu.memory_space<vmem>>
      %dma_wait3A_275 = arith.constant 0 : i32
      %dma_wait3A_276 = arith.constant 0 : i32
      %dma_wait3A_277 = tpu.memref_slice %arg3[%dma_wait3A_275, %dma_wait3A_276] : memref<10000x128xf32, #tpu.memory_space<hbm>> -> memref<10000x128xf32, #tpu.memory_space<hbm>>
      tpu.wait_indirect_dma semaphore(%arg11 : memref<!tpu.dma_semaphore, #tpu.memory_space<semaphore_mem>>) src(%dma_wait3A_277 : memref<10000x128xf32, #tpu.memory_space<hbm>>) dst(%dma_wait3A_273 : memref<80x128xf32, #tpu.memory_space<vmem>>)
      %mul3A_278 = arith.constant 400 : i32
      %mul3A_279 = arith.muli %sub3A_266, %mul3A_278 : i32
      %add3A_280 = arith.constant 80 : i32
      %add3A_281 = arith.addi %mul3A_279, %add3A_280 : i32
      %dma_wait3A_282 = arith.constant 80 : i32
      %dma_wait3A_283 = arith.constant 0 : i32
      %dma_wait3A_284 = tpu.memref_slice %arg9[%dma_wait3A_282, %dma_wait3A_283] : memref<400x128xf32, #tpu.memory_space<vmem>> -> memref<80x128xf32, #tpu.memory_space<vmem>>
      %dma_wait3A_285 = tpu.memref_slice %arg8[%add3A_281] : memref<10000xi32, #tpu.memory_space<vmem>> -> memref<80xi32, #tpu.memory_space<vmem>>
      %dma_wait3A_286 = arith.constant 0 : i32
      %dma_wait3A_287 = arith.constant 0 : i32
      %dma_wait3A_288 = tpu.memref_slice %arg3[%dma_wait3A_286, %dma_wait3A_287] : memref<10000x128xf32, #tpu.memory_space<hbm>> -> memref<10000x128xf32, #tpu.memory_space<hbm>>
      tpu.wait_indirect_dma semaphore(%arg11 : memref<!tpu.dma_semaphore, #tpu.memory_space<semaphore_mem>>) src(%dma_wait3A_288 : memref<10000x128xf32, #tpu.memory_space<hbm>>) dst(%dma_wait3A_284 : memref<80x128xf32, #tpu.memory_space<vmem>>)
      %mul3A_289 = arith.constant 400 : i32
      %mul3A_290 = arith.muli %sub3A_266, %mul3A_289 : i32
      %add3A_291 = arith.constant 160 : i32
      %add3A_292 = arith.addi %mul3A_290, %add3A_291 : i32
      %dma_wait3A_293 = arith.constant 160 : i32
      %dma_wait3A_294 = arith.constant 0 : i32
      %dma_wait3A_295 = tpu.memref_slice %arg9[%dma_wait3A_293, %dma_wait3A_294] : memref<400x128xf32, #tpu.memory_space<vmem>> -> memref<80x128xf32, #tpu.memory_space<vmem>>
      %dma_wait3A_296 = tpu.memref_slice %arg8[%add3A_292] : memref<10000xi32, #tpu.memory_space<vmem>> -> memref<80xi32, #tpu.memory_space<vmem>>
      %dma_wait3A_297 = arith.constant 0 : i32
      %dma_wait3A_298 = arith.constant 0 : i32
      %dma_wait3A_299 = tpu.memref_slice %arg3[%dma_wait3A_297, %dma_wait3A_298] : memref<10000x128xf32, #tpu.memory_space<hbm>> -> memref<10000x128xf32, #tpu.memory_space<hbm>>
      tpu.wait_indirect_dma semaphore(%arg11 : memref<!tpu.dma_semaphore, #tpu.memory_space<semaphore_mem>>) src(%dma_wait3A_299 : memref<10000x128xf32, #tpu.memory_space<hbm>>) dst(%dma_wait3A_295 : memref<80x128xf32, #tpu.memory_space<vmem>>)
      %mul3A_300 = arith.constant 400 : i32
      %mul3A_301 = arith.muli %sub3A_266, %mul3A_300 : i32
      %add3A_302 = arith.constant 240 : i32
      %add3A_303 = arith.addi %mul3A_301, %add3A_302 : i32
      %dma_wait3A_304 = arith.constant 240 : i32
      %dma_wait3A_305 = arith.constant 0 : i32
      %dma_wait3A_306 = tpu.memref_slice %arg9[%dma_wait3A_304, %dma_wait3A_305] : memref<400x128xf32, #tpu.memory_space<vmem>> -> memref<80x128xf32, #tpu.memory_space<vmem>>
      %dma_wait3A_307 = tpu.memref_slice %arg8[%add3A_303] : memref<10000xi32, #tpu.memory_space<vmem>> -> memref<80xi32, #tpu.memory_space<vmem>>
      %dma_wait3A_308 = arith.constant 0 : i32
      %dma_wait3A_309 = arith.constant 0 : i32
      %dma_wait3A_310 = tpu.memref_slice %arg3[%dma_wait3A_308, %dma_wait3A_309] : memref<10000x128xf32, #tpu.memory_space<hbm>> -> memref<10000x128xf32, #tpu.memory_space<hbm>>
      tpu.wait_indirect_dma semaphore(%arg11 : memref<!tpu.dma_semaphore, #tpu.memory_space<semaphore_mem>>) src(%dma_wait3A_310 : memref<10000x128xf32, #tpu.memory_space<hbm>>) dst(%dma_wait3A_306 : memref<80x128xf32, #tpu.memory_space<vmem>>)
      %mul3A_311 = arith.constant 400 : i32
      %mul3A_312 = arith.muli %sub3A_266, %mul3A_311 : i32
      %add3A_313 = arith.constant 320 : i32
      %add3A_314 = arith.addi %mul3A_312, %add3A_313 : i32
      %dma_wait3A_315 = arith.constant 320 : i32
      %dma_wait3A_316 = arith.constant 0 : i32
      %dma_wait3A_317 = tpu.memref_slice %arg9[%dma_wait3A_315, %dma_wait3A_316] : memref<400x128xf32, #tpu.memory_space<vmem>> -> memref<80x128xf32, #tpu.memory_space<vmem>>
      %dma_wait3A_318 = tpu.memref_slice %arg8[%add3A_314] : memref<10000xi32, #tpu.memory_space<vmem>> -> memref<80xi32, #tpu.memory_space<vmem>>
      %dma_wait3A_319 = arith.constant 0 : i32
      %dma_wait3A_320 = arith.constant 0 : i32
      %dma_wait3A_321 = tpu.memref_slice %arg3[%dma_wait3A_319, %dma_wait3A_320] : memref<10000x128xf32, #tpu.memory_space<hbm>> -> memref<10000x128xf32, #tpu.memory_space<hbm>>
      tpu.wait_indirect_dma semaphore(%arg11 : memref<!tpu.dma_semaphore, #tpu.memory_space<semaphore_mem>>) src(%dma_wait3A_321 : memref<10000x128xf32, #tpu.memory_space<hbm>>) dst(%dma_wait3A_317 : memref<80x128xf32, #tpu.memory_space<vmem>>)
      %sub3A_322 = arith.constant 1 : i32
      %sub3A_323 = arith.subi %add3A_204, %sub3A_322 : i32
      %mul3A_324 = arith.constant 400 : i32
      %mul3A_325 = arith.muli %sub3A_323, %mul3A_324 : i32
      %add3A_326 = arith.addi %mul3A_2, %mul3A_325 : i32
      %dma_start3A_327 = arith.constant 0 : i32
      %dma_start3A_328 = tpu.memref_slice %arg7[%add3A_326, %dma_start3A_327] : memref<320000x128xf32, #tpu.memory_space<hbm>> -> memref<400x128xf32, #tpu.memory_space<hbm>>
      %dma_start3A_329 = arith.constant 0 : i32
      %dma_start3A_330 = tpu.memref_slice %arg7[%add3A_326, %dma_start3A_329] : memref<320000x128xf32, #tpu.memory_space<hbm>> -> memref<400x128xf32, #tpu.memory_space<hbm>>
      tpu.enqueue_dma source(%arg9 : memref<400x128xf32, #tpu.memory_space<vmem>>) target(%dma_start3A_330 : memref<400x128xf32, #tpu.memory_space<hbm>>) target_semaphore(%arg13 : memref<!tpu.dma_semaphore, #tpu.memory_space<semaphore_mem>>)
      %dma_wait3A_331 = arith.constant 0 : i32
      %dma_wait3A_332 = tpu.memref_slice %arg7[%mul3A_2, %dma_wait3A_331] : memref<320000x128xf32, #tpu.memory_space<hbm>> -> memref<400x128xf32, #tpu.memory_space<hbm>>
      %dma_wait3A_333 = arith.constant 0 : i32
      %dma_wait3A_334 = tpu.memref_slice %arg7[%mul3A_2, %dma_wait3A_333] : memref<320000x128xf32, #tpu.memory_space<hbm>> -> memref<400x128xf32, #tpu.memory_space<hbm>>
      tpu.wait_dma2 semaphore(%arg13 : memref<!tpu.dma_semaphore, #tpu.memory_space<semaphore_mem>>) src(%arg9 : memref<400x128xf32, #tpu.memory_space<vmem>>) dst(%dma_wait3A_334 : memref<400x128xf32, #tpu.memory_space<hbm>>)
      %mul3A_335 = arith.constant 400 : i32
      %mul3A_336 = arith.muli %add3A_208, %mul3A_335 : i32
      %add3A_337 = arith.constant 0 : i32
      %add3A_338 = arith.addi %mul3A_336, %add3A_337 : i32
      %dma_start3A_339 = arith.constant 0 : i32
      %dma_start3A_340 = arith.constant 0 : i32
      %dma_start3A_341 = tpu.memref_slice %arg9[%dma_start3A_339, %dma_start3A_340] : memref<400x128xf32, #tpu.memory_space<vmem>> -> memref<80x128xf32, #tpu.memory_space<vmem>>
      %dma_start3A_342 = tpu.memref_slice %arg8[%add3A_338] : memref<10000xi32, #tpu.memory_space<vmem>> -> memref<80xi32, #tpu.memory_space<vmem>>
      %dma_start3A_343 = arith.constant 0 : i32
      %dma_start3A_344 = arith.constant 0 : i32
      %dma_start3A_345 = tpu.memref_slice %arg3[%dma_start3A_343, %dma_start3A_344] : memref<10000x128xf32, #tpu.memory_space<hbm>> -> memref<10000x128xf32, #tpu.memory_space<hbm>>
      tpu.enqueue_indirect_dma source(%dma_start3A_345 : memref<10000x128xf32, #tpu.memory_space<hbm>>) target(%dma_start3A_341 : memref<80x128xf32, #tpu.memory_space<vmem>>) offsets(%dma_start3A_342 : memref<80xi32, #tpu.memory_space<vmem>>) semaphore(%arg11 : memref<!tpu.dma_semaphore, #tpu.memory_space<semaphore_mem>>)
      %mul3A_346 = arith.constant 400 : i32
      %mul3A_347 = arith.muli %add3A_208, %mul3A_346 : i32
      %add3A_348 = arith.constant 80 : i32
      %add3A_349 = arith.addi %mul3A_347, %add3A_348 : i32
      %dma_start3A_350 = arith.constant 80 : i32
      %dma_start3A_351 = arith.constant 0 : i32
      %dma_start3A_352 = tpu.memref_slice %arg9[%dma_start3A_350, %dma_start3A_351] : memref<400x128xf32, #tpu.memory_space<vmem>> -> memref<80x128xf32, #tpu.memory_space<vmem>>
      %dma_start3A_353 = tpu.memref_slice %arg8[%add3A_349] : memref<10000xi32, #tpu.memory_space<vmem>> -> memref<80xi32, #tpu.memory_space<vmem>>
      %dma_start3A_354 = arith.constant 0 : i32
      %dma_start3A_355 = arith.constant 0 : i32
      %dma_start3A_356 = tpu.memref_slice %arg3[%dma_start3A_354, %dma_start3A_355] : memref<10000x128xf32, #tpu.memory_space<hbm>> -> memref<10000x128xf32, #tpu.memory_space<hbm>>
      tpu.enqueue_indirect_dma source(%dma_start3A_356 : memref<10000x128xf32, #tpu.memory_space<hbm>>) target(%dma_start3A_352 : memref<80x128xf32, #tpu.memory_space<vmem>>) offsets(%dma_start3A_353 : memref<80xi32, #tpu.memory_space<vmem>>) semaphore(%arg11 : memref<!tpu.dma_semaphore, #tpu.memory_space<semaphore_mem>>)
      %mul3A_357 = arith.constant 400 : i32
      %mul3A_358 = arith.muli %add3A_208, %mul3A_357 : i32
      %add3A_359 = arith.constant 160 : i32
      %add3A_360 = arith.addi %mul3A_358, %add3A_359 : i32
      %dma_start3A_361 = arith.constant 160 : i32
      %dma_start3A_362 = arith.constant 0 : i32
      %dma_start3A_363 = tpu.memref_slice %arg9[%dma_start3A_361, %dma_start3A_362] : memref<400x128xf32, #tpu.memory_space<vmem>> -> memref<80x128xf32, #tpu.memory_space<vmem>>
      %dma_start3A_364 = tpu.memref_slice %arg8[%add3A_360] : memref<10000xi32, #tpu.memory_space<vmem>> -> memref<80xi32, #tpu.memory_space<vmem>>
      %dma_start3A_365 = arith.constant 0 : i32
      %dma_start3A_366 = arith.constant 0 : i32
      %dma_start3A_367 = tpu.memref_slice %arg3[%dma_start3A_365, %dma_start3A_366] : memref<10000x128xf32, #tpu.memory_space<hbm>> -> memref<10000x128xf32, #tpu.memory_space<hbm>>
      tpu.enqueue_indirect_dma source(%dma_start3A_367 : memref<10000x128xf32, #tpu.memory_space<hbm>>) target(%dma_start3A_363 : memref<80x128xf32, #tpu.memory_space<vmem>>) offsets(%dma_start3A_364 : memref<80xi32, #tpu.memory_space<vmem>>) semaphore(%arg11 : memref<!tpu.dma_semaphore, #tpu.memory_space<semaphore_mem>>)
      %mul3A_368 = arith.constant 400 : i32
      %mul3A_369 = arith.muli %add3A_208, %mul3A_368 : i32
      %add3A_370 = arith.constant 240 : i32
      %add3A_371 = arith.addi %mul3A_369, %add3A_370 : i32
      %dma_start3A_372 = arith.constant 240 : i32
      %dma_start3A_373 = arith.constant 0 : i32
      %dma_start3A_374 = tpu.memref_slice %arg9[%dma_start3A_372, %dma_start3A_373] : memref<400x128xf32, #tpu.memory_space<vmem>> -> memref<80x128xf32, #tpu.memory_space<vmem>>
      %dma_start3A_375 = tpu.memref_slice %arg8[%add3A_371] : memref<10000xi32, #tpu.memory_space<vmem>> -> memref<80xi32, #tpu.memory_space<vmem>>
      %dma_start3A_376 = arith.constant 0 : i32
      %dma_start3A_377 = arith.constant 0 : i32
      %dma_start3A_378 = tpu.memref_slice %arg3[%dma_start3A_376, %dma_start3A_377] : memref<10000x128xf32, #tpu.memory_space<hbm>> -> memref<10000x128xf32, #tpu.memory_space<hbm>>
      tpu.enqueue_indirect_dma source(%dma_start3A_378 : memref<10000x128xf32, #tpu.memory_space<hbm>>) target(%dma_start3A_374 : memref<80x128xf32, #tpu.memory_space<vmem>>) offsets(%dma_start3A_375 : memref<80xi32, #tpu.memory_space<vmem>>) semaphore(%arg11 : memref<!tpu.dma_semaphore, #tpu.memory_space<semaphore_mem>>)
      %mul3A_379 = arith.constant 400 : i32
      %mul3A_380 = arith.muli %add3A_208, %mul3A_379 : i32
      %add3A_381 = arith.constant 320 : i32
      %add3A_382 = arith.addi %mul3A_380, %add3A_381 : i32
      %dma_start3A_383 = arith.constant 320 : i32
      %dma_start3A_384 = arith.constant 0 : i32
      %dma_start3A_385 = tpu.memref_slice %arg9[%dma_start3A_383, %dma_start3A_384] : memref<400x128xf32, #tpu.memory_space<vmem>> -> memref<80x128xf32, #tpu.memory_space<vmem>>
      %dma_start3A_386 = tpu.memref_slice %arg8[%add3A_382] : memref<10000xi32, #tpu.memory_space<vmem>> -> memref<80xi32, #tpu.memory_space<vmem>>
      %dma_start3A_387 = arith.constant 0 : i32
      %dma_start3A_388 = arith.constant 0 : i32
      %dma_start3A_389 = tpu.memref_slice %arg3[%dma_start3A_387, %dma_start3A_388] : memref<10000x128xf32, #tpu.memory_space<hbm>> -> memref<10000x128xf32, #tpu.memory_space<hbm>>
      tpu.enqueue_indirect_dma source(%dma_start3A_389 : memref<10000x128xf32, #tpu.memory_space<hbm>>) target(%dma_start3A_385 : memref<80x128xf32, #tpu.memory_space<vmem>>) offsets(%dma_start3A_386 : memref<80xi32, #tpu.memory_space<vmem>>) semaphore(%arg11 : memref<!tpu.dma_semaphore, #tpu.memory_space<semaphore_mem>>)
      %mul3A_390 = arith.constant 400 : i32
      %mul3A_391 = arith.muli %add3A_204, %mul3A_390 : i32
      %add3A_392 = arith.constant 0 : i32
      %add3A_393 = arith.addi %mul3A_391, %add3A_392 : i32
      %dma_wait3A_394 = arith.constant 0 : i32
      %dma_wait3A_395 = arith.constant 0 : i32
      %dma_wait3A_396 = tpu.memref_slice %arg10[%dma_wait3A_394, %dma_wait3A_395] : memref<400x128xf32, #tpu.memory_space<vmem>> -> memref<80x128xf32, #tpu.memory_space<vmem>>
      %dma_wait3A_397 = tpu.memref_slice %arg8[%add3A_393] : memref<10000xi32, #tpu.memory_space<vmem>> -> memref<80xi32, #tpu.memory_space<vmem>>
      %dma_wait3A_398 = arith.constant 0 : i32
      %dma_wait3A_399 = arith.constant 0 : i32
      %dma_wait3A_400 = tpu.memref_slice %arg3[%dma_wait3A_398, %dma_wait3A_399] : memref<10000x128xf32, #tpu.memory_space<hbm>> -> memref<10000x128xf32, #tpu.memory_space<hbm>>
      tpu.wait_indirect_dma semaphore(%arg12 : memref<!tpu.dma_semaphore, #tpu.memory_space<semaphore_mem>>) src(%dma_wait3A_400 : memref<10000x128xf32, #tpu.memory_space<hbm>>) dst(%dma_wait3A_396 : memref<80x128xf32, #tpu.memory_space<vmem>>)
      %mul3A_401 = arith.constant 400 : i32
      %mul3A_402 = arith.muli %add3A_204, %mul3A_401 : i32
      %add3A_403 = arith.constant 80 : i32
      %add3A_404 = arith.addi %mul3A_402, %add3A_403 : i32
      %dma_wait3A_405 = arith.constant 80 : i32
      %dma_wait3A_406 = arith.constant 0 : i32
      %dma_wait3A_407 = tpu.memref_slice %arg10[%dma_wait3A_405, %dma_wait3A_406] : memref<400x128xf32, #tpu.memory_space<vmem>> -> memref<80x128xf32, #tpu.memory_space<vmem>>
      %dma_wait3A_408 = tpu.memref_slice %arg8[%add3A_404] : memref<10000xi32, #tpu.memory_space<vmem>> -> memref<80xi32, #tpu.memory_space<vmem>>
      %dma_wait3A_409 = arith.constant 0 : i32
      %dma_wait3A_410 = arith.constant 0 : i32
      %dma_wait3A_411 = tpu.memref_slice %arg3[%dma_wait3A_409, %dma_wait3A_410] : memref<10000x128xf32, #tpu.memory_space<hbm>> -> memref<10000x128xf32, #tpu.memory_space<hbm>>
      tpu.wait_indirect_dma semaphore(%arg12 : memref<!tpu.dma_semaphore, #tpu.memory_space<semaphore_mem>>) src(%dma_wait3A_411 : memref<10000x128xf32, #tpu.memory_space<hbm>>) dst(%dma_wait3A_407 : memref<80x128xf32, #tpu.memory_space<vmem>>)
      %mul3A_412 = arith.constant 400 : i32
      %mul3A_413 = arith.muli %add3A_204, %mul3A_412 : i32
      %add3A_414 = arith.constant 160 : i32
      %add3A_415 = arith.addi %mul3A_413, %add3A_414 : i32
      %dma_wait3A_416 = arith.constant 160 : i32
      %dma_wait3A_417 = arith.constant 0 : i32
      %dma_wait3A_418 = tpu.memref_slice %arg10[%dma_wait3A_416, %dma_wait3A_417] : memref<400x128xf32, #tpu.memory_space<vmem>> -> memref<80x128xf32, #tpu.memory_space<vmem>>
      %dma_wait3A_419 = tpu.memref_slice %arg8[%add3A_415] : memref<10000xi32, #tpu.memory_space<vmem>> -> memref<80xi32, #tpu.memory_space<vmem>>
      %dma_wait3A_420 = arith.constant 0 : i32
      %dma_wait3A_421 = arith.constant 0 : i32
      %dma_wait3A_422 = tpu.memref_slice %arg3[%dma_wait3A_420, %dma_wait3A_421] : memref<10000x128xf32, #tpu.memory_space<hbm>> -> memref<10000x128xf32, #tpu.memory_space<hbm>>
      tpu.wait_indirect_dma semaphore(%arg12 : memref<!tpu.dma_semaphore, #tpu.memory_space<semaphore_mem>>) src(%dma_wait3A_422 : memref<10000x128xf32, #tpu.memory_space<hbm>>) dst(%dma_wait3A_418 : memref<80x128xf32, #tpu.memory_space<vmem>>)
      %mul3A_423 = arith.constant 400 : i32
      %mul3A_424 = arith.muli %add3A_204, %mul3A_423 : i32
      %add3A_425 = arith.constant 240 : i32
      %add3A_426 = arith.addi %mul3A_424, %add3A_425 : i32
      %dma_wait3A_427 = arith.constant 240 : i32
      %dma_wait3A_428 = arith.constant 0 : i32
      %dma_wait3A_429 = tpu.memref_slice %arg10[%dma_wait3A_427, %dma_wait3A_428] : memref<400x128xf32, #tpu.memory_space<vmem>> -> memref<80x128xf32, #tpu.memory_space<vmem>>
      %dma_wait3A_430 = tpu.memref_slice %arg8[%add3A_426] : memref<10000xi32, #tpu.memory_space<vmem>> -> memref<80xi32, #tpu.memory_space<vmem>>
      %dma_wait3A_431 = arith.constant 0 : i32
      %dma_wait3A_432 = arith.constant 0 : i32
      %dma_wait3A_433 = tpu.memref_slice %arg3[%dma_wait3A_431, %dma_wait3A_432] : memref<10000x128xf32, #tpu.memory_space<hbm>> -> memref<10000x128xf32, #tpu.memory_space<hbm>>
      tpu.wait_indirect_dma semaphore(%arg12 : memref<!tpu.dma_semaphore, #tpu.memory_space<semaphore_mem>>) src(%dma_wait3A_433 : memref<10000x128xf32, #tpu.memory_space<hbm>>) dst(%dma_wait3A_429 : memref<80x128xf32, #tpu.memory_space<vmem>>)
      %mul3A_434 = arith.constant 400 : i32
      %mul3A_435 = arith.muli %add3A_204, %mul3A_434 : i32
      %add3A_436 = arith.constant 320 : i32
      %add3A_437 = arith.addi %mul3A_435, %add3A_436 : i32
      %dma_wait3A_438 = arith.constant 320 : i32
      %dma_wait3A_439 = arith.constant 0 : i32
      %dma_wait3A_440 = tpu.memref_slice %arg10[%dma_wait3A_438, %dma_wait3A_439] : memref<400x128xf32, #tpu.memory_space<vmem>> -> memref<80x128xf32, #tpu.memory_space<vmem>>
      %dma_wait3A_441 = tpu.memref_slice %arg8[%add3A_437] : memref<10000xi32, #tpu.memory_space<vmem>> -> memref<80xi32, #tpu.memory_space<vmem>>
      %dma_wait3A_442 = arith.constant 0 : i32
      %dma_wait3A_443 = arith.constant 0 : i32
      %dma_wait3A_444 = tpu.memref_slice %arg3[%dma_wait3A_442, %dma_wait3A_443] : memref<10000x128xf32, #tpu.memory_space<hbm>> -> memref<10000x128xf32, #tpu.memory_space<hbm>>
      tpu.wait_indirect_dma semaphore(%arg12 : memref<!tpu.dma_semaphore, #tpu.memory_space<semaphore_mem>>) src(%dma_wait3A_444 : memref<10000x128xf32, #tpu.memory_space<hbm>>) dst(%dma_wait3A_440 : memref<80x128xf32, #tpu.memory_space<vmem>>)
      %mul3A_445 = arith.constant 400 : i32
      %mul3A_446 = arith.muli %add3A_204, %mul3A_445 : i32
      %add3A_447 = arith.addi %mul3A_2, %mul3A_446 : i32
      %dma_start3A_448 = arith.constant 0 : i32
      %dma_start3A_449 = tpu.memref_slice %arg7[%add3A_447, %dma_start3A_448] : memref<320000x128xf32, #tpu.memory_space<hbm>> -> memref<400x128xf32, #tpu.memory_space<hbm>>
      %dma_start3A_450 = arith.constant 0 : i32
      %dma_start3A_451 = tpu.memref_slice %arg7[%add3A_447, %dma_start3A_450] : memref<320000x128xf32, #tpu.memory_space<hbm>> -> memref<400x128xf32, #tpu.memory_space<hbm>>
      tpu.enqueue_dma source(%arg10 : memref<400x128xf32, #tpu.memory_space<vmem>>) target(%dma_start3A_451 : memref<400x128xf32, #tpu.memory_space<hbm>>) target_semaphore(%arg14 : memref<!tpu.dma_semaphore, #tpu.memory_space<semaphore_mem>>)
    }
    %scan3A_145 = arith.constant 12 : i32
    %dma_wait3A_146 = arith.constant 0 : i32
    %dma_wait3A_147 = arith.constant 0 : i32
    %dma_wait3A_148 = tpu.memref_slice %arg9[%dma_wait3A_146, %dma_wait3A_147] : memref<400x128xf32, #tpu.memory_space<vmem>> -> memref<80x128xf32, #tpu.memory_space<vmem>>
    %dma_wait3A_149 = arith.constant 9600 : i32
    %dma_wait3A_150 = tpu.memref_slice %arg8[%dma_wait3A_149] : memref<10000xi32, #tpu.memory_space<vmem>> -> memref<80xi32, #tpu.memory_space<vmem>>
    %dma_wait3A_151 = arith.constant 0 : i32
    %dma_wait3A_152 = arith.constant 0 : i32
    %dma_wait3A_153 = tpu.memref_slice %arg3[%dma_wait3A_151, %dma_wait3A_152] : memref<10000x128xf32, #tpu.memory_space<hbm>> -> memref<10000x128xf32, #tpu.memory_space<hbm>>
    tpu.wait_indirect_dma semaphore(%arg11 : memref<!tpu.dma_semaphore, #tpu.memory_space<semaphore_mem>>) src(%dma_wait3A_153 : memref<10000x128xf32, #tpu.memory_space<hbm>>) dst(%dma_wait3A_148 : memref<80x128xf32, #tpu.memory_space<vmem>>)
    %dma_wait3A_154 = arith.constant 80 : i32
    %dma_wait3A_155 = arith.constant 0 : i32
    %dma_wait3A_156 = tpu.memref_slice %arg9[%dma_wait3A_154, %dma_wait3A_155] : memref<400x128xf32, #tpu.memory_space<vmem>> -> memref<80x128xf32, #tpu.memory_space<vmem>>
    %dma_wait3A_157 = arith.constant 9680 : i32
    %dma_wait3A_158 = tpu.memref_slice %arg8[%dma_wait3A_157] : memref<10000xi32, #tpu.memory_space<vmem>> -> memref<80xi32, #tpu.memory_space<vmem>>
    %dma_wait3A_159 = arith.constant 0 : i32
    %dma_wait3A_160 = arith.constant 0 : i32
    %dma_wait3A_161 = tpu.memref_slice %arg3[%dma_wait3A_159, %dma_wait3A_160] : memref<10000x128xf32, #tpu.memory_space<hbm>> -> memref<10000x128xf32, #tpu.memory_space<hbm>>
    tpu.wait_indirect_dma semaphore(%arg11 : memref<!tpu.dma_semaphore, #tpu.memory_space<semaphore_mem>>) src(%dma_wait3A_161 : memref<10000x128xf32, #tpu.memory_space<hbm>>) dst(%dma_wait3A_156 : memref<80x128xf32, #tpu.memory_space<vmem>>)
    %dma_wait3A_162 = arith.constant 160 : i32
    %dma_wait3A_163 = arith.constant 0 : i32
    %dma_wait3A_164 = tpu.memref_slice %arg9[%dma_wait3A_162, %dma_wait3A_163] : memref<400x128xf32, #tpu.memory_space<vmem>> -> memref<80x128xf32, #tpu.memory_space<vmem>>
    %dma_wait3A_165 = arith.constant 9760 : i32
    %dma_wait3A_166 = tpu.memref_slice %arg8[%dma_wait3A_165] : memref<10000xi32, #tpu.memory_space<vmem>> -> memref<80xi32, #tpu.memory_space<vmem>>
    %dma_wait3A_167 = arith.constant 0 : i32
    %dma_wait3A_168 = arith.constant 0 : i32
    %dma_wait3A_169 = tpu.memref_slice %arg3[%dma_wait3A_167, %dma_wait3A_168] : memref<10000x128xf32, #tpu.memory_space<hbm>> -> memref<10000x128xf32, #tpu.memory_space<hbm>>
    tpu.wait_indirect_dma semaphore(%arg11 : memref<!tpu.dma_semaphore, #tpu.memory_space<semaphore_mem>>) src(%dma_wait3A_169 : memref<10000x128xf32, #tpu.memory_space<hbm>>) dst(%dma_wait3A_164 : memref<80x128xf32, #tpu.memory_space<vmem>>)
    %dma_wait3A_170 = arith.constant 240 : i32
    %dma_wait3A_171 = arith.constant 0 : i32
    %dma_wait3A_172 = tpu.memref_slice %arg9[%dma_wait3A_170, %dma_wait3A_171] : memref<400x128xf32, #tpu.memory_space<vmem>> -> memref<80x128xf32, #tpu.memory_space<vmem>>
    %dma_wait3A_173 = arith.constant 9840 : i32
    %dma_wait3A_174 = tpu.memref_slice %arg8[%dma_wait3A_173] : memref<10000xi32, #tpu.memory_space<vmem>> -> memref<80xi32, #tpu.memory_space<vmem>>
    %dma_wait3A_175 = arith.constant 0 : i32
    %dma_wait3A_176 = arith.constant 0 : i32
    %dma_wait3A_177 = tpu.memref_slice %arg3[%dma_wait3A_175, %dma_wait3A_176] : memref<10000x128xf32, #tpu.memory_space<hbm>> -> memref<10000x128xf32, #tpu.memory_space<hbm>>
    tpu.wait_indirect_dma semaphore(%arg11 : memref<!tpu.dma_semaphore, #tpu.memory_space<semaphore_mem>>) src(%dma_wait3A_177 : memref<10000x128xf32, #tpu.memory_space<hbm>>) dst(%dma_wait3A_172 : memref<80x128xf32, #tpu.memory_space<vmem>>)
    %dma_wait3A_178 = arith.constant 320 : i32
    %dma_wait3A_179 = arith.constant 0 : i32
    %dma_wait3A_180 = tpu.memref_slice %arg9[%dma_wait3A_178, %dma_wait3A_179] : memref<400x128xf32, #tpu.memory_space<vmem>> -> memref<80x128xf32, #tpu.memory_space<vmem>>
    %dma_wait3A_181 = arith.constant 9920 : i32
    %dma_wait3A_182 = tpu.memref_slice %arg8[%dma_wait3A_181] : memref<10000xi32, #tpu.memory_space<vmem>> -> memref<80xi32, #tpu.memory_space<vmem>>
    %dma_wait3A_183 = arith.constant 0 : i32
    %dma_wait3A_184 = arith.constant 0 : i32
    %dma_wait3A_185 = tpu.memref_slice %arg3[%dma_wait3A_183, %dma_wait3A_184] : memref<10000x128xf32, #tpu.memory_space<hbm>> -> memref<10000x128xf32, #tpu.memory_space<hbm>>
    tpu.wait_indirect_dma semaphore(%arg11 : memref<!tpu.dma_semaphore, #tpu.memory_space<semaphore_mem>>) src(%dma_wait3A_185 : memref<10000x128xf32, #tpu.memory_space<hbm>>) dst(%dma_wait3A_180 : memref<80x128xf32, #tpu.memory_space<vmem>>)
    %add3A_186 = arith.constant 9600 : i32
    %add3A_187 = arith.addi %mul3A_2, %add3A_186 : i32
    %dma_start3A_188 = arith.constant 0 : i32
    %dma_start3A_189 = tpu.memref_slice %arg7[%add3A_187, %dma_start3A_188] : memref<320000x128xf32, #tpu.memory_space<hbm>> -> memref<400x128xf32, #tpu.memory_space<hbm>>
    %dma_start3A_190 = arith.constant 0 : i32
    %dma_start3A_191 = tpu.memref_slice %arg7[%add3A_187, %dma_start3A_190] : memref<320000x128xf32, #tpu.memory_space<hbm>> -> memref<400x128xf32, #tpu.memory_space<hbm>>
    tpu.enqueue_dma source(%arg9 : memref<400x128xf32, #tpu.memory_space<vmem>>) target(%dma_start3A_191 : memref<400x128xf32, #tpu.memory_space<hbm>>) target_semaphore(%arg13 : memref<!tpu.dma_semaphore, #tpu.memory_space<semaphore_mem>>)
    %dma_wait3A_192 = arith.constant 0 : i32
    %dma_wait3A_193 = tpu.memref_slice %arg7[%mul3A_2, %dma_wait3A_192] : memref<320000x128xf32, #tpu.memory_space<hbm>> -> memref<400x128xf32, #tpu.memory_space<hbm>>
    %dma_wait3A_194 = arith.constant 0 : i32
    %dma_wait3A_195 = tpu.memref_slice %arg7[%mul3A_2, %dma_wait3A_194] : memref<320000x128xf32, #tpu.memory_space<hbm>> -> memref<400x128xf32, #tpu.memory_space<hbm>>
    tpu.wait_dma2 semaphore(%arg14 : memref<!tpu.dma_semaphore, #tpu.memory_space<semaphore_mem>>) src(%arg10 : memref<400x128xf32, #tpu.memory_space<vmem>>) dst(%dma_wait3A_195 : memref<400x128xf32, #tpu.memory_space<hbm>>)
    %dma_wait3A_196 = arith.constant 0 : i32
    %dma_wait3A_197 = tpu.memref_slice %arg7[%mul3A_2, %dma_wait3A_196] : memref<320000x128xf32, #tpu.memory_space<hbm>> -> memref<400x128xf32, #tpu.memory_space<hbm>>
    %dma_wait3A_198 = arith.constant 0 : i32
    %dma_wait3A_199 = tpu.memref_slice %arg7[%mul3A_2, %dma_wait3A_198] : memref<320000x128xf32, #tpu.memory_space<hbm>> -> memref<400x128xf32, #tpu.memory_space<hbm>>
    tpu.wait_dma2 semaphore(%arg13 : memref<!tpu.dma_semaphore, #tpu.memory_space<semaphore_mem>>) src(%arg9 : memref<400x128xf32, #tpu.memory_space<vmem>>) dst(%dma_wait3A_199 : memref<400x128xf32, #tpu.memory_space<hbm>>)
    return
  }
}

module attributes {stable_mosaic.version = 14 : i64} {
  func.func @_node_proj_body(%arg0: i32, %arg1: memref<1000x128xf32, #tpu.memory_space<vmem>>, %arg2: memref<128x128xf32, #tpu.memory_space<vmem>>, %arg3: memref<1x128xf32, #tpu.memory_space<vmem>>, %arg4: memref<128x128xf32, #tpu.memory_space<vmem>>, %arg5: memref<1x128xf32, #tpu.memory_space<vmem>>, %arg6: memref<128x128xf32, #tpu.memory_space<vmem>>, %arg7: memref<1x128xf32, #tpu.memory_space<vmem>>, %arg8: memref<128x128xf32, #tpu.memory_space<vmem>>, %arg9: memref<1x128xf32, #tpu.memory_space<vmem>>, %arg10: memref<1000x128xf32, #tpu.memory_space<vmem>>, %arg11: memref<1000x128xf32, #tpu.memory_space<vmem>>, %arg12: memref<1000x128xf32, #tpu.memory_space<vmem>>) attributes {dimension_semantics = [#tpu.dimension_semantics<arbitrary>], iteration_bounds = array<i64: 10>, scalar_prefetch = 0 : i64, scratch_operands = 0 : i64, tpu.core_type = #tpu.core_type<tc>, window_params = [{transform_indices = @transform_0, window_bounds = array<i64: 1000, 128>}, {pipeline_mode = #tpu.pipeline_mode<synchronous>, transform_indices = @transform_1, window_bounds = array<i64: 128, 128>}, {pipeline_mode = #tpu.pipeline_mode<synchronous>, transform_indices = @transform_2, window_bounds = array<i64: 1, 128>}, {pipeline_mode = #tpu.pipeline_mode<synchronous>, transform_indices = @transform_3, window_bounds = array<i64: 128, 128>}, {pipeline_mode = #tpu.pipeline_mode<synchronous>, transform_indices = @transform_4, window_bounds = array<i64: 1, 128>}, {pipeline_mode = #tpu.pipeline_mode<synchronous>, transform_indices = @transform_5, window_bounds = array<i64: 128, 128>}, {pipeline_mode = #tpu.pipeline_mode<synchronous>, transform_indices = @transform_6, window_bounds = array<i64: 1, 128>}, {pipeline_mode = #tpu.pipeline_mode<synchronous>, transform_indices = @transform_7, window_bounds = array<i64: 128, 128>}, {pipeline_mode = #tpu.pipeline_mode<synchronous>, transform_indices = @transform_8, window_bounds = array<i64: 1, 128>}, {transform_indices = @transform_9, window_bounds = array<i64: 1000, 128>}, {transform_indices = @transform_10, window_bounds = array<i64: 1000, 128>}, {transform_indices = @transform_11, window_bounds = array<i64: 1000, 128>}]} {
    %get3A = arith.constant 0 : index
    %get3A_0 = arith.constant 0 : index
    %get3A_1 = vector.load %arg1[%get3A, %get3A_0] : memref<1000x128xf32, #tpu.memory_space<vmem>>, vector<1000x128xf32>
    %get3A_2 = arith.constant 0 : index
    %get3A_3 = arith.constant 0 : index
    %get3A_4 = vector.load %arg2[%get3A_2, %get3A_3] : memref<128x128xf32, #tpu.memory_space<vmem>>, vector<128x128xf32>
    %dot_general3A = arith.constant dense<0.000000e+00> : vector<1000x128xf32>
    %dot_general3A_5 = tpu.matmul %get3A_1, %get3A_4, %dot_general3A {dimension_numbers = #tpu.dot_dimension_numbers<[1], [0], [0], [1], [0, 0, 1, 1], [], []>, transpose_lhs_hint = false} : vector<1000x128xf32>, vector<128x128xf32>, vector<1000x128xf32> -> vector<1000x128xf32>
    %get3A_6 = arith.constant 0 : index
    %get3A_7 = arith.constant 0 : index
    %get3A_8 = vector.load %arg3[%get3A_6, %get3A_7] : memref<1x128xf32, #tpu.memory_space<vmem>>, vector<1x128xf32>
    %add3A = vector.broadcast %get3A_8 : vector<1x128xf32> to vector<1000x128xf32>
    %add3A_9 = arith.addf %dot_general3A_5, %add3A : vector<1000x128xf32>
    %get3A_10 = arith.constant 0 : index
    %get3A_11 = arith.constant 0 : index
    %get3A_12 = vector.load %arg6[%get3A_10, %get3A_11] : memref<128x128xf32, #tpu.memory_space<vmem>>, vector<128x128xf32>
    %dot_general3A_13 = arith.constant dense<0.000000e+00> : vector<1000x128xf32>
    %dot_general3A_14 = tpu.matmul %get3A_1, %get3A_12, %dot_general3A_13 {dimension_numbers = #tpu.dot_dimension_numbers<[1], [0], [0], [1], [0, 0, 1, 1], [], []>, transpose_lhs_hint = false} : vector<1000x128xf32>, vector<128x128xf32>, vector<1000x128xf32> -> vector<1000x128xf32>
    %get3A_15 = arith.constant 0 : index
    %get3A_16 = arith.constant 0 : index
    %get3A_17 = vector.load %arg7[%get3A_15, %get3A_16] : memref<1x128xf32, #tpu.memory_space<vmem>>, vector<1x128xf32>
    %add3A_18 = vector.broadcast %get3A_17 : vector<1x128xf32> to vector<1000x128xf32>
    %add3A_19 = arith.addf %dot_general3A_14, %add3A_18 : vector<1000x128xf32>
    %slice3A = vector.extract_strided_slice %add3A_9 {offsets = [0, 0], sizes = [1000, 64], strides = [1, 1]} : vector<1000x128xf32> to vector<1000x64xf32>
    %convert_element_type3A = arith.truncf %slice3A : vector<1000x64xf32> to vector<1000x64xbf16>
    %bitcast_convert_type3A = tpu.bitcast %convert_element_type3A : vector<1000x64xbf16> -> vector<1000x64xi16>
    %convert_element_type3A_20 = arith.extui %bitcast_convert_type3A : vector<1000x64xi16> to vector<1000x64xi32>
    %slice3A_21 = vector.extract_strided_slice %add3A_9 {offsets = [0, 64], sizes = [1000, 64], strides = [1, 1]} : vector<1000x128xf32> to vector<1000x64xf32>
    %convert_element_type3A_22 = arith.truncf %slice3A_21 : vector<1000x64xf32> to vector<1000x64xbf16>
    %bitcast_convert_type3A_23 = tpu.bitcast %convert_element_type3A_22 : vector<1000x64xbf16> -> vector<1000x64xi16>
    %convert_element_type3A_24 = arith.extui %bitcast_convert_type3A_23 : vector<1000x64xi16> to vector<1000x64xi32>
    %shift_left3A = arith.constant 16 : i32
    %shift_left3A_25 = vector.broadcast %shift_left3A : i32 to vector<1000x64xi32>
    %shift_left3A_26 = arith.shli %convert_element_type3A_24, %shift_left3A_25 : vector<1000x64xi32>
    %or3A = arith.ori %convert_element_type3A_20, %shift_left3A_26 : vector<1000x64xi32>
    %bitcast_convert_type3A_27 = tpu.bitcast %or3A : vector<1000x64xi32> -> vector<1000x64xf32>
    %slice3A_28 = vector.extract_strided_slice %add3A_19 {offsets = [0, 0], sizes = [1000, 64], strides = [1, 1]} : vector<1000x128xf32> to vector<1000x64xf32>
    %convert_element_type3A_29 = arith.truncf %slice3A_28 : vector<1000x64xf32> to vector<1000x64xbf16>
    %bitcast_convert_type3A_30 = tpu.bitcast %convert_element_type3A_29 : vector<1000x64xbf16> -> vector<1000x64xi16>
    %convert_element_type3A_31 = arith.extui %bitcast_convert_type3A_30 : vector<1000x64xi16> to vector<1000x64xi32>
    %slice3A_32 = vector.extract_strided_slice %add3A_19 {offsets = [0, 64], sizes = [1000, 64], strides = [1, 1]} : vector<1000x128xf32> to vector<1000x64xf32>
    %convert_element_type3A_33 = arith.truncf %slice3A_32 : vector<1000x64xf32> to vector<1000x64xbf16>
    %bitcast_convert_type3A_34 = tpu.bitcast %convert_element_type3A_33 : vector<1000x64xbf16> -> vector<1000x64xi16>
    %convert_element_type3A_35 = arith.extui %bitcast_convert_type3A_34 : vector<1000x64xi16> to vector<1000x64xi32>
    %shift_left3A_36 = arith.constant 16 : i32
    %shift_left3A_37 = vector.broadcast %shift_left3A_36 : i32 to vector<1000x64xi32>
    %shift_left3A_38 = arith.shli %convert_element_type3A_35, %shift_left3A_37 : vector<1000x64xi32>
    %or3A_39 = arith.ori %convert_element_type3A_31, %shift_left3A_38 : vector<1000x64xi32>
    %bitcast_convert_type3A_40 = tpu.bitcast %or3A_39 : vector<1000x64xi32> -> vector<1000x64xf32>
    %concatenate3A = tpu.concatenate %bitcast_convert_type3A_27, %bitcast_convert_type3A_40 in 1 : vector<1000x64xf32>, vector<1000x64xf32> -> vector<1000x128xf32>
    %swap3A = arith.constant 0 : index
    %swap3A_41 = arith.constant 0 : index
    %swap3A_42 = vector.load %arg10[%swap3A, %swap3A_41] : memref<1000x128xf32, #tpu.memory_space<vmem>>, vector<1000x128xf32>
    tpu.vector_store %arg10[%swap3A, %swap3A_41], %concatenate3A {strides = array<i32>} : memref<1000x128xf32, #tpu.memory_space<vmem>>, vector<1000x128xf32>,
    %get3A_43 = arith.constant 0 : index
    %get3A_44 = arith.constant 0 : index
    %get3A_45 = vector.load %arg4[%get3A_43, %get3A_44] : memref<128x128xf32, #tpu.memory_space<vmem>>, vector<128x128xf32>
    %dot_general3A_46 = arith.constant dense<0.000000e+00> : vector<1000x128xf32>
    %dot_general3A_47 = tpu.matmul %get3A_1, %get3A_45, %dot_general3A_46 {dimension_numbers = #tpu.dot_dimension_numbers<[1], [0], [0], [1], [0, 0, 1, 1], [], []>, transpose_lhs_hint = false} : vector<1000x128xf32>, vector<128x128xf32>, vector<1000x128xf32> -> vector<1000x128xf32>
    %get3A_48 = arith.constant 0 : index
    %get3A_49 = arith.constant 0 : index
    %get3A_50 = vector.load %arg5[%get3A_48, %get3A_49] : memref<1x128xf32, #tpu.memory_space<vmem>>, vector<1x128xf32>
    %add3A_51 = vector.broadcast %get3A_50 : vector<1x128xf32> to vector<1000x128xf32>
    %add3A_52 = arith.addf %dot_general3A_47, %add3A_51 : vector<1000x128xf32>
    %swap3A_53 = arith.constant 0 : index
    %swap3A_54 = arith.constant 0 : index
    %swap3A_55 = vector.load %arg11[%swap3A_53, %swap3A_54] : memref<1000x128xf32, #tpu.memory_space<vmem>>, vector<1000x128xf32>
    tpu.vector_store %arg11[%swap3A_53, %swap3A_54], %add3A_52 {strides = array<i32>} : memref<1000x128xf32, #tpu.memory_space<vmem>>, vector<1000x128xf32>,
    %get3A_56 = arith.constant 0 : index
    %get3A_57 = arith.constant 0 : index
    %get3A_58 = vector.load %arg8[%get3A_56, %get3A_57] : memref<128x128xf32, #tpu.memory_space<vmem>>, vector<128x128xf32>
    %dot_general3A_59 = arith.constant dense<0.000000e+00> : vector<1000x128xf32>
    %dot_general3A_60 = tpu.matmul %get3A_1, %get3A_58, %dot_general3A_59 {dimension_numbers = #tpu.dot_dimension_numbers<[1], [0], [0], [1], [0, 0, 1, 1], [], []>, transpose_lhs_hint = false} : vector<1000x128xf32>, vector<128x128xf32>, vector<1000x128xf32> -> vector<1000x128xf32>
    %get3A_61 = arith.constant 0 : index
    %get3A_62 = arith.constant 0 : index
    %get3A_63 = vector.load %arg9[%get3A_61, %get3A_62] : memref<1x128xf32, #tpu.memory_space<vmem>>, vector<1x128xf32>
    %add3A_64 = vector.broadcast %get3A_63 : vector<1x128xf32> to vector<1000x128xf32>
    %add3A_65 = arith.addf %dot_general3A_60, %add3A_64 : vector<1000x128xf32>
    %swap3A_66 = arith.constant 0 : index
    %swap3A_67 = arith.constant 0 : index
    %swap3A_68 = vector.load %arg12[%swap3A_66, %swap3A_67] : memref<1000x128xf32, #tpu.memory_space<vmem>>, vector<1000x128xf32>
    tpu.vector_store %arg12[%swap3A_66, %swap3A_67], %add3A_65 {strides = array<i32>} : memref<1000x128xf32, #tpu.memory_space<vmem>>, vector<1000x128xf32>,
    return
  }
  func.func @transform_0(%arg0: i32) -> (i32, i32) {
    %c0_i32 = arith.constant 0 : i32
    %c0_i32_0 = arith.constant 0 : i32
    return %arg0, %c0_i32 : i32, i32
  }
  func.func @transform_1(%arg0: i32) -> (i32, i32) {
    %c0_i32 = arith.constant 0 : i32
    %c0_i32_0 = arith.constant 0 : i32
    %c0_i32_1 = arith.constant 0 : i32
    return %c0_i32, %c0_i32_0 : i32, i32
  }
  func.func @transform_2(%arg0: i32) -> (i32, i32) {
    %c0_i32 = arith.constant 0 : i32
    %c0_i32_0 = arith.constant 0 : i32
    %c0_i32_1 = arith.constant 0 : i32
    return %c0_i32, %c0_i32_0 : i32, i32
  }
  func.func @transform_3(%arg0: i32) -> (i32, i32) {
    %c0_i32 = arith.constant 0 : i32
    %c0_i32_0 = arith.constant 0 : i32
    %c0_i32_1 = arith.constant 0 : i32
    return %c0_i32, %c0_i32_0 : i32, i32
  }
  func.func @transform_4(%arg0: i32) -> (i32, i32) {
    %c0_i32 = arith.constant 0 : i32
    %c0_i32_0 = arith.constant 0 : i32
    %c0_i32_1 = arith.constant 0 : i32
    return %c0_i32, %c0_i32_0 : i32, i32
  }
  func.func @transform_5(%arg0: i32) -> (i32, i32) {
    %c0_i32 = arith.constant 0 : i32
    %c0_i32_0 = arith.constant 0 : i32
    %c0_i32_1 = arith.constant 0 : i32
    return %c0_i32, %c0_i32_0 : i32, i32
  }
  func.func @transform_6(%arg0: i32) -> (i32, i32) {
    %c0_i32 = arith.constant 0 : i32
    %c0_i32_0 = arith.constant 0 : i32
    %c0_i32_1 = arith.constant 0 : i32
    return %c0_i32, %c0_i32_0 : i32, i32
  }
  func.func @transform_7(%arg0: i32) -> (i32, i32) {
    %c0_i32 = arith.constant 0 : i32
    %c0_i32_0 = arith.constant 0 : i32
    %c0_i32_1 = arith.constant 0 : i32
    return %c0_i32, %c0_i32_0 : i32, i32
  }
  func.func @transform_8(%arg0: i32) -> (i32, i32) {
    %c0_i32 = arith.constant 0 : i32
    %c0_i32_0 = arith.constant 0 : i32
    %c0_i32_1 = arith.constant 0 : i32
    return %c0_i32, %c0_i32_0 : i32, i32
  }
  func.func @transform_9(%arg0: i32) -> (i32, i32) {
    %c0_i32 = arith.constant 0 : i32
    %c0_i32_0 = arith.constant 0 : i32
    return %arg0, %c0_i32 : i32, i32
  }
  func.func @transform_10(%arg0: i32) -> (i32, i32) {
    %c0_i32 = arith.constant 0 : i32
    %c0_i32_0 = arith.constant 0 : i32
    return %arg0, %c0_i32 : i32, i32
  }
  func.func @transform_11(%arg0: i32) -> (i32, i32) {
    %c0_i32 = arith.constant 0 : i32
    %c0_i32_0 = arith.constant 0 : i32
    return %arg0, %c0_i32 : i32, i32
  }
}

module attributes {stable_mosaic.version = 14 : i64} {
  func.func @_edge_compute_body(%arg0: i32, %arg1: memref<4000x128xf32, #tpu.memory_space<vmem>>, %arg2: memref<4000x128xf32, #tpu.memory_space<vmem>>, %arg3: memref<4000x128xf32, #tpu.memory_space<vmem>>, %arg4: memref<128x128xf32, #tpu.memory_space<vmem>>, %arg5: memref<1x128xf32, #tpu.memory_space<vmem>>, %arg6: memref<4000x64xf32, #tpu.memory_space<vmem>>, %arg7: memref<2x4000x128xf32, #tpu.memory_space<vmem>>, %arg8: memref<1x1x128xf32, #tpu.memory_space<vmem>>, %arg9: memref<1x1x128xf32, #tpu.memory_space<vmem>>) attributes {dimension_semantics = [#tpu.dimension_semantics<arbitrary>], iteration_bounds = array<i64: 80>, scalar_prefetch = 0 : i64, scratch_operands = 0 : i64, tpu.core_type = #tpu.core_type<tc>, window_params = [{transform_indices = @transform_0, window_bounds = array<i64: 4000, 128>}, {transform_indices = @transform_1, window_bounds = array<i64: 4000, 128>}, {transform_indices = @transform_2, window_bounds = array<i64: 4000, 128>}, {pipeline_mode = #tpu.pipeline_mode<synchronous>, transform_indices = @transform_3, window_bounds = array<i64: 128, 128>}, {pipeline_mode = #tpu.pipeline_mode<synchronous>, transform_indices = @transform_4, window_bounds = array<i64: 1, 128>}, {transform_indices = @transform_5, window_bounds = array<i64: 4000, 64>}, {transform_indices = @transform_6, window_bounds = array<i64: 2, 4000, 128>}, {transform_indices = @transform_7, window_bounds = array<i64: 1, 1, 128>}, {transform_indices = @transform_8, window_bounds = array<i64: 1, 1, 128>}]} {
    %get3A = arith.constant 0 : index
    %get3A_0 = arith.constant 0 : index
    %get3A_1 = vector.load %arg1[%get3A, %get3A_0] : memref<4000x128xf32, #tpu.memory_space<vmem>>, vector<4000x128xf32>
    %get3A_2 = arith.constant 0 : index
    %get3A_3 = arith.constant 0 : index
    %get3A_4 = vector.load %arg4[%get3A_2, %get3A_3] : memref<128x128xf32, #tpu.memory_space<vmem>>, vector<128x128xf32>
    %dot_general3A = arith.constant dense<0.000000e+00> : vector<4000x128xf32>
    %dot_general3A_5 = tpu.matmul %get3A_1, %get3A_4, %dot_general3A {dimension_numbers = #tpu.dot_dimension_numbers<[1], [0], [0], [1], [0, 0, 1, 1], [], []>, transpose_lhs_hint = false} : vector<4000x128xf32>, vector<128x128xf32>, vector<4000x128xf32> -> vector<4000x128xf32>
    %get3A_6 = arith.constant 0 : index
    %get3A_7 = arith.constant 0 : index
    %get3A_8 = vector.load %arg5[%get3A_6, %get3A_7] : memref<1x128xf32, #tpu.memory_space<vmem>>, vector<1x128xf32>
    %add3A = vector.broadcast %get3A_8 : vector<1x128xf32> to vector<4000x128xf32>
    %add3A_9 = arith.addf %dot_general3A_5, %add3A : vector<4000x128xf32>
    %get3A_10 = arith.constant 0 : index
    %get3A_11 = arith.constant 0 : index
    %get3A_12 = vector.load %arg2[%get3A_10, %get3A_11] : memref<4000x128xf32, #tpu.memory_space<vmem>>, vector<4000x64xf32>
    %bitcast_convert_type3A = tpu.bitcast %get3A_12 : vector<4000x64xf32> -> vector<4000x64xi32>
    %and3A = arith.constant 65535 : i32
    %and3A_13 = vector.broadcast %and3A : i32 to vector<4000x64xi32>
    %and3A_14 = arith.andi %bitcast_convert_type3A, %and3A_13 : vector<4000x64xi32>
    %convert_element_type3A = arith.trunci %and3A_14 : vector<4000x64xi32> to vector<4000x64xi16>
    %bitcast_convert_type3A_15 = tpu.bitcast %convert_element_type3A : vector<4000x64xi16> -> vector<4000x64xbf16>
    %shift_right_logical3A = arith.constant 16 : i32
    %shift_right_logical3A_16 = vector.broadcast %shift_right_logical3A : i32 to vector<4000x64xi32>
    %shift_right_logical3A_17 = arith.shrui %bitcast_convert_type3A, %shift_right_logical3A_16 : vector<4000x64xi32>
    %convert_element_type3A_18 = arith.trunci %shift_right_logical3A_17 : vector<4000x64xi32> to vector<4000x64xi16>
    %bitcast_convert_type3A_19 = tpu.bitcast %convert_element_type3A_18 : vector<4000x64xi16> -> vector<4000x64xbf16>
    %concatenate3A = tpu.concatenate %bitcast_convert_type3A_15, %bitcast_convert_type3A_19 in 1 : vector<4000x64xbf16>, vector<4000x64xbf16> -> vector<4000x128xbf16>
    %convert_element_type3A_20 = arith.extf %concatenate3A : vector<4000x128xbf16> to vector<4000x128xf32>
    %get3A_21 = arith.constant 0 : index
    %get3A_22 = arith.constant 0 : index
    %get3A_23 = vector.load %arg3[%get3A_21, %get3A_22] : memref<4000x128xf32, #tpu.memory_space<vmem>>, vector<4000x128xf32>
    %add3A_24 = arith.addf %convert_element_type3A_20, %get3A_23 : vector<4000x128xf32>
    %add3A_25 = arith.addf %add3A_24, %add3A_9 : vector<4000x128xf32>
    %neg3A = arith.constant 0.000000e+00 : f32
    %neg3A_26 = vector.broadcast %neg3A : f32 to vector<4000x128xf32>
    %neg3A_27 = arith.subf %neg3A_26, %add3A_25 : vector<4000x128xf32>
    %exp3A = math.exp %neg3A_27 : vector<4000x128xf32>
    %add3A_28 = arith.constant 1.000000e+00 : f32
    %add3A_29 = vector.broadcast %add3A_28 : f32 to vector<4000x128xf32>
    %add3A_30 = arith.addf %add3A_29, %exp3A : vector<4000x128xf32>
    %div3A = arith.constant 1.000000e+00 : f32
    %div3A_31 = vector.broadcast %div3A : f32 to vector<4000x128xf32>
    %div3A_32 = arith.divf %div3A_31, %add3A_30 : vector<4000x128xf32>
    %slice3A = vector.extract_strided_slice %add3A_25 {offsets = [0, 0], sizes = [4000, 64], strides = [1, 1]} : vector<4000x128xf32> to vector<4000x64xf32>
    %convert_element_type3A_33 = arith.truncf %slice3A : vector<4000x64xf32> to vector<4000x64xbf16>
    %bitcast_convert_type3A_34 = tpu.bitcast %convert_element_type3A_33 : vector<4000x64xbf16> -> vector<4000x64xi16>
    %convert_element_type3A_35 = arith.extui %bitcast_convert_type3A_34 : vector<4000x64xi16> to vector<4000x64xi32>
    %slice3A_36 = vector.extract_strided_slice %add3A_25 {offsets = [0, 64], sizes = [4000, 64], strides = [1, 1]} : vector<4000x128xf32> to vector<4000x64xf32>
    %convert_element_type3A_37 = arith.truncf %slice3A_36 : vector<4000x64xf32> to vector<4000x64xbf16>
    %bitcast_convert_type3A_38 = tpu.bitcast %convert_element_type3A_37 : vector<4000x64xbf16> -> vector<4000x64xi16>
    %convert_element_type3A_39 = arith.extui %bitcast_convert_type3A_38 : vector<4000x64xi16> to vector<4000x64xi32>
    %shift_left3A = arith.constant 16 : i32
    %shift_left3A_40 = vector.broadcast %shift_left3A : i32 to vector<4000x64xi32>
    %shift_left3A_41 = arith.shli %convert_element_type3A_39, %shift_left3A_40 : vector<4000x64xi32>
    %or3A = arith.ori %convert_element_type3A_35, %shift_left3A_41 : vector<4000x64xi32>
    %bitcast_convert_type3A_42 = tpu.bitcast %or3A : vector<4000x64xi32> -> vector<4000x64xf32>
    %swap3A = arith.constant 0 : index
    %swap3A_43 = arith.constant 0 : index
    %swap3A_44 = vector.load %arg6[%swap3A, %swap3A_43] : memref<4000x64xf32, #tpu.memory_space<vmem>>, vector<4000x64xf32>
    tpu.vector_store %arg6[%swap3A, %swap3A_43], %bitcast_convert_type3A_42 {strides = array<i32>} : memref<4000x64xf32, #tpu.memory_space<vmem>>, vector<4000x64xf32>,
    %get3A_45 = arith.constant 0 : index
    %get3A_46 = arith.constant 64 : index
    %get3A_47 = vector.load %arg2[%get3A_45, %get3A_46] : memref<4000x128xf32, #tpu.memory_space<vmem>>, vector<4000x64xf32>
    %bitcast_convert_type3A_48 = tpu.bitcast %get3A_47 : vector<4000x64xf32> -> vector<4000x64xi32>
    %and3A_49 = arith.constant 65535 : i32
    %and3A_50 = vector.broadcast %and3A_49 : i32 to vector<4000x64xi32>
    %and3A_51 = arith.andi %bitcast_convert_type3A_48, %and3A_50 : vector<4000x64xi32>
    %convert_element_type3A_52 = arith.trunci %and3A_51 : vector<4000x64xi32> to vector<4000x64xi16>
    %bitcast_convert_type3A_53 = tpu.bitcast %convert_element_type3A_52 : vector<4000x64xi16> -> vector<4000x64xbf16>
    %shift_right_logical3A_54 = arith.constant 16 : i32
    %shift_right_logical3A_55 = vector.broadcast %shift_right_logical3A_54 : i32 to vector<4000x64xi32>
    %shift_right_logical3A_56 = arith.shrui %bitcast_convert_type3A_48, %shift_right_logical3A_55 : vector<4000x64xi32>
    %convert_element_type3A_57 = arith.trunci %shift_right_logical3A_56 : vector<4000x64xi32> to vector<4000x64xi16>
    %bitcast_convert_type3A_58 = tpu.bitcast %convert_element_type3A_57 : vector<4000x64xi16> -> vector<4000x64xbf16>
    %concatenate3A_59 = tpu.concatenate %bitcast_convert_type3A_53, %bitcast_convert_type3A_58 in 1 : vector<4000x64xbf16>, vector<4000x64xbf16> -> vector<4000x128xbf16>
    %convert_element_type3A_60 = arith.extf %concatenate3A_59 : vector<4000x128xbf16> to vector<4000x128xf32>
    %mul3A = arith.mulf %convert_element_type3A_60, %div3A_32 : vector<4000x128xf32>
    %swap3A_61 = arith.constant 0 : index
    %swap3A_62 = arith.constant 0 : index
    %swap3A_63 = arith.constant 0 : index
    %swap3A_64 = vector.load %arg7[%swap3A_61, %swap3A_62, %swap3A_63] : memref<2x4000x128xf32, #tpu.memory_space<vmem>>, vector<1x4000x128xf32>
    %swap3A_65 = vector.shape_cast %swap3A_64 : vector<1x4000x128xf32> to vector<4000x128xf32>
    %swap3A_66 = vector.shape_cast %mul3A : vector<4000x128xf32> to vector<1x4000x128xf32>
    tpu.vector_store %arg7[%swap3A_61, %swap3A_62, %swap3A_63], %swap3A_66 {strides = array<i32>} : memref<2x4000x128xf32, #tpu.memory_space<vmem>>, vector<1x4000x128xf32>,
    %swap3A_67 = arith.constant 1 : index
    %swap3A_68 = arith.constant 0 : index
    %swap3A_69 = arith.constant 0 : index
    %swap3A_70 = vector.load %arg7[%swap3A_67, %swap3A_68, %swap3A_69] : memref<2x4000x128xf32, #tpu.memory_space<vmem>>, vector<1x4000x128xf32>
    %swap3A_71 = vector.shape_cast %swap3A_70 : vector<1x4000x128xf32> to vector<4000x128xf32>
    %swap3A_72 = vector.shape_cast %div3A_32 : vector<4000x128xf32> to vector<1x4000x128xf32>
    tpu.vector_store %arg7[%swap3A_67, %swap3A_68, %swap3A_69], %swap3A_72 {strides = array<i32>} : memref<2x4000x128xf32, #tpu.memory_space<vmem>>, vector<1x4000x128xf32>,
    %reduce_sum3A = arith.constant dense<0.000000e+00> : vector<128xf32>
    %reduce_sum3A_73 = vector.multi_reduction <add>, %add3A_25, %reduce_sum3A [0] : vector<4000x128xf32> to vector<128xf32>
    %broadcast_in_dim3A = vector.shape_cast %reduce_sum3A_73 : vector<128xf32> to vector<1x128xf32>
    %swap3A_74 = arith.constant 0 : index
    %swap3A_75 = arith.constant 0 : index
    %swap3A_76 = arith.constant 0 : index
    %swap3A_77 = vector.load %arg8[%swap3A_74, %swap3A_75, %swap3A_76] : memref<1x1x128xf32, #tpu.memory_space<vmem>>, vector<1x1x128xf32>
    %swap3A_78 = vector.shape_cast %swap3A_77 : vector<1x1x128xf32> to vector<1x128xf32>
    %swap3A_79 = vector.shape_cast %broadcast_in_dim3A : vector<1x128xf32> to vector<1x1x128xf32>
    tpu.vector_store %arg8[%swap3A_74, %swap3A_75, %swap3A_76], %swap3A_79 {strides = array<i32>} : memref<1x1x128xf32, #tpu.memory_space<vmem>>, vector<1x1x128xf32>,
    %mul3A_80 = arith.mulf %add3A_25, %add3A_25 : vector<4000x128xf32>
    %reduce_sum3A_81 = arith.constant dense<0.000000e+00> : vector<128xf32>
    %reduce_sum3A_82 = vector.multi_reduction <add>, %mul3A_80, %reduce_sum3A_81 [0] : vector<4000x128xf32> to vector<128xf32>
    %broadcast_in_dim3A_83 = vector.shape_cast %reduce_sum3A_82 : vector<128xf32> to vector<1x128xf32>
    %swap3A_84 = arith.constant 0 : index
    %swap3A_85 = arith.constant 0 : index
    %swap3A_86 = arith.constant 0 : index
    %swap3A_87 = vector.load %arg9[%swap3A_84, %swap3A_85, %swap3A_86] : memref<1x1x128xf32, #tpu.memory_space<vmem>>, vector<1x1x128xf32>
    %swap3A_88 = vector.shape_cast %swap3A_87 : vector<1x1x128xf32> to vector<1x128xf32>
    %swap3A_89 = vector.shape_cast %broadcast_in_dim3A_83 : vector<1x128xf32> to vector<1x1x128xf32>
    tpu.vector_store %arg9[%swap3A_84, %swap3A_85, %swap3A_86], %swap3A_89 {strides = array<i32>} : memref<1x1x128xf32, #tpu.memory_space<vmem>>, vector<1x1x128xf32>,
    return
  }
  func.func @transform_0(%arg0: i32) -> (i32, i32) {
    %c0_i32 = arith.constant 0 : i32
    %c0_i32_0 = arith.constant 0 : i32
    return %arg0, %c0_i32 : i32, i32
  }
  func.func @transform_1(%arg0: i32) -> (i32, i32) {
    %c0_i32 = arith.constant 0 : i32
    %c0_i32_0 = arith.constant 0 : i32
    return %arg0, %c0_i32 : i32, i32
  }
  func.func @transform_2(%arg0: i32) -> (i32, i32) {
    %c0_i32 = arith.constant 0 : i32
    %c0_i32_0 = arith.constant 0 : i32
    return %arg0, %c0_i32 : i32, i32
  }
  func.func @transform_3(%arg0: i32) -> (i32, i32) {
    %c0_i32 = arith.constant 0 : i32
    %c0_i32_0 = arith.constant 0 : i32
    %c0_i32_1 = arith.constant 0 : i32
    return %c0_i32, %c0_i32_0 : i32, i32
  }
  func.func @transform_4(%arg0: i32) -> (i32, i32) {
    %c0_i32 = arith.constant 0 : i32
    %c0_i32_0 = arith.constant 0 : i32
    %c0_i32_1 = arith.constant 0 : i32
    return %c0_i32, %c0_i32_0 : i32, i32
  }
  func.func @transform_5(%arg0: i32) -> (i32, i32) {
    %c0_i32 = arith.constant 0 : i32
    %c0_i32_0 = arith.constant 0 : i32
    return %arg0, %c0_i32 : i32, i32
  }
  func.func @transform_6(%arg0: i32) -> (i32, i32, i32) {
    %c0_i32 = arith.constant 0 : i32
    %c0_i32_0 = arith.constant 0 : i32
    %c0_i32_1 = arith.constant 0 : i32
    return %c0_i32, %arg0, %c0_i32_0 : i32, i32, i32
  }
  func.func @transform_7(%arg0: i32) -> (i32, i32, i32) {
    %c0_i32 = arith.constant 0 : i32
    %c0_i32_0 = arith.constant 0 : i32
    %c0_i32_1 = arith.constant 0 : i32
    return %arg0, %c0_i32, %c0_i32_0 : i32, i32, i32
  }
  func.func @transform_8(%arg0: i32) -> (i32, i32, i32) {
    %c0_i32 = arith.constant 0 : i32
    %c0_i32_0 = arith.constant 0 : i32
    %c0_i32_1 = arith.constant 0 : i32
    return %arg0, %c0_i32, %c0_i32_0 : i32, i32, i32
  }
}

module attributes {stable_mosaic.version = 14 : i64} {
  func.func @_edge_stats_body(%arg0: memref<80x1x128xf32, #tpu.memory_space<vmem>>, %arg1: memref<80x1x128xf32, #tpu.memory_space<vmem>>, %arg2: memref<1x128xf32, #tpu.memory_space<vmem>>, %arg3: memref<1x128xf32, #tpu.memory_space<vmem>>) attributes {dimension_semantics = [], scalar_prefetch = 0 : i64, scratch_operands = 0 : i64, tpu.core_type = #tpu.core_type<tc>} {
    %get3A = arith.constant 0 : index
    %get3A_0 = arith.constant 0 : index
    %get3A_1 = arith.constant 0 : index
    %get3A_2 = vector.load %arg0[%get3A, %get3A_0, %get3A_1] : memref<80x1x128xf32, #tpu.memory_space<vmem>>, vector<80x1x128xf32>
    %reduce_sum3A = arith.constant dense<0.000000e+00> : vector<128xf32>
    %reduce_sum3A_3 = vector.multi_reduction <add>, %get3A_2, %reduce_sum3A [0, 1] : vector<80x1x128xf32> to vector<128xf32>
    %div3A = arith.constant 3.200000e+05 : f32
    %div3A_4 = vector.broadcast %div3A : f32 to vector<128xf32>
    %div3A_5 = arith.divf %reduce_sum3A_3, %div3A_4 : vector<128xf32>
    %get3A_6 = arith.constant 0 : index
    %get3A_7 = arith.constant 0 : index
    %get3A_8 = arith.constant 0 : index
    %get3A_9 = vector.load %arg1[%get3A_6, %get3A_7, %get3A_8] : memref<80x1x128xf32, #tpu.memory_space<vmem>>, vector<80x1x128xf32>
    %reduce_sum3A_10 = arith.constant dense<0.000000e+00> : vector<128xf32>
    %reduce_sum3A_11 = vector.multi_reduction <add>, %get3A_9, %reduce_sum3A_10 [0, 1] : vector<80x1x128xf32> to vector<128xf32>
    %div3A_12 = arith.constant 3.200000e+05 : f32
    %div3A_13 = vector.broadcast %div3A_12 : f32 to vector<128xf32>
    %div3A_14 = arith.divf %reduce_sum3A_11, %div3A_13 : vector<128xf32>
    %mul3A = arith.mulf %div3A_5, %div3A_5 : vector<128xf32>
    %sub3A = arith.subf %div3A_14, %mul3A : vector<128xf32>
    %reshape3A = vector.shape_cast %div3A_5 : vector<128xf32> to vector<1x128xf32>
    %swap3A = arith.constant 0 : index
    %swap3A_15 = arith.constant 0 : index
    %swap3A_16 = vector.load %arg2[%swap3A, %swap3A_15] : memref<1x128xf32, #tpu.memory_space<vmem>>, vector<1x128xf32>
    tpu.vector_store %arg2[%swap3A, %swap3A_15], %reshape3A {strides = array<i32>} : memref<1x128xf32, #tpu.memory_space<vmem>>, vector<1x128xf32>,
    %add3A = arith.constant 9.99999974E-6 : f32
    %add3A_17 = vector.broadcast %add3A : f32 to vector<128xf32>
    %add3A_18 = arith.addf %sub3A, %add3A_17 : vector<128xf32>
    %sqrt3A = math.sqrt %add3A_18 : vector<128xf32>
    %div3A_19 = arith.constant 1.000000e+00 : f32
    %div3A_20 = vector.broadcast %div3A_19 : f32 to vector<128xf32>
    %div3A_21 = arith.divf %div3A_20, %sqrt3A : vector<128xf32>
    %reshape3A_22 = vector.shape_cast %div3A_21 : vector<128xf32> to vector<1x128xf32>
    %swap3A_23 = arith.constant 0 : index
    %swap3A_24 = arith.constant 0 : index
    %swap3A_25 = vector.load %arg3[%swap3A_23, %swap3A_24] : memref<1x128xf32, #tpu.memory_space<vmem>>, vector<1x128xf32>
    tpu.vector_store %arg3[%swap3A_23, %swap3A_24], %reshape3A_22 {strides = array<i32>} : memref<1x128xf32, #tpu.memory_space<vmem>>, vector<1x128xf32>,
    return
  }
}

module attributes {stable_mosaic.version = 14 : i64} {
  func.func @_edge_out_body(%arg0: i32, %arg1: memref<4000x128xf32, #tpu.memory_space<vmem>>, %arg2: memref<4000x64xf32, #tpu.memory_space<vmem>>, %arg3: memref<1x128xf32, #tpu.memory_space<vmem>>, %arg4: memref<1x128xf32, #tpu.memory_space<vmem>>, %arg5: memref<1x128xf32, #tpu.memory_space<vmem>>, %arg6: memref<1x128xf32, #tpu.memory_space<vmem>>, %arg7: memref<4000x128xf32, #tpu.memory_space<vmem>>) attributes {dimension_semantics = [#tpu.dimension_semantics<arbitrary>], iteration_bounds = array<i64: 80>, scalar_prefetch = 0 : i64, scratch_operands = 0 : i64, tpu.core_type = #tpu.core_type<tc>, window_params = [{transform_indices = @transform_0, window_bounds = array<i64: 4000, 128>}, {transform_indices = @transform_1, window_bounds = array<i64: 4000, 64>}, {pipeline_mode = #tpu.pipeline_mode<synchronous>, transform_indices = @transform_2, window_bounds = array<i64: 1, 128>}, {pipeline_mode = #tpu.pipeline_mode<synchronous>, transform_indices = @transform_3, window_bounds = array<i64: 1, 128>}, {pipeline_mode = #tpu.pipeline_mode<synchronous>, transform_indices = @transform_4, window_bounds = array<i64: 1, 128>}, {pipeline_mode = #tpu.pipeline_mode<synchronous>, transform_indices = @transform_5, window_bounds = array<i64: 1, 128>}, {transform_indices = @transform_6, window_bounds = array<i64: 4000, 128>}]} {
    %get3A = arith.constant 0 : index
    %get3A_0 = arith.constant 0 : index
    %get3A_1 = vector.load %arg5[%get3A, %get3A_0] : memref<1x128xf32, #tpu.memory_space<vmem>>, vector<1x128xf32>
    %get3A_2 = arith.constant 0 : index
    %get3A_3 = arith.constant 0 : index
    %get3A_4 = vector.load %arg2[%get3A_2, %get3A_3] : memref<4000x64xf32, #tpu.memory_space<vmem>>, vector<4000x64xf32>
    %bitcast_convert_type3A = tpu.bitcast %get3A_4 : vector<4000x64xf32> -> vector<4000x64xi32>
    %and3A = arith.constant 65535 : i32
    %and3A_5 = vector.broadcast %and3A : i32 to vector<4000x64xi32>
    %and3A_6 = arith.andi %bitcast_convert_type3A, %and3A_5 : vector<4000x64xi32>
    %convert_element_type3A = arith.trunci %and3A_6 : vector<4000x64xi32> to vector<4000x64xi16>
    %bitcast_convert_type3A_7 = tpu.bitcast %convert_element_type3A : vector<4000x64xi16> -> vector<4000x64xbf16>
    %shift_right_logical3A = arith.constant 16 : i32
    %shift_right_logical3A_8 = vector.broadcast %shift_right_logical3A : i32 to vector<4000x64xi32>
    %shift_right_logical3A_9 = arith.shrui %bitcast_convert_type3A, %shift_right_logical3A_8 : vector<4000x64xi32>
    %convert_element_type3A_10 = arith.trunci %shift_right_logical3A_9 : vector<4000x64xi32> to vector<4000x64xi16>
    %bitcast_convert_type3A_11 = tpu.bitcast %convert_element_type3A_10 : vector<4000x64xi16> -> vector<4000x64xbf16>
    %concatenate3A = tpu.concatenate %bitcast_convert_type3A_7, %bitcast_convert_type3A_11 in 1 : vector<4000x64xbf16>, vector<4000x64xbf16> -> vector<4000x128xbf16>
    %convert_element_type3A_12 = arith.extf %concatenate3A : vector<4000x128xbf16> to vector<4000x128xf32>
    %get3A_13 = arith.constant 0 : index
    %get3A_14 = arith.constant 0 : index
    %get3A_15 = vector.load %arg3[%get3A_13, %get3A_14] : memref<1x128xf32, #tpu.memory_space<vmem>>, vector<1x128xf32>
    %sub3A = vector.broadcast %get3A_15 : vector<1x128xf32> to vector<4000x128xf32>
    %sub3A_16 = arith.subf %convert_element_type3A_12, %sub3A : vector<4000x128xf32>
    %mul3A = vector.broadcast %get3A_1 : vector<1x128xf32> to vector<4000x128xf32>
    %mul3A_17 = arith.mulf %mul3A, %sub3A_16 : vector<4000x128xf32>
    %get3A_18 = arith.constant 0 : index
    %get3A_19 = arith.constant 0 : index
    %get3A_20 = vector.load %arg4[%get3A_18, %get3A_19] : memref<1x128xf32, #tpu.memory_space<vmem>>, vector<1x128xf32>
    %mul3A_21 = vector.broadcast %get3A_20 : vector<1x128xf32> to vector<4000x128xf32>
    %mul3A_22 = arith.mulf %mul3A_17, %mul3A_21 : vector<4000x128xf32>
    %get3A_23 = arith.constant 0 : index
    %get3A_24 = arith.constant 0 : index
    %get3A_25 = vector.load %arg6[%get3A_23, %get3A_24] : memref<1x128xf32, #tpu.memory_space<vmem>>, vector<1x128xf32>
    %add3A = vector.broadcast %get3A_25 : vector<1x128xf32> to vector<4000x128xf32>
    %add3A_26 = arith.addf %mul3A_22, %add3A : vector<4000x128xf32>
    %neg3A = arith.constant 0.000000e+00 : f32
    %neg3A_27 = vector.broadcast %neg3A : f32 to vector<4000x128xf32>
    %neg3A_28 = arith.subf %neg3A_27, %add3A_26 : vector<4000x128xf32>
    %exp3A = math.exp %neg3A_28 : vector<4000x128xf32>
    %add3A_29 = arith.constant 1.000000e+00 : f32
    %add3A_30 = vector.broadcast %add3A_29 : f32 to vector<4000x128xf32>
    %add3A_31 = arith.addf %add3A_30, %exp3A : vector<4000x128xf32>
    %div3A = arith.constant 1.000000e+00 : f32
    %div3A_32 = vector.broadcast %div3A : f32 to vector<4000x128xf32>
    %div3A_33 = arith.divf %div3A_32, %add3A_31 : vector<4000x128xf32>
    %get3A_34 = arith.constant 0 : index
    %get3A_35 = arith.constant 0 : index
    %get3A_36 = vector.load %arg1[%get3A_34, %get3A_35] : memref<4000x128xf32, #tpu.memory_space<vmem>>, vector<4000x128xf32>
    %mul3A_37 = arith.mulf %add3A_26, %div3A_33 : vector<4000x128xf32>
    %add3A_38 = arith.addf %get3A_36, %mul3A_37 : vector<4000x128xf32>
    %swap3A = arith.constant 0 : index
    %swap3A_39 = arith.constant 0 : index
    %swap3A_40 = vector.load %arg7[%swap3A, %swap3A_39] : memref<4000x128xf32, #tpu.memory_space<vmem>>, vector<4000x128xf32>
    tpu.vector_store %arg7[%swap3A, %swap3A_39], %add3A_38 {strides = array<i32>} : memref<4000x128xf32, #tpu.memory_space<vmem>>, vector<4000x128xf32>,
    return
  }
  func.func @transform_0(%arg0: i32) -> (i32, i32) {
    %c0_i32 = arith.constant 0 : i32
    %c0_i32_0 = arith.constant 0 : i32
    return %arg0, %c0_i32 : i32, i32
  }
  func.func @transform_1(%arg0: i32) -> (i32, i32) {
    %c0_i32 = arith.constant 0 : i32
    %c0_i32_0 = arith.constant 0 : i32
    return %arg0, %c0_i32 : i32, i32
  }
  func.func @transform_2(%arg0: i32) -> (i32, i32) {
    %c0_i32 = arith.constant 0 : i32
    %c0_i32_0 = arith.constant 0 : i32
    %c0_i32_1 = arith.constant 0 : i32
    return %c0_i32, %c0_i32_0 : i32, i32
  }
  func.func @transform_3(%arg0: i32) -> (i32, i32) {
    %c0_i32 = arith.constant 0 : i32
    %c0_i32_0 = arith.constant 0 : i32
    %c0_i32_1 = arith.constant 0 : i32
    return %c0_i32, %c0_i32_0 : i32, i32
  }
  func.func @transform_4(%arg0: i32) -> (i32, i32) {
    %c0_i32 = arith.constant 0 : i32
    %c0_i32_0 = arith.constant 0 : i32
    %c0_i32_1 = arith.constant 0 : i32
    return %c0_i32, %c0_i32_0 : i32, i32
  }
  func.func @transform_5(%arg0: i32) -> (i32, i32) {
    %c0_i32 = arith.constant 0 : i32
    %c0_i32_0 = arith.constant 0 : i32
    %c0_i32_1 = arith.constant 0 : i32
    return %c0_i32, %c0_i32_0 : i32, i32
  }
  func.func @transform_6(%arg0: i32) -> (i32, i32) {
    %c0_i32 = arith.constant 0 : i32
    %c0_i32_0 = arith.constant 0 : i32
    return %arg0, %c0_i32 : i32, i32
  }
}

module attributes {stable_mosaic.version = 14 : i64} {
  func.func @_node_out_body(%arg0: memref<10000x128xf32, #tpu.memory_space<vmem>>, %arg1: memref<10000x128xf32, #tpu.memory_space<vmem>>, %arg2: memref<2x10000x128xf32, #tpu.memory_space<vmem>>, %arg3: memref<1x128xf32, #tpu.memory_space<vmem>>, %arg4: memref<1x128xf32, #tpu.memory_space<vmem>>, %arg5: memref<10000x128xf32, #tpu.memory_space<vmem>>) attributes {dimension_semantics = [], scalar_prefetch = 0 : i64, scratch_operands = 0 : i64, tpu.core_type = #tpu.core_type<tc>} {
    %get3A = arith.constant 0 : index
    %get3A_0 = arith.constant 0 : index
    %get3A_1 = arith.constant 0 : index
    %get3A_2 = vector.load %arg2[%get3A, %get3A_0, %get3A_1] : memref<2x10000x128xf32, #tpu.memory_space<vmem>>, vector<1x10000x128xf32>
    %get3A_3 = vector.shape_cast %get3A_2 : vector<1x10000x128xf32> to vector<10000x128xf32>
    %get3A_4 = arith.constant 1 : index
    %get3A_5 = arith.constant 0 : index
    %get3A_6 = arith.constant 0 : index
    %get3A_7 = vector.load %arg2[%get3A_4, %get3A_5, %get3A_6] : memref<2x10000x128xf32, #tpu.memory_space<vmem>>, vector<1x10000x128xf32>
    %get3A_8 = vector.shape_cast %get3A_7 : vector<1x10000x128xf32> to vector<10000x128xf32>
    %add3A = arith.constant 9.99999997E-7 : f32
    %add3A_9 = vector.broadcast %add3A : f32 to vector<10000x128xf32>
    %add3A_10 = arith.addf %get3A_8, %add3A_9 : vector<10000x128xf32>
    %div3A = arith.divf %get3A_3, %add3A_10 : vector<10000x128xf32>
    %get3A_11 = arith.constant 0 : index
    %get3A_12 = arith.constant 0 : index
    %get3A_13 = vector.load %arg1[%get3A_11, %get3A_12] : memref<10000x128xf32, #tpu.memory_space<vmem>>, vector<10000x128xf32>
    %add3A_14 = arith.addf %get3A_13, %div3A : vector<10000x128xf32>
    %reduce_sum3A = arith.constant dense<0.000000e+00> : vector<128xf32>
    %reduce_sum3A_15 = vector.multi_reduction <add>, %add3A_14, %reduce_sum3A [0] : vector<10000x128xf32> to vector<128xf32>
    %broadcast_in_dim3A = vector.shape_cast %reduce_sum3A_15 : vector<128xf32> to vector<1x128xf32>
    %div3A_16 = arith.constant 1.000000e+04 : f32
    %div3A_17 = vector.broadcast %div3A_16 : f32 to vector<1x128xf32>
    %div3A_18 = arith.divf %broadcast_in_dim3A, %div3A_17 : vector<1x128xf32>
    %sub3A = vector.broadcast %div3A_18 : vector<1x128xf32> to vector<10000x128xf32>
    %sub3A_19 = arith.subf %add3A_14, %sub3A : vector<10000x128xf32>
    %mul3A = arith.mulf %sub3A_19, %sub3A_19 : vector<10000x128xf32>
    %reduce_sum3A_20 = arith.constant dense<0.000000e+00> : vector<128xf32>
    %reduce_sum3A_21 = vector.multi_reduction <add>, %mul3A, %reduce_sum3A_20 [0] : vector<10000x128xf32> to vector<128xf32>
    %broadcast_in_dim3A_22 = vector.shape_cast %reduce_sum3A_21 : vector<128xf32> to vector<1x128xf32>
    %div3A_23 = arith.constant 1.000000e+04 : f32
    %div3A_24 = vector.broadcast %div3A_23 : f32 to vector<1x128xf32>
    %div3A_25 = arith.divf %broadcast_in_dim3A_22, %div3A_24 : vector<1x128xf32>
    %get3A_26 = arith.constant 0 : index
    %get3A_27 = arith.constant 0 : index
    %get3A_28 = vector.load %arg3[%get3A_26, %get3A_27] : memref<1x128xf32, #tpu.memory_space<vmem>>, vector<1x128xf32>
    %mul3A_29 = vector.broadcast %get3A_28 : vector<1x128xf32> to vector<10000x128xf32>
    %mul3A_30 = arith.mulf %mul3A_29, %sub3A_19 : vector<10000x128xf32>
    %add3A_31 = arith.constant 9.99999974E-6 : f32
    %add3A_32 = vector.broadcast %add3A_31 : f32 to vector<1x128xf32>
    %add3A_33 = arith.addf %div3A_25, %add3A_32 : vector<1x128xf32>
    %sqrt3A = math.sqrt %add3A_33 : vector<1x128xf32>
    %div3A_34 = vector.broadcast %sqrt3A : vector<1x128xf32> to vector<10000x128xf32>
    %div3A_35 = arith.divf %mul3A_30, %div3A_34 : vector<10000x128xf32>
    %get3A_36 = arith.constant 0 : index
    %get3A_37 = arith.constant 0 : index
    %get3A_38 = vector.load %arg4[%get3A_36, %get3A_37] : memref<1x128xf32, #tpu.memory_space<vmem>>, vector<1x128xf32>
    %add3A_39 = vector.broadcast %get3A_38 : vector<1x128xf32> to vector<10000x128xf32>
    %add3A_40 = arith.addf %div3A_35, %add3A_39 : vector<10000x128xf32>
    %neg3A = arith.constant 0.000000e+00 : f32
    %neg3A_41 = vector.broadcast %neg3A : f32 to vector<10000x128xf32>
    %neg3A_42 = arith.subf %neg3A_41, %add3A_40 : vector<10000x128xf32>
    %exp3A = math.exp %neg3A_42 : vector<10000x128xf32>
    %add3A_43 = arith.constant 1.000000e+00 : f32
    %add3A_44 = vector.broadcast %add3A_43 : f32 to vector<10000x128xf32>
    %add3A_45 = arith.addf %add3A_44, %exp3A : vector<10000x128xf32>
    %div3A_46 = arith.constant 1.000000e+00 : f32
    %div3A_47 = vector.broadcast %div3A_46 : f32 to vector<10000x128xf32>
    %div3A_48 = arith.divf %div3A_47, %add3A_45 : vector<10000x128xf32>
    %get3A_49 = arith.constant 0 : index
    %get3A_50 = arith.constant 0 : index
    %get3A_51 = vector.load %arg0[%get3A_49, %get3A_50] : memref<10000x128xf32, #tpu.memory_space<vmem>>, vector<10000x128xf32>
    %mul3A_52 = arith.mulf %add3A_40, %div3A_48 : vector<10000x128xf32>
    %add3A_53 = arith.addf %get3A_51, %mul3A_52 : vector<10000x128xf32>
    %swap3A = arith.constant 0 : index
    %swap3A_54 = arith.constant 0 : index
    %swap3A_55 = vector.load %arg5[%swap3A, %swap3A_54] : memref<10000x128xf32, #tpu.memory_space<vmem>>, vector<10000x128xf32>
    tpu.vector_store %arg5[%swap3A, %swap3A_54], %add3A_53 {strides = array<i32>} : memref<10000x128xf32, #tpu.memory_space<vmem>>, vector<10000x128xf32>,
    return
  }
}

</mosaic_0001>

<sc_bundles>
// kernel: kernel.12.cloned.1.call-start
scs
__scs_entry_jumppad:
0x0: {  	(pc) =	sbr.rel $0x88, $3  }
0x1: {  	(tag) =	ssettag $0x0;
	lr =	simm.s32 $0x1  }
0x2: {  	[smem:$0x3F90] =	sst lr;
	_ =	strace $0xD0000000  }
0x3: {  	_ = 	snop  }
0x4: {  	_ = 	snop  }
0x5: {  	_ = 	snop  }
0x6: {  	_ = 	snop  }
0x7: {  	_ = 	snop  }
__scs_overlays_trampoline_lowered:
0x8: {  	[smem:$0x3F9F] =	sst s0  }
0x9: {  	[smem:$0x3FA0] =	sst s1  }
0xa: {  	[smem:$0x3FA1] =	sst s2  }
0xb: {  	[smem:$0x3FA2] =	sst s3  }
0xc: {  	[smem:$0x3FA3] =	sst s4  }
0xd: {  	[smem:$0x3FA4] =	sst s5  }
0xe: {  	[smem:$0x3FA5] =	sst s6  }
0xf: {  	[smem:$0x3FA6] =	sst s7  }
0x10: {  	[smem:$0x3FA7] =	sst s8  }
0x11: {  	[smem:$0x3FA8] =	sst s9;
	s0 =	simm.s32 @!p0 $0x0  }
0x12: {  	s1 =	sld [smem:$0x3F8E];
	s0 =	simm.s32 @p0 $0x1  }
0x13: {  	[smem:$0x3FA9] =	sst s0;
	s0 =	simm.s32 @!p1 $0x0  }
0x14: {  	s2 =	sld [smem:$0x3F8D];
	s0 =	simm.s32 @p1 $0x1  }
0x15: {  	[smem:$0x3FAA] =	sst s0;
	s0 =	simm.s32 @!p2 $0x0  }
0x16: {  	s3 =	sld [smem:$0x3FDB];
	s0 =	simm.s32 @p2 $0x1  }
0x17: {  	s4 =	simm.s32 $0x1BF5;
	[smem:$0x3FAC] =	sst s0  }
0x18: {  	s0 =	sld [smem:$0x3F8F];
	_ =	swait.ge [sflag:s4], $0x0  }
0x19: {  	s7 =	sld [smem:$0x3F90]  }
0x1a: {  	s8 =	sadd.s32 $0xFFFFE003, lr  }
0x1b: {  	s9 =	sadd.s32 $0xFFFFFEF7, lr;
	s5 =	simm.s32 $0xFFFFFFFF;
	p2 =	slt.u32 s8, $0xFFFFF086  }
0x1c: {  	p1 =	slt.u32 s9, $0xF7A;
	s5 =	simm.s32 @!p2 $0x0  }
0x1d: {  	s5 =	simm.s32 @p1 $0x1;
	p0 =	seq.s32 s7, s2  }
0x1e: {  	s7 =	smul.u32 @!p0 $0xF7A, s2;
	p2 =	seq.s32 @!p0 s5, $0x0  }
0x1f: {  	s9 =	smul.u32 $0xF7A, s1;
	s8 =	simm.s32 @!p0 $0x1BF5;
	p2 =	por !p2, p0  }
0x20: {  	[sflag:s8] =	ssyncset.s32 @!p0 $0xFFFFF086;
	s6 =	sadd.s32 @!p0 s3, s7;
	s7 =	simm.s32 @!p0 $0x108  }
0x21: {  	s3 =	sadd.s32 s3, s9;
	s6 =	sadd.s32 @!p0 $0x88, s6;
	s7 =	simm.s32 @p2 $0x1082  }
0x22: {  	[simem:s7], [sflag:s8] =	dma.local @!p0 [hbm:s6], $0xF7A  }
0x23: {  	s9 =	sor.u32 $0xD0000000, s2;
	s6 =	simm.s32 $0x108;
	_ =	swait.ge @!p0 [sflag:s8], $0x0  }
0x24: {  	s3 =	sadd.s32 $0x88, s3;
	s6 =	simm.s32 @!p1 $0x1082;
	[sflag:s4] =	ssyncset.s32 $0xFFFFF086  }
0x25: {  	[simem:s6], [sflag:s4] =	dma.local [hbm:s3], $0xF7A  }
0x26: {  	[smem:$0x3F90] =	sst s1;
	(tag) =	ssettag s2;
	_ =	strace s9  }
0x27: {  	s1 =	sld [smem:$0x3FA0]  }
0x28: {  	s2 =	sld [smem:$0x3FA1]  }
0x29: {  	s4 =	sld [smem:$0x3FA3]  }
0x2a: {  	p0 =	seq.s32 s5, $0x0;
	s5 =	sld [smem:$0x3FA4]  }
0x2b: {  	s6 =	sld [smem:$0x3FA5]  }
0x2c: {  	s7 =	sld [smem:$0x3FA6]  }
0x2d: {  	s3 =	simm.s32 $0x108;
	s8 =	sld [smem:$0x3FA7]  }
0x2e: {  	s3 =	simm.s32 @!p0 $0x1082;
	s9 =	sld [smem:$0x3FA8]  }
0x2f: {  	lr =	sadd.s32 s0, s3;
	s0 =	sld [smem:$0x3F9F]  }
0x30: {  	s3 =	sld [smem:$0x3FA2]  }
0x31: {  	[smem:$0x3FAB] =	sst s10  }
0x32: {  	s10 =	sld [smem:$0x3FA9];
	_ =	sdelay $0x3  }
0x33: {  	p0 =	seq.s32 s10, $0x1;
	s10 =	sld [smem:$0x3FAB];
	_ =	sdelay $0x3  }
0x34: {  	[smem:$0x3FAB] =	sst s10  }
0x35: {  	s10 =	sld [smem:$0x3FAA];
	_ =	sdelay $0x3  }
0x36: {  	p1 =	seq.s32 s10, $0x1;
	s10 =	sld [smem:$0x3FAB];
	_ =	sdelay $0x3  }
0x37: {  	[smem:$0x3FAB] =	sst s10  }
0x38: {  	s10 =	sld [smem:$0x3FAC]  }
0x39: {  	_ = 	snop;
	(pc) =	sbr.ind lr, $3  }
0x3a: {  	_ = 	snop  }
0x3b: {  	_ = 	snop  }
0x3c: {  	p2 =	seq.s32 s10, $0x1;
	s10 =	sld [smem:$0x3FAB]  }
0x3d: {  	_ =	shalt  }
0x3e: {  	_ =	shalt  }
0x3f: {  	_ =	shalt  }
0x40: {  	_ =	shalt  }
0x41: {  	_ =	shalt  }
0x42: {  	_ =	shalt  }
0x43: {  	_ =	shalt  }
0x44: {  	_ =	shalt  }
0x45: {  	_ =	shalt  }
0x46: {  	_ =	shalt  }
0x47: {  	_ =	shalt  }
0x48: {  	_ =	shalt  }
0x49: {  	_ =	shalt  }
0x4a: {  	_ =	shalt  }
0x4b: {  	_ =	shalt  }
0x4c: {  	_ =	shalt  }
0x4d: {  	_ =	shalt  }
0x4e: {  	_ =	shalt  }
0x4f: {  	_ =	shalt  }
0x50: {  	_ =	shalt  }
0x51: {  	_ =	shalt  }
0x52: {  	_ =	shalt  }
0x53: {  	_ =	shalt  }
0x54: {  	_ =	shalt  }
0x55: {  	_ =	shalt  }
0x56: {  	_ =	shalt  }
0x57: {  	_ =	shalt  }
0x58: {  	_ =	shalt  }
0x59: {  	_ =	shalt  }
0x5a: {  	_ =	shalt  }
0x5b: {  	_ =	shalt  }
0x5c: {  	_ =	shalt  }
0x5d: {  	_ =	shalt  }
0x5e: {  	_ =	shalt  }
0x5f: {  	_ =	shalt  }
0x60: {  	_ =	shalt  }
0x61: {  	_ =	shalt  }
0x62: {  	_ =	shalt  }
0x63: {  	_ =	shalt  }
0x64: {  	_ =	shalt  }
0x65: {  	_ =	shalt  }
0x66: {  	_ =	shalt  }
0x67: {  	_ =	shalt  }
0x68: {  	_ =	shalt  }
0x69: {  	_ =	shalt  }
0x6a: {  	_ =	shalt  }
0x6b: {  	_ =	shalt  }
0x6c: {  	_ =	shalt  }
0x6d: {  	_ =	shalt  }
0x6e: {  	_ =	shalt  }
0x6f: {  	_ =	shalt  }
0x70: {  	_ =	shalt  }
0x71: {  	_ =	shalt  }
0x72: {  	_ =	shalt  }
0x73: {  	_ =	shalt  }
0x74: {  	_ =	shalt  }
0x75: {  	_ =	shalt  }
0x76: {  	_ =	shalt  }
0x77: {  	_ =	shalt  }
0x78: {  	_ =	shalt  }
0x79: {  	_ =	shalt  }
0x7a: {  	_ =	shalt  }
0x7b: {  	_ =	shalt  }
0x7c: {  	_ =	shalt  }
0x7d: {  	_ =	shalt  }
0x7e: {  	_ =	shalt  }
0x7f: {  	_ =	shalt  }
0x80: {  	_ =	shalt  }
0x81: {  	_ =	shalt  }
0x82: {  	_ =	shalt  }
0x83: {  	_ =	shalt  }
0x84: {  	_ =	shalt  }
0x85: {  	_ =	shalt  }
0x86: {  	_ =	shalt  }
0x87: {  	_ =	shalt  }
.Lfunc_end0:
.L_simem_size_0:
called_computation.1_lowered:
.L_overlay_start_0:
0x88: {  	s2 =	sld [smem:$0x3FD9]  }
0x89: {  	s3 =	sld [smem:$0x3FFE];
	_ =	sdelay $0x1  }
0x8a: {  	s1 =	srdreg.scid  }
0x8b: {  	s0 =	sand.u32 $0x1, s1  }
0x8c: {  	s16 =	sshll.u32 s0, $0xA;
	s2 =	sadd.s32 s3, s2  }
0x8d: {  	s2 =	sadd.s32 s2, s16  }
0x8e: {  	[smem:$0x3FB7] =	sst s2  }
0x8f: {  	_ = 	snop  }
0x90: {  	(tm) =	ssettm $0x1  }
0x91: {  	s17 =	sld [smem:$0x3FFB];
	_ =	sdelay $0x3  }
0x92: {  	_ =	strace s17  }
0x93: {  	s2 =	sld [smem:$0x3FFC];
	_ =	sdelay $0x3  }
0x94: {  	_ =	strace s2  }
0x95: {  	s2 =	sld [smem:$0x3FFD];
	_ =	sdelay $0x3  }
0x96: {  	_ =	strace s2  }
0x97: {  	_ =	strace $0x8FFFFFFF  }
0x98: {  	s18 =	sld [smem:$0x3FDB];
	_ =	sdelay $0x1  }
0x99: {  	s19 =	simm.s32 $_scs_section_size  }
0x9a: {  	s4 =	simm.s32 $_size__tile_overlayer_lowered;
	s5 =	simm.s32 $_tile_overlayer_lowered  }
0x9b: {  	s22 =	simm.s32 $0x1BFF;
	s21 =	sshll.u32 s5, $0x1;
	s2 =	sadd.s32 s19, s18  }
0x9c: {  	s6 =	simm.s32 $0x0;
	s20 =	sshll.u32 s4, $0x1;
	s4 =	sadd.s32 s21, s2  }
0x9d: {  	[timem:s6], [sflag:s22] =	dma.local [hbm:s4], s20  }
0x9e: {  	_ =	swait.ge [sflag:s22], s20  }
0x9f: {  	s3 =	ssub.s32 $0x0, s20;
	[sflag:s22] =	ssyncset.done $0x0  }
0xa0: {  	[sflag:s22] =	ssyncadd.s32 s3;
	_ =	sdelay $0x1  }
0xa1: {  	s23 =	simm.s32 $0x1B8B  }
0xa2: {  	_ =	swait.ge [sflag:s23], $0x1  }
0xa3: {  	[sflag:s23] =	ssyncset.done $0x0  }
0xa4: {  	s25 =	simm.s32 $0x1B8E;
	s24 =	sld [smem:$0x3FFE];
	[sflag:s23] =	ssyncadd.s32 $0xFFFFFFFF  }
0xa5: {  	s26 =	simm.s32 $execute0_lowered;
	[smem:$0x3FD2] =	sst s25  }
0xa6: {  	s4 =	sshll.u32 s26, $0x1;
	_ =	strace $0x80000049;
	[dreg:$0x1] =	wrdreg $0xFFFFFFFF  }
0xa7: {  	s28 =	simm.s32 $_size_execute0_lowered;
	s2 =	sadd.s32 s2, s4;
	[dreg:$0x0] =	wrdreg $0x0  }
0xa8: {  	s4 =	sshll.u32 s28, $0x1;
	[dreg:$0x2] =	wrdreg s2  }
0xa9: {  	[dreg:$0x3] =	wrdreg s4  }
0xaa: {  	[dreg:$0x4] =	wrdreg $0xC0  }
0xab: {  	_ =	task [dreg:s6], $0x5FFFF  }
0xac: {  	[dreg:$0x1] =	wrdreg $0xFFFFFFFF  }
0xad: {  	[dreg:$0x0] =	wrdreg $0x60  }
0xae: {  	[dreg:$0x2] =	wrdreg s24  }
0xaf: {  	[dreg:$0x3] =	wrdreg $0xA0000  }
0xb0: {  	[dreg:$0x4] =	wrdreg $0x9  }
0xb1: {  	_ =	task.clear_ibuf [dreg:s6], $0x5FFFF;
	_ =	strace $0x90000049  }
0xb2: {  	s29 =	simm.s32 $0x9;
	_ =	strace $0x8000004B  }
0xb3: {  	_ =	swait.ge [sflag:s29], $0x1  }
0xb4: {  	[sflag:s29] =	ssyncadd.s32 $0xFFFFFFFF  }
0xb5: {  	_ =	strace $0x9000004B  }
0xb6: {  	_ =	sfence  }
0xb7: {  	s30 =	sld [smem:$0x0];
	_ =	sdelay $0x2  }
0xb8: {  	s31 =	sshll.u32 s1, $0xD;
	s1 =	sshrl.u32 s1, $0x2  }
0xb9: {  	s3 =	sand.u32 $0x4000, s31;
	s1 =	sadd.s32 s1, s30  }
0xba: {  	s0 =	sor.u32 s3, s0;
	s1 =	sshll.u32 s1, $0x11  }
0xbb: {  	s0 =	sor.u32 s1, s0  }
0xbc: {  	s0 =	sadd.s32 $0x8F2B, s0  }
0xbd: {  	[sflag:s0] =	ssyncadd.remote.s32 $0x1  }
0xbe: {  	_ =	sfence.sel $0xFFFF  }
0xbf: {  	[dreg:$0x0] =	wrdreg $0xFFFFFFFF;
	(pc) =	sbr.abs _section_cstart, $3  }
0xc0: {  	[dreg:$0x1] =	wrdreg $0xFFFFFFFF  }
0xc1: {  	_ =	task.clear_ibuf [dreg:s6], $0x2FFFF;
	_ =	strace $0x9FFFFFFF  }
0xc2: {  	(tm) =	ssettm $0x7FFFFFFF  }
0xc3: {  	_ =	shalt  }
tec
execute0_lowered:
.L_overlay_start_1:
0x0: {  	(tag) =	ssettag $0x1  }
0x1: {  	s0 =	rddreg [dreg:$0x0]  }
0x2: {  	s2 =	rddreg [dreg:$0x1]  }
0x3: {  	s3 =	simm.s32 $0x0;
	s17 =	stileid.u32;
	s5 =	srdreg.scid  }
0x4: {  	s28 =	simm.s32 $0x2800;
	s29 =	simm.s32 $0x3;
	s1 =	smul.u32 $0x13800, s17  }
0x5: {  	s30 =	simm.s32 $0x2;
	s31 =	simm.s32 $0x7800;
	s9 =	smul.u32 $0x4E000, s17  }
0x6: {  	[smem:$0x7FF] =	sst s3;
	s4 =	sadd.s32 $0xA29C00, s0;
	s12 =	smul.u32 $0x271000, s17  }
0x7: {  	s7 =	sadd.s32 $0xDA00, s0;
	s5 =	sand.u32 $0x1, s5;
	s18 =	smul.u32 $0x4E20, s17  }
0x8: {  	s10 =	sadd.s32 $0x3EA00, s0;
	s16 =	sshll.u32 s17, $0x6;
	s25 =	smul.u32 $0x9C4, s17  }
0x9: {  	s19 =	sadd.s32 $0x138000, s2;
	p0 =	sne.s32 s17, $0xF;
	s15 =	smul.u32 $0x2710000, s5  }
0xa: {  	_ =	strace $0x8000004A;
	s8 =	ssub.s32 $0x2, s5;
	s5 =	smul.u32 $0x138800, s5  }
0xb: {  	s19 =	sshrl.u32 @!p0 s19, $0x3;
	s6 =	sshrl.u32 s1, $0x3;
	s11 =	sshrl.u32 s8, $0x1  }
0xc: {  	s9 =	sshrl.u32 s9, $0x2;
	s6 =	sadd.s32 s6, s0;
	s8 =	ssub.s32 s8, s11  }
0xd: {  	s14 =	sadd.s32 s9, s2;
	s15 =	sadd.s32 s12, s15;
	s0 =	sadd.s32 $0x3E800, s0  }
0xe: {  	s9 =	sshrl.u32 s18, $0x3;
	s21 =	sadd.s32 s1, s5;
	s23 =	sshrl.u32 s5, $0x3  }
0xf: {  	s18 =	simm.s32 $0x5;
	s1 =	simm.s32 $0x0;
	s6 =	sadd.s32 $0x17800, s6  }
0x10: {  	[dreg:$0x4] =	wrdreg s0;
	s20 =	sshrl.u32 s15, $0x3;
	s9 =	sadd.s32 s7, s9  }
0x11: {  	s24 =	sadd.s32 s10, s23;
	s13 =	smax.u32 s8, $0x1;
	s26 =	sadd.s32 $0x5000, s15  }
0x12: {  	s5 =	sadd.s32 $0xA000, s15;
	s15 =	sadd.s32 s25, s7;
	s17 =	sshrl.u32 s14, $0x3  }
0x13: {  	s23 =	simm.s32 $0x1D980;
	s25 =	simm.s32 $0x1;
	[dreg:$0x3] =	wrdreg s6  }
0x14: {  	s6 =	sor.u32 $0x1C05, s16;
	s0 =	sadd.s32 s4, s20;
	s22 =	sadd.s32 $0xA, s9  }
0x15: {  	s20 =	simm.s32 $0x1D880;
	[dreg:$0x5] =	wrdreg s0;
	s0 =	sshrl.u32 s21, $0x3  }
0x16: {  	[dreg:$0x6] =	wrdreg s22;
	s21 =	simm.s32 $0x1D900;
	s0 =	sadd.s32 s10, s0  }
0x17: {  	s22 =	simm.s32 $0x5000;
	[dreg:$0x7] =	wrdreg s0;
	s0 =	sadd.s32 $0x27000, s24  }
0x18: {  	s24 =	simm.s32 $0x1DA00;
	[dreg:$0x8] =	wrdreg s0;
	s0 =	sshrl.u32 s26, $0x3  }
0x19: {  	s26 =	simm.s32 $0x50;
	s16 =	sadd.s32 s0, s4;
	s0 =	simm.s32 $0x4  }
.LBB2_1:
0x1a: {  	s7 =	rddreg [dreg:$0x3]  }
0x1b: {  	[spmem:s17], [sflag:s6] =	dma.local [hbm:s7], $0x2700  }
0x1c: {  	_ =	swait.ge [sflag:s18], $0x2700  }
0x1d: {  	[sflag:s18] =	ssyncset.done $0x0  }
0x1e: {  	s7 =	rddreg [dreg:$0x4];
	[sflag:s18] =	ssyncadd.s32 $0xFFFFD900  }
0x1f: {  	[spmem:s19], [sflag:s6] =	dma.local @!p0 [hbm:s7], $0x100  }
0x20: {  	s7 =	simm.s32 @!p0 $0x5  }
0x21: {  	_ =	swait.ge @!p0 [sflag:s7], $0x100  }
0x22: {  	[sflag:s7] =	ssyncset.done @!p0 $0x0  }
0x23: {  	[sflag:s7] =	ssyncadd.s32 @!p0 $0xFFFFFF00  }
0x24: {  	[bflag:$0x0] =	sbarrier.arrive $0xFFFF  }
0x25: {  	s14 =	rddreg [dreg:$0x5]  }
0x26: {  	[tilespmem:s3], [sflag:$0x1] =	stream.linear.gather [hbm4b:s14+s3], $0x5000, $0x38;
	[tilespmem:$0x1DA80] =	vst v63  }
0x27: {  	p1 =	por $0x1, $0x1  }
0x28: {  	[tilespmem:s20], [sflag:$0x1] =	stream.linear.gather [hbm4b:s9+s3], $0x50, $0x38;
	[tilespmem:$0x1DA80] =	vst v63  }
0x29: {  	s7 =	simm.s32 @!p1 $0x4;
	s8 =	rddreg [dreg:$0x6]  }
0x2a: {  	[tilespmem:s21], [sflag:$0x1] =	stream.linear.gather [hbm4b:s8+s3], $0x50, $0x38;
	[tilespmem:$0x1DA80] =	vst v63  }
0x2b: {  	_ =	swait.ge @!p1 [sflag:s7], $0x2800  }
0x2c: {  	[sflag:s7] =	ssyncset.done @!p1 $0x0  }
0x2d: {  	[sflag:s7] =	ssyncadd.s32 @!p1 $0xFFFFD800  }
0x2e: {  	_ =	swait.ge @!p1 [sflag:s7], $0x2800  }
0x2f: {  	[sflag:s7] =	ssyncset.done @!p1 $0x0  }
0x30: {  	s10 =	sadd.s32 $0x0, s15;
	[sflag:s7] =	ssyncadd.s32 @!p1 $0xFFFFD800  }
0x31: {  	[tilespmem:s22], [sflag:$0x2] =	stream.linear.gather [hbm4b:s16+s3], $0x5000, $0x38;
	[tilespmem:$0x1DA80] =	vst v63  }
0x32: {  	s8 =	sadd.s32 $0x14, s10  }
0x33: {  	[tilespmem:s23], [sflag:$0x2] =	stream.linear.gather [hbm4b:s8+s3], $0x50, $0x38;
	[tilespmem:$0x1DA80] =	vst v63  }
0x34: {  	s11 =	sadd.s32 $0x1E, s10  }
0x35: {  	[tilespmem:s24], [sflag:$0x2] =	stream.linear.gather [hbm4b:s11+s3], $0x50, $0x38;
	[tilespmem:$0x1DA80] =	vst v63  }
0x36: {  	_ =	swait.ge [sflag:s25], $0x5000  }
0x37: {  	[sflag:s25] =	ssyncset.done $0x0  }
0x38: {  	[sflag:s25] =	ssyncadd.s32 $0xFFFFB000  }
0x39: {  	_ =	swait.ge [sflag:s25], $0x50  }
0x3a: {  	[sflag:s25] =	ssyncset.done $0x0  }
0x3b: {  	[sflag:s25] =	ssyncadd.s32 $0xFFFFFFB0  }
0x3c: {  	_ =	swait.ge [sflag:s25], $0x50  }
0x3d: {  	[sflag:s25] =	ssyncset.done $0x0  }
0x3e: {  	[sflag:s25] =	ssyncadd.s32 $0xFFFFFFB0  }
0x3f: {  	[spmem:s2] =	stream.indirect.scatter.add.f32 [tilespmem:s3], [sflag:$0x3], $0x80, s20, s26, $0xb8;
	[tilespmem:$0x1DA80] =	vst v63  }
0x40: {  	_ = 	snop  }
0x41: {  	[spmem:s2] =	stream.indirect.scatter.add.f32 [tilespmem:s28], [sflag:$0x3], $0x80, s21, s26, $0xb8;
	[tilespmem:$0x1DA80] =	vst v63  }
0x42: {  	_ =	swait.ge [sflag:s29], $0x2800  }
0x43: {  	[sflag:s29] =	ssyncset.done $0x0  }
0x44: {  	[sflag:s29] =	ssyncadd.s32 $0xFFFFD800  }
0x45: {  	_ =	swait.ge [sflag:s29], $0x2800  }
0x46: {  	s12 =	sshrl.u32 s5, $0x3;
	[sflag:s29] =	ssyncset.done $0x0  }
0x47: {  	s8 =	sadd.s32 s4, s12;
	[sflag:s29] =	ssyncadd.s32 $0xFFFFD800  }
0x48: {  	[tilespmem:s3], [sflag:$0x1] =	stream.linear.gather [hbm4b:s8+s3], $0x5000, $0x38;
	[tilespmem:$0x1DA80] =	vst v63  }
0x49: {  	s14 =	sadd.s32 $0x28, s10  }
0x4a: {  	[tilespmem:s20], [sflag:$0x1] =	stream.linear.gather [hbm4b:s14+s3], $0x50, $0x38;
	[tilespmem:$0x1DA80] =	vst v63  }
0x4b: {  	s7 =	sadd.s32 $0x32, s10  }
0x4c: {  	[tilespmem:s21], [sflag:$0x1] =	stream.linear.gather [hbm4b:s7+s3], $0x50, $0x38;
	[tilespmem:$0x1DA80] =	vst v63  }
0x4d: {  	_ =	swait.ge [sflag:s30], $0x5000  }
0x4e: {  	[sflag:s30] =	ssyncset.done $0x0  }
0x4f: {  	[sflag:s30] =	ssyncadd.s32 $0xFFFFB000  }
0x50: {  	_ =	swait.ge [sflag:s30], $0x50  }
0x51: {  	[sflag:s30] =	ssyncset.done $0x0  }
0x52: {  	[sflag:s30] =	ssyncadd.s32 $0xFFFFFFB0  }
0x53: {  	p2 =	por $0x0, $0x0;
	_ =	swait.ge [sflag:s30], $0x50  }
0x54: {  	s10 =	simm.s32 $0x50;
	s8 =	sadd.s32 $0x1400, s16;
	[sflag:s30] =	ssyncset.done $0x0  }
0x55: {  	s14 =	smov.u32 s5;
	s7 =	simm.s32 $0x28;
	[sflag:s30] =	ssyncadd.s32 $0xFFFFFFB0  }
0x56: {  	[spmem:s2] =	stream.indirect.scatter.add.f32 [tilespmem:s22], [sflag:$0x4], $0x80, s23, s26, $0xb8;
	[tilespmem:$0x1DA80] =	vst v63  }
.LBB2_2:
0x57: {  	s11 =	simm.s32 @!p2 $0x4  }
0x58: {  	s14 =	sadd.s32 $0xA000, s14;
	s12 =	smov.u32 s10;
	s10 =	sadd.s32 $0x28, s10  }
0x59: {  	[spmem:s2] =	stream.indirect.scatter.add.f32 [tilespmem:s31], [sflag:$0x4], $0x80, s24, s26, $0xb8;
	[tilespmem:$0x1DA80] =	vst v63  }
0x5a: {  	p1 =	sne.s32 s10, $0x9B0;
	_ =	swait.ge @!p2 [sflag:s11], $0x2800  }
0x5b: {  	[sflag:s11] =	ssyncset.done @!p2 $0x0  }
0x5c: {  	[sflag:s11] =	ssyncadd.s32 @!p2 $0xFFFFD800  }
0x5d: {  	_ =	swait.ge @!p2 [sflag:s11], $0x2800  }
0x5e: {  	[sflag:s11] =	ssyncset.done @!p2 $0x0  }
0x5f: {  	[sflag:s11] =	ssyncadd.s32 @!p2 $0xFFFFD800;
	s11 =	sadd.s32 s7, s15;
	s7 =	smov.u32 s12  }
0x60: {  	[tilespmem:s22], [sflag:$0x2] =	stream.linear.gather [hbm4b:s8+s3], $0x5000, $0x38;
	[tilespmem:$0x1DA80] =	vst v63  }
0x61: {  	s12 =	sadd.s32 $0x14, s11  }
0x62: {  	[tilespmem:s23], [sflag:$0x2] =	stream.linear.gather [hbm4b:s12+s3], $0x50, $0x38;
	[tilespmem:$0x1DA80] =	vst v63  }
0x63: {  	s12 =	sadd.s32 $0x1E, s11  }
0x64: {  	[tilespmem:s24], [sflag:$0x2] =	stream.linear.gather [hbm4b:s12+s3], $0x50, $0x38;
	[tilespmem:$0x1DA80] =	vst v63  }
0x65: {  	_ =	swait.ge [sflag:s25], $0x5000  }
0x66: {  	[sflag:s25] =	ssyncset.done $0x0  }
0x67: {  	[sflag:s25] =	ssyncadd.s32 $0xFFFFB000  }
0x68: {  	_ =	swait.ge [sflag:s25], $0x50  }
0x69: {  	[sflag:s25] =	ssyncset.done $0x0  }
0x6a: {  	[sflag:s25] =	ssyncadd.s32 $0xFFFFFFB0  }
0x6b: {  	_ =	swait.ge [sflag:s25], $0x50  }
0x6c: {  	[sflag:s25] =	ssyncset.done $0x0  }
0x6d: {  	[sflag:s25] =	ssyncadd.s32 $0xFFFFFFB0  }
0x6e: {  	[spmem:s2] =	stream.indirect.scatter.add.f32 [tilespmem:s3], [sflag:$0x3], $0x80, s20, s26, $0xb8;
	[tilespmem:$0x1DA80] =	vst v63  }
0x6f: {  	_ = 	snop  }
0x70: {  	[spmem:s2] =	stream.indirect.scatter.add.f32 [tilespmem:s28], [sflag:$0x3], $0x80, s21, s26, $0xb8;
	[tilespmem:$0x1DA80] =	vst v63  }
0x71: {  	_ =	swait.ge [sflag:s29], $0x2800  }
0x72: {  	[sflag:s29] =	ssyncset.done $0x0  }
0x73: {  	[sflag:s29] =	ssyncadd.s32 $0xFFFFD800  }
0x74: {  	_ =	swait.ge [sflag:s29], $0x2800  }
0x75: {  	s12 =	sshrl.u32 s14, $0x3;
	[sflag:s29] =	ssyncset.done $0x0  }
0x76: {  	s12 =	sadd.s32 s4, s12;
	[sflag:s29] =	ssyncadd.s32 $0xFFFFD800  }
0x77: {  	[tilespmem:s3], [sflag:$0x1] =	stream.linear.gather [hbm4b:s12+s3], $0x5000, $0x38;
	[tilespmem:$0x1DA80] =	vst v63  }
0x78: {  	s12 =	sadd.s32 $0x28, s11  }
0x79: {  	[tilespmem:s20], [sflag:$0x1] =	stream.linear.gather [hbm4b:s12+s3], $0x50, $0x38;
	[tilespmem:$0x1DA80] =	vst v63  }
0x7a: {  	s11 =	sadd.s32 $0x32, s11  }
0x7b: {  	[tilespmem:s21], [sflag:$0x1] =	stream.linear.gather [hbm4b:s11+s3], $0x50, $0x38;
	[tilespmem:$0x1DA80] =	vst v63  }
0x7c: {  	_ =	swait.ge [sflag:s30], $0x5000  }
0x7d: {  	[sflag:s30] =	ssyncset.done $0x0  }
0x7e: {  	[sflag:s30] =	ssyncadd.s32 $0xFFFFB000  }
0x7f: {  	_ =	swait.ge [sflag:s30], $0x50  }
0x80: {  	[sflag:s30] =	ssyncset.done $0x0  }
.Ltmp0:
0x81: {  	[sflag:s30] =	ssyncadd.s32 $0xFFFFFFB0;
	(pc) =	sbr.rel @p1 .LBB2_2-.Ltmp0, $4  }
0x82: {  	_ =	swait.ge [sflag:s30], $0x50  }
0x83: {  	[sflag:s30] =	ssyncset.done $0x0  }
0x84: {  	p2 =	seq.s32 s7, $0x0;
	s8 =	sadd.s32 $0x1400, s8;
	[sflag:s30] =	ssyncadd.s32 $0xFFFFFFB0  }
0x85: {  	[spmem:s2] =	stream.indirect.scatter.add.f32 [tilespmem:s22], [sflag:$0x4], $0x80, s23, s26, $0xb8;
	[tilespmem:$0x1DA80] =	vst v63  }
0x86: {  	s10 =	simm.s32 @!p2 $0x4  }
0x87: {  	[spmem:s2] =	stream.indirect.scatter.add.f32 [tilespmem:s31], [sflag:$0x4], $0x80, s24, s26, $0xb8;
	[tilespmem:$0x1DA80] =	vst v63  }
0x88: {  	_ =	swait.ge @!p2 [sflag:s10], $0x2800  }
0x89: {  	[sflag:s10] =	ssyncset.done @!p2 $0x0  }
0x8a: {  	[sflag:s10] =	ssyncadd.s32 @!p2 $0xFFFFD800  }
0x8b: {  	_ =	swait.ge @!p2 [sflag:s10], $0x2800  }
0x8c: {  	[sflag:s10] =	ssyncset.done @!p2 $0x0  }
0x8d: {  	s7 =	sadd.s32 s7, s15;
	[sflag:s10] =	ssyncadd.s32 @!p2 $0xFFFFD800  }
0x8e: {  	[tilespmem:s22], [sflag:$0x2] =	stream.linear.gather [hbm4b:s8+s3], $0x5000, $0x38;
	[tilespmem:$0x1DA80] =	vst v63  }
0x8f: {  	s12 =	sadd.s32 $0x14, s7  }
0x90: {  	[tilespmem:s23], [sflag:$0x2] =	stream.linear.gather [hbm4b:s12+s3], $0x50, $0x38;
	[tilespmem:$0x1DA80] =	vst v63  }
0x91: {  	s10 =	sadd.s32 $0x1E, s7  }
0x92: {  	[tilespmem:s24], [sflag:$0x2] =	stream.linear.gather [hbm4b:s10+s3], $0x50, $0x38;
	[tilespmem:$0x1DA80] =	vst v63  }
0x93: {  	_ =	swait.ge [sflag:s25], $0x5000  }
0x94: {  	[sflag:s25] =	ssyncset.done $0x0  }
0x95: {  	[sflag:s25] =	ssyncadd.s32 $0xFFFFB000  }
0x96: {  	_ =	swait.ge [sflag:s25], $0x50  }
0x97: {  	[sflag:s25] =	ssyncset.done $0x0  }
0x98: {  	[sflag:s25] =	ssyncadd.s32 $0xFFFFFFB0  }
0x99: {  	_ =	swait.ge [sflag:s25], $0x50  }
0x9a: {  	[sflag:s25] =	ssyncset.done $0x0  }
0x9b: {  	[sflag:s25] =	ssyncadd.s32 $0xFFFFFFB0  }
0x9c: {  	[spmem:s2] =	stream.indirect.scatter.add.f32 [tilespmem:s3], [sflag:$0x3], $0x80, s20, s26, $0xb8;
	[tilespmem:$0x1DA80] =	vst v63  }
0x9d: {  	_ = 	snop  }
0x9e: {  	[spmem:s2] =	stream.indirect.scatter.add.f32 [tilespmem:s28], [sflag:$0x3], $0x80, s21, s26, $0xb8;
	[tilespmem:$0x1DA80] =	vst v63  }
0x9f: {  	_ =	swait.ge [sflag:s29], $0x2800  }
0xa0: {  	[sflag:s29] =	ssyncset.done $0x0  }
0xa1: {  	[sflag:s29] =	ssyncadd.s32 $0xFFFFD800  }
0xa2: {  	s11 =	sadd.s32 $0xA000, s14;
	_ =	swait.ge [sflag:s29], $0x2800  }
0xa3: {  	s8 =	sshrl.u32 s11, $0x3;
	[sflag:s29] =	ssyncset.done $0x0  }
0xa4: {  	s8 =	sadd.s32 s4, s8;
	[sflag:s29] =	ssyncadd.s32 $0xFFFFD800  }
0xa5: {  	[tilespmem:s3], [sflag:$0x1] =	stream.linear.gather [hbm4b:s8+s3], $0x5000, $0x38;
	[tilespmem:$0x1DA80] =	vst v63  }
0xa6: {  	s12 =	sadd.s32 $0x28, s7  }
0xa7: {  	[tilespmem:s20], [sflag:$0x1] =	stream.linear.gather [hbm4b:s12+s3], $0x50, $0x38;
	[tilespmem:$0x1DA80] =	vst v63  }
0xa8: {  	s7 =	sadd.s32 $0x32, s7  }
0xa9: {  	[tilespmem:s21], [sflag:$0x1] =	stream.linear.gather [hbm4b:s7+s3], $0x50, $0x38;
	[tilespmem:$0x1DA80] =	vst v63  }
0xaa: {  	_ =	swait.ge [sflag:s30], $0x5000  }
0xab: {  	[sflag:s30] =	ssyncset.done $0x0  }
0xac: {  	[sflag:s30] =	ssyncadd.s32 $0xFFFFB000  }
0xad: {  	_ =	swait.ge [sflag:s30], $0x50  }
0xae: {  	[sflag:s30] =	ssyncset.done $0x0  }
0xaf: {  	[sflag:s30] =	ssyncadd.s32 $0xFFFFFFB0  }
0xb0: {  	_ =	swait.ge [sflag:s30], $0x50  }
0xb1: {  	[sflag:s30] =	ssyncset.done $0x0  }
0xb2: {  	[sflag:s30] =	ssyncadd.s32 $0xFFFFFFB0  }
0xb3: {  	[spmem:s2] =	stream.indirect.scatter.add.f32 [tilespmem:s22], [sflag:$0x4], $0x80, s23, s26, $0xb8;
	[tilespmem:$0x1DA80] =	vst v63  }
0xb4: {  	_ = 	snop  }
0xb5: {  	[spmem:s2] =	stream.indirect.scatter.add.f32 [tilespmem:s31], [sflag:$0x4], $0x80, s24, s26, $0xb8;
	[tilespmem:$0x1DA80] =	vst v63  }
0xb6: {  	_ =	swait.ge [sflag:s25], $0x5000  }
0xb7: {  	[sflag:s25] =	ssyncset.done $0x0  }
0xb8: {  	[sflag:s25] =	ssyncadd.s32 $0xFFFFB000  }
0xb9: {  	_ =	swait.ge [sflag:s25], $0x50  }
0xba: {  	[sflag:s25] =	ssyncset.done $0x0  }
0xbb: {  	[sflag:s25] =	ssyncadd.s32 $0xFFFFFFB0  }
0xbc: {  	_ =	swait.ge [sflag:s25], $0x50  }
0xbd: {  	[sflag:s25] =	ssyncset.done $0x0  }
0xbe: {  	[sflag:s25] =	ssyncadd.s32 $0xFFFFFFB0  }
0xbf: {  	[spmem:s2] =	stream.indirect.scatter.add.f32 [tilespmem:s3], [sflag:$0x3], $0x80, s20, s26, $0xb8;
	[tilespmem:$0x1DA80] =	vst v63  }
0xc0: {  	_ = 	snop  }
0xc1: {  	[spmem:s2] =	stream.indirect.scatter.add.f32 [tilespmem:s28], [sflag:$0x3], $0x80, s21, s26, $0xb8;
	[tilespmem:$0x1DA80] =	vst v63  }
0xc2: {  	_ =	swait.ge [sflag:s0], $0x2800  }
0xc3: {  	[sflag:s0] =	ssyncset.done $0x0  }
0xc4: {  	[sflag:s0] =	ssyncadd.s32 $0xFFFFD800  }
0xc5: {  	_ =	swait.ge [sflag:s0], $0x2800  }
0xc6: {  	[sflag:s0] =	ssyncset.done $0x0  }
0xc7: {  	[sflag:s0] =	ssyncadd.s32 $0xFFFFD800  }
0xc8: {  	_ =	swait.ge [sflag:s29], $0x2800  }
0xc9: {  	[sflag:s29] =	ssyncset.done $0x0  }
0xca: {  	[sflag:s29] =	ssyncadd.s32 $0xFFFFD800  }
0xcb: {  	_ =	swait.ge [sflag:s29], $0x2800  }
0xcc: {  	[sflag:s29] =	ssyncset.done $0x0  }
0xcd: {  	[sflag:s29] =	ssyncadd.s32 $0xFFFFD800  }
0xce: {  	[bflag:$0x0] =	sbarrier.arrive $0xFFFF  }
0xcf: {  	s14 =	rddreg [dreg:$0x7]  }
0xd0: {  	[hbm:s14], [sflag:s6] =	dma.local [spmem:s17], $0x2700  }
0xd1: {  	_ =	swait.ge [sflag:s18], $0x2700  }
0xd2: {  	s1 =	sadd.s32 $0x1, s1;
	[sflag:s18] =	ssyncset.done $0x0  }
0xd3: {  	p1 =	sne.s32 s1, s13;
	s7 =	rddreg [dreg:$0x8];
	[sflag:s18] =	ssyncadd.s32 $0xFFFFD900  }
0xd4: {  	[hbm:s7], [sflag:s6] =	dma.local @!p0 [spmem:s19], $0x100  }
.Ltmp1:
0xd5: {  	_ = 	snop;
	(pc) =	sbr.rel @p1 .LBB2_1-.Ltmp1, $4  }
0xd6: {  	s7 =	simm.s32 @!p0 $0x5  }
0xd7: {  	_ =	swait.ge @!p0 [sflag:s7], $0x100  }
0xd8: {  	[sflag:s7] =	ssyncset.done @!p0 $0x0  }
0xd9: {  	[sflag:s7] =	ssyncadd.s32 @!p0 $0xFFFFFF00  }
0xda: {  	_ =	sfence.sel $0x180000  }
0xdb: {  	[bflag:$0x0] =	sbarrier.arrive $0xFFFF  }
0xdc: {  	_ =	strace $0x9000004A  }
0xdd: {  	s0 =	stileid.u32;
	[bflag:$0x2] =	sbarrier.arrive $0xFFFF  }
0xde: {  	p0 =	sne.s32 s0, $0x0;
	s0 =	rddreg [dreg:$0x2]  }
0xdf: {  	s0 =	sadd.s32 @!p0 $0x100000, s0  }
0xe0: {  	[sflag:s0] =	ssyncadd.tile.s32 @!p0 $0x1;
	_ =	shalt  }
.Lfunc_end2:
_tile_overlayer_lowered:
.L_overlay_start_2:
0xe1: {  	(tag) =	ssettag $0x2  }
0xe2: {  	s0 =	rddreg [dreg:$0x0];
	s2 =	stileid.u32  }
0xe3: {  	s1 =	rddreg [dreg:$0x1];
	p0 =	sne.s32 s2, $0x0  }
0xe4: {  	s3 =	rddreg [dreg:$0x2];
	[bflag:$0x3] =	sbarrier.arrive $0xFFFF;
	s2 =	simm.s32 @!p0 $0x1C05  }
0xe5: {  	[timem:s3], [sflag:s2] =	dma.local @!p0 [hbm:s0], s1  }
0xe6: {  	s0 =	simm.s32 @!p0 $0x5  }
0xe7: {  	_ =	swait.ge @!p0 [sflag:s0], s1  }
0xe8: {  	s1 =	ssub.s32 @!p0 $0x0, s1;
	[sflag:s0] =	ssyncset.done @!p0 $0x0  }
0xe9: {  	[sflag:s0] =	ssyncadd.s32 @!p0 s1  }
0xea: {  	[bflag:$0x3] =	sbarrier.arrive $0xFFFF  }
0xeb: {  	_ =	shalt  }

// kernel: kernel.9.cloned.1.call-start
scs
__scs_entry_jumppad:
0x0: {  	(pc) =	sbr.rel $0x88, $3  }
0x1: {  	(tag) =	ssettag $0x0;
	lr =	simm.s32 $0x1  }
0x2: {  	[smem:$0x3F90] =	sst lr;
	_ =	strace $0xD0000000  }
0x3: {  	_ = 	snop  }
0x4: {  	_ = 	snop  }
0x5: {  	_ = 	snop  }
0x6: {  	_ = 	snop  }
0x7: {  	_ = 	snop  }
__scs_overlays_trampoline_lowered:
0x8: {  	[smem:$0x3F9F] =	sst s0  }
0x9: {  	[smem:$0x3FA0] =	sst s1  }
0xa: {  	[smem:$0x3FA1] =	sst s2  }
0xb: {  	[smem:$0x3FA2] =	sst s3  }
0xc: {  	[smem:$0x3FA3] =	sst s4  }
0xd: {  	[smem:$0x3FA4] =	sst s5  }
0xe: {  	[smem:$0x3FA5] =	sst s6  }
0xf: {  	[smem:$0x3FA6] =	sst s7  }
0x10: {  	[smem:$0x3FA7] =	sst s8  }
0x11: {  	[smem:$0x3FA8] =	sst s9;
	s0 =	simm.s32 @!p0 $0x0  }
0x12: {  	s1 =	sld [smem:$0x3F8E];
	s0 =	simm.s32 @p0 $0x1  }
0x13: {  	[smem:$0x3FA9] =	sst s0;
	s0 =	simm.s32 @!p1 $0x0  }
0x14: {  	s2 =	sld [smem:$0x3F8D];
	s0 =	simm.s32 @p1 $0x1  }
0x15: {  	[smem:$0x3FAA] =	sst s0;
	s0 =	simm.s32 @!p2 $0x0  }
0x16: {  	s3 =	sld [smem:$0x3FDB];
	s0 =	simm.s32 @p2 $0x1  }
0x17: {  	s4 =	simm.s32 $0x1BF5;
	[smem:$0x3FAC] =	sst s0  }
0x18: {  	s0 =	sld [smem:$0x3F8F];
	_ =	swait.ge [sflag:s4], $0x0  }
0x19: {  	s7 =	sld [smem:$0x3F90]  }
0x1a: {  	s8 =	sadd.s32 $0xFFFFE003, lr  }
0x1b: {  	s9 =	sadd.s32 $0xFFFFFEF7, lr;
	s5 =	simm.s32 $0xFFFFFFFF;
	p2 =	slt.u32 s8, $0xFFFFF086  }
0x1c: {  	p1 =	slt.u32 s9, $0xF7A;
	s5 =	simm.s32 @!p2 $0x0  }
0x1d: {  	s5 =	simm.s32 @p1 $0x1;
	p0 =	seq.s32 s7, s2  }
0x1e: {  	s7 =	smul.u32 @!p0 $0xF7A, s2;
	p2 =	seq.s32 @!p0 s5, $0x0  }
0x1f: {  	s9 =	smul.u32 $0xF7A, s1;
	s8 =	simm.s32 @!p0 $0x1BF5;
	p2 =	por !p2, p0  }
0x20: {  	[sflag:s8] =	ssyncset.s32 @!p0 $0xFFFFF086;
	s6 =	sadd.s32 @!p0 s3, s7;
	s7 =	simm.s32 @!p0 $0x108  }
0x21: {  	s3 =	sadd.s32 s3, s9;
	s6 =	sadd.s32 @!p0 $0x88, s6;
	s7 =	simm.s32 @p2 $0x1082  }
0x22: {  	[simem:s7], [sflag:s8] =	dma.local @!p0 [hbm:s6], $0xF7A  }
0x23: {  	s9 =	sor.u32 $0xD0000000, s2;
	s6 =	simm.s32 $0x108;
	_ =	swait.ge @!p0 [sflag:s8], $0x0  }
0x24: {  	s3 =	sadd.s32 $0x88, s3;
	s6 =	simm.s32 @!p1 $0x1082;
	[sflag:s4] =	ssyncset.s32 $0xFFFFF086  }
0x25: {  	[simem:s6], [sflag:s4] =	dma.local [hbm:s3], $0xF7A  }
0x26: {  	[smem:$0x3F90] =	sst s1;
	(tag) =	ssettag s2;
	_ =	strace s9  }
0x27: {  	s1 =	sld [smem:$0x3FA0]  }
0x28: {  	s2 =	sld [smem:$0x3FA1]  }
0x29: {  	s4 =	sld [smem:$0x3FA3]  }
0x2a: {  	p0 =	seq.s32 s5, $0x0;
	s5 =	sld [smem:$0x3FA4]  }
0x2b: {  	s6 =	sld [smem:$0x3FA5]  }
0x2c: {  	s7 =	sld [smem:$0x3FA6]  }
0x2d: {  	s3 =	simm.s32 $0x108;
	s8 =	sld [smem:$0x3FA7]  }
0x2e: {  	s3 =	simm.s32 @!p0 $0x1082;
	s9 =	sld [smem:$0x3FA8]  }
0x2f: {  	lr =	sadd.s32 s0, s3;
	s0 =	sld [smem:$0x3F9F]  }
0x30: {  	s3 =	sld [smem:$0x3FA2]  }
0x31: {  	[smem:$0x3FAB] =	sst s10  }
0x32: {  	s10 =	sld [smem:$0x3FA9];
	_ =	sdelay $0x3  }
0x33: {  	p0 =	seq.s32 s10, $0x1;
	s10 =	sld [smem:$0x3FAB];
	_ =	sdelay $0x3  }
0x34: {  	[smem:$0x3FAB] =	sst s10  }
0x35: {  	s10 =	sld [smem:$0x3FAA];
	_ =	sdelay $0x3  }
0x36: {  	p1 =	seq.s32 s10, $0x1;
	s10 =	sld [smem:$0x3FAB];
	_ =	sdelay $0x3  }
0x37: {  	[smem:$0x3FAB] =	sst s10  }
0x38: {  	s10 =	sld [smem:$0x3FAC]  }
0x39: {  	_ = 	snop;
	(pc) =	sbr.ind lr, $3  }
0x3a: {  	_ = 	snop  }
0x3b: {  	_ = 	snop  }
0x3c: {  	p2 =	seq.s32 s10, $0x1;
	s10 =	sld [smem:$0x3FAB]  }
0x3d: {  	_ =	shalt  }
0x3e: {  	_ =	shalt  }
0x3f: {  	_ =	shalt  }
0x40: {  	_ =	shalt  }
0x41: {  	_ =	shalt  }
0x42: {  	_ =	shalt  }
0x43: {  	_ =	shalt  }
0x44: {  	_ =	shalt  }
0x45: {  	_ =	shalt  }
0x46: {  	_ =	shalt  }
0x47: {  	_ =	shalt  }
0x48: {  	_ =	shalt  }
0x49: {  	_ =	shalt  }
0x4a: {  	_ =	shalt  }
0x4b: {  	_ =	shalt  }
0x4c: {  	_ =	shalt  }
0x4d: {  	_ =	shalt  }
0x4e: {  	_ =	shalt  }
0x4f: {  	_ =	shalt  }
0x50: {  	_ =	shalt  }
0x51: {  	_ =	shalt  }
0x52: {  	_ =	shalt  }
0x53: {  	_ =	shalt  }
0x54: {  	_ =	shalt  }
0x55: {  	_ =	shalt  }
0x56: {  	_ =	shalt  }
0x57: {  	_ =	shalt  }
0x58: {  	_ =	shalt  }
0x59: {  	_ =	shalt  }
0x5a: {  	_ =	shalt  }
0x5b: {  	_ =	shalt  }
0x5c: {  	_ =	shalt  }
0x5d: {  	_ =	shalt  }
0x5e: {  	_ =	shalt  }
0x5f: {  	_ =	shalt  }
0x60: {  	_ =	shalt  }
0x61: {  	_ =	shalt  }
0x62: {  	_ =	shalt  }
0x63: {  	_ =	shalt  }
0x64: {  	_ =	shalt  }
0x65: {  	_ =	shalt  }
0x66: {  	_ =	shalt  }
0x67: {  	_ =	shalt  }
0x68: {  	_ =	shalt  }
0x69: {  	_ =	shalt  }
0x6a: {  	_ =	shalt  }
0x6b: {  	_ =	shalt  }
0x6c: {  	_ =	shalt  }
0x6d: {  	_ =	shalt  }
0x6e: {  	_ =	shalt  }
0x6f: {  	_ =	shalt  }
0x70: {  	_ =	shalt  }
0x71: {  	_ =	shalt  }
0x72: {  	_ =	shalt  }
0x73: {  	_ =	shalt  }
0x74: {  	_ =	shalt  }
0x75: {  	_ =	shalt  }
0x76: {  	_ =	shalt  }
0x77: {  	_ =	shalt  }
0x78: {  	_ =	shalt  }
0x79: {  	_ =	shalt  }
0x7a: {  	_ =	shalt  }
0x7b: {  	_ =	shalt  }
0x7c: {  	_ =	shalt  }
0x7d: {  	_ =	shalt  }
0x7e: {  	_ =	shalt  }
0x7f: {  	_ =	shalt  }
0x80: {  	_ =	shalt  }
0x81: {  	_ =	shalt  }
0x82: {  	_ =	shalt  }
0x83: {  	_ =	shalt  }
0x84: {  	_ =	shalt  }
0x85: {  	_ =	shalt  }
0x86: {  	_ =	shalt  }
0x87: {  	_ =	shalt  }
.Lfunc_end0:
.L_simem_size_0:
called_computation_lowered:
.L_overlay_start_0:
0x88: {  	s2 =	sld [smem:$0x3FD9]  }
0x89: {  	s3 =	sld [smem:$0x3FFE];
	_ =	sdelay $0x1  }
0x8a: {  	s1 =	srdreg.scid  }
0x8b: {  	s0 =	sand.u32 $0x1, s1  }
0x8c: {  	s14 =	sshll.u32 s0, $0xA;
	s2 =	sadd.s32 s3, s2  }
0x8d: {  	s2 =	sadd.s32 s2, s14  }
0x8e: {  	[smem:$0x3FB7] =	sst s2  }
0x8f: {  	_ = 	snop  }
0x90: {  	s2 =	sld [smem:$0x3FD0];
	_ =	sdelay $0x2  }
0x91: {  	s15 =	simm.s32 $0xA;
	s4 =	simm.s32 $0x10  }
0x92: {  	[smem:s4], [sflag:s15] =	dma.local [hbm:s2], $0x1  }
0x93: {  	_ =	swait.eq [sflag:s15], $0x1  }
0x94: {  	[sflag:s15] =	ssyncset.done $0x0  }
0x95: {  	[sflag:s15] =	ssyncadd.s32 $0xFFFFFFFF  }
0x96: {  	s16 =	sld [smem:$0x11];
	(tm) =	ssettm $0x1  }
0x97: {  	s17 =	sld [smem:$0x3FFB];
	_ =	sdelay $0x3  }
0x98: {  	_ =	strace s17  }
0x99: {  	s3 =	sld [smem:$0x3FFC];
	_ =	sdelay $0x3  }
0x9a: {  	_ =	strace s3  }
0x9b: {  	s3 =	sld [smem:$0x3FFD];
	_ =	sdelay $0x3  }
0x9c: {  	_ =	strace s3  }
0x9d: {  	_ =	strace $0x8FFFFFFF  }
0x9e: {  	s18 =	sld [smem:$0x3FDB];
	_ =	sdelay $0x1  }
0x9f: {  	s19 =	simm.s32 $_scs_section_size  }
0xa0: {  	s5 =	simm.s32 $_size__tile_overlayer_lowered;
	s6 =	simm.s32 $_tile_overlayer_lowered  }
0xa1: {  	s22 =	simm.s32 $0x1BFF;
	s21 =	sshll.u32 s6, $0x1;
	s3 =	sadd.s32 s19, s18  }
0xa2: {  	s7 =	simm.s32 $0x0;
	s20 =	sshll.u32 s5, $0x1;
	s5 =	sadd.s32 s21, s3  }
0xa3: {  	[timem:s7], [sflag:s22] =	dma.local [hbm:s5], s20  }
0xa4: {  	_ =	swait.ge [sflag:s22], s20  }
0xa5: {  	s4 =	ssub.s32 $0x0, s20;
	[sflag:s22] =	ssyncset.done $0x0  }
0xa6: {  	[sflag:s22] =	ssyncadd.s32 s4;
	_ =	sdelay $0x1  }
0xa7: {  	s23 =	simm.s32 $0x1B8B  }
0xa8: {  	_ =	swait.ge [sflag:s23], $0x1  }
0xa9: {  	[sflag:s23] =	ssyncset.done $0x0  }
0xaa: {  	s25 =	simm.s32 $0x1B8E;
	s24 =	sld [smem:$0x3FFE];
	[sflag:s23] =	ssyncadd.s32 $0xFFFFFFFF  }
0xab: {  	s26 =	simm.s32 $execute0_lowered;
	[smem:$0x3FD2] =	sst s25  }
0xac: {  	s5 =	sshll.u32 s26, $0x1;
	_ =	strace $0x80000046;
	[dreg:$0x1] =	wrdreg $0xFFFFFFFF  }
0xad: {  	s28 =	simm.s32 $_size_execute0_lowered;
	s3 =	sadd.s32 s3, s5;
	[dreg:$0x0] =	wrdreg $0x0  }
0xae: {  	s5 =	sshll.u32 s28, $0x1;
	[dreg:$0x2] =	wrdreg s3  }
0xaf: {  	[dreg:$0x3] =	wrdreg s5  }
0xb0: {  	[dreg:$0x4] =	wrdreg $0xC0  }
0xb1: {  	_ =	task [dreg:s7], $0x5FFFF  }
0xb2: {  	[dreg:$0x1] =	wrdreg $0xFFFFFFFF  }
0xb3: {  	[dreg:$0x0] =	wrdreg $0x60  }
0xb4: {  	[dreg:$0x2] =	wrdreg s24  }
0xb5: {  	[dreg:$0x3] =	wrdreg s16  }
0xb6: {  	[dreg:$0x4] =	wrdreg $0x9  }
0xb7: {  	_ =	task.clear_ibuf [dreg:s7], $0x5FFFF;
	_ =	strace $0x90000046  }
0xb8: {  	s29 =	simm.s32 $0x9;
	_ =	strace $0x80000048  }
0xb9: {  	_ =	swait.ge [sflag:s29], $0x1  }
0xba: {  	[sflag:s29] =	ssyncadd.s32 $0xFFFFFFFF  }
0xbb: {  	_ =	strace $0x90000048  }
0xbc: {  	_ =	sfence  }
0xbd: {  	s30 =	sld [smem:$0x0];
	_ =	sdelay $0x2  }
0xbe: {  	s31 =	sshll.u32 s1, $0xD;
	s1 =	sshrl.u32 s1, $0x2  }
0xbf: {  	s3 =	sand.u32 $0x4000, s31;
	s1 =	sadd.s32 s1, s30  }
0xc0: {  	s0 =	sor.u32 s3, s0;
	s1 =	sshll.u32 s1, $0x11  }
0xc1: {  	s0 =	sor.u32 s1, s0  }
0xc2: {  	s0 =	sadd.s32 $0x8F2B, s0  }
0xc3: {  	[sflag:s0] =	ssyncadd.remote.s32 $0x1  }
0xc4: {  	_ =	sfence.sel $0xFFFF  }
0xc5: {  	[dreg:$0x0] =	wrdreg $0xFFFFFFFF;
	(pc) =	sbr.abs _section_cstart, $3  }
0xc6: {  	[dreg:$0x1] =	wrdreg $0xFFFFFFFF  }
0xc7: {  	_ =	task.clear_ibuf [dreg:s7], $0x2FFFF;
	_ =	strace $0x9FFFFFFF  }
0xc8: {  	(tm) =	ssettm $0x7FFFFFFF  }
0xc9: {  	_ =	shalt  }
tec
execute0_lowered:
.L_overlay_start_1:
0x0: {  	(tag) =	ssettag $0x1  }
0x1: {  	s0 =	rddreg [dreg:$0x0]  }
0x2: {  	s1 =	srdreg.scid;
	s11 =	stileid.u32  }
0x3: {  	s5 =	rddreg [dreg:$0x1];
	s2 =	simm.s32 $0x0;
	s16 =	simm.s32 $0x5  }
0x4: {  	s17 =	simm.s32 $0x50;
	s18 =	simm.s32 $0x2780;
	s19 =	simm.s32 $0x4F80  }
0x5: {  	s28 =	simm.s32 $0xEF80;
	s30 =	simm.s32 $0x11780;
	s12 =	simm.s32 $0x3C0  }
0x6: {  	s20 =	simm.s32 $0x410;
	s13 =	simm.s32 $0x460;
	s1 =	sand.u32 $0x1, s1  }
0x7: {  	s3 =	sshll.u32 s11, $0x1;
	[smem:$0x7FF] =	sst s2;
	s25 =	smul.u32 $0x4E200, s11  }
0x8: {  	s6 =	sor.u32 s1, s3;
	s9 =	ssub.s32 $0x2, s1;
	s1 =	smul.u32 $0x27100, s1  }
0x9: {  	s11 =	simm.s32 $0x370;
	_ =	strace $0x80000047;
	s4 =	smul.u32 $0x2710, s6  }
0xa: {  	s3 =	sadd.s32 $0x17800, s0;
	s8 =	smul.u32 $0x138800, s6;
	s10 =	sshrl.u32 s9, $0x1  }
0xb: {  	s6 =	smul.u32 $0x27100, s6;
	s9 =	ssub.s32 s9, s10;
	s10 =	simm.s32 $0x320  }
0xc: {  	s7 =	sshrl.u32 s4, $0x3;
	s4 =	sadd.s32 $0x3EA00, s0;
	s8 =	sshrl.u32 s8, $0x3  }
0xd: {  	s24 =	smax.u32 s9, $0x1;
	s26 =	sadd.s32 s5, s6;
	s29 =	sadd.s32 $0x1900, s6  }
0xe: {  	s9 =	simm.s32 $0x3;
	s7 =	sadd.s32 s7, s0;
	[dreg:$0x7] =	wrdreg s24  }
0xf: {  	s0 =	sadd.s32 $0x65C00, s0;
	[dreg:$0x8] =	wrdreg s26;
	s31 =	sadd.s32 s5, s29  }
0x10: {  	s8 =	sadd.s32 $0x25800, s8;
	s21 =	sadd.s32 $0x3C00, s7;
	[dreg:$0x9] =	wrdreg s31  }
0x11: {  	s24 =	simm.s32 $0x4;
	s22 =	sadd.s32 s5, s8;
	[dreg:$0x3] =	wrdreg s21  }
0x12: {  	s26 =	simm.s32 $0x0;
	s7 =	sadd.s32 $0xDA00, s7;
	[dreg:$0x4] =	wrdreg s22  }
0x13: {  	s23 =	sadd.s32 s0, s8;
	s5 =	sadd.s32 s25, s5;
	[dreg:$0x5] =	wrdreg s7  }
0x14: {  	s6 =	sadd.s32 s0, s6;
	s8 =	simm.s32 $0x1;
	[dreg:$0x6] =	wrdreg s23  }
0x15: {  	s7 =	sadd.s32 s25, s0;
	[dreg:$0xa] =	wrdreg s6;
	s5 =	sadd.s32 s1, s5  }
0x16: {  	s0 =	sadd.s32 s0, s29;
	s21 =	simm.s32 $0x7780;
	s23 =	simm.s32 $0x9F80  }
0x17: {  	s25 =	simm.s32 $0xC780;
	s22 =	simm.s32 $0x2;
	s1 =	sadd.s32 s1, s7  }
0x18: {  	[dreg:$0xb] =	wrdreg s0;
	s14 =	sadd.s32 $0x3200, s5;
	s5 =	simm.s32 $0x16780  }
0x19: {  	s7 =	simm.s32 $0x18F80;
	s15 =	sadd.s32 $0x3200, s1;
	s1 =	simm.s32 $0x13F80  }
.LBB2_1:
0x1a: {  	s0 =	rddreg [dreg:$0x3]  }
0x1b: {  	[tilespmem:s2], [sflag:$0x5] =	stream.linear.gather [hbm4b:s0+s2], $0x2710, $0x38;
	[tilespmem:$0x1B780] =	vst v63  }
0x1c: {  	_ =	swait.ge [sflag:s16], $0x2710  }
0x1d: {  	[sflag:s16] =	ssyncset.done $0x0  }
0x1e: {  	[sflag:s16] =	ssyncadd.s32 $0xFFFFD8F0  }
0x1f: {  	[tilespmem:s18], [sflag:$0x1] =	stream.indirect.gather [hbm4b:s3+s17], $0x80, s2, s17, $0xb8;
	[tilespmem:$0x1B780] =	vst v63  }
0x20: {  	_ = 	snop  }
0x21: {  	[tilespmem:s19], [sflag:$0x1] =	stream.indirect.gather [hbm4b:s3+s17], $0x80, s17, s17, $0xb8;
	[tilespmem:$0x1B780] =	vst v63  }
0x22: {  	s6 =	simm.s32 $0xA0  }
0x23: {  	[tilespmem:s21], [sflag:$0x1] =	stream.indirect.gather [hbm4b:s3+s17], $0x80, s6, s17, $0xb8;
	[tilespmem:$0x1B780] =	vst v63  }
0x24: {  	s6 =	simm.s32 $0xF0  }
0x25: {  	[tilespmem:s23], [sflag:$0x1] =	stream.indirect.gather [hbm4b:s3+s17], $0x80, s6, s17, $0xb8;
	[tilespmem:$0x1B780] =	vst v63  }
0x26: {  	s6 =	simm.s32 $0x140  }
0x27: {  	[tilespmem:s25], [sflag:$0x1] =	stream.indirect.gather [hbm4b:s3+s17], $0x80, s6, s17, $0xb8;
	[tilespmem:$0x1B780] =	vst v63  }
0x28: {  	s6 =	simm.s32 $0x190  }
0x29: {  	[tilespmem:s28], [sflag:$0x2] =	stream.indirect.gather [hbm4b:s3+s17], $0x80, s6, s17, $0xb8;
	[tilespmem:$0x1B780] =	vst v63  }
0x2a: {  	s6 =	simm.s32 $0x1E0  }
0x2b: {  	[tilespmem:s30], [sflag:$0x2] =	stream.indirect.gather [hbm4b:s3+s17], $0x80, s6, s17, $0xb8;
	[tilespmem:$0x1B780] =	vst v63  }
0x2c: {  	s6 =	simm.s32 $0x230  }
0x2d: {  	[tilespmem:s1], [sflag:$0x2] =	stream.indirect.gather [hbm4b:s3+s17], $0x80, s6, s17, $0xb8;
	[tilespmem:$0x1B780] =	vst v63  }
0x2e: {  	s6 =	simm.s32 $0x280  }
0x2f: {  	[tilespmem:s5], [sflag:$0x2] =	stream.indirect.gather [hbm4b:s3+s17], $0x80, s6, s17, $0xb8;
	[tilespmem:$0x1B780] =	vst v63  }
0x30: {  	s6 =	simm.s32 $0x2D0  }
0x31: {  	[tilespmem:s7], [sflag:$0x2] =	stream.indirect.gather [hbm4b:s3+s17], $0x80, s6, s17, $0xb8;
	[tilespmem:$0x1B780] =	vst v63  }
0x32: {  	_ =	swait.ge [sflag:s8], $0x2800  }
0x33: {  	[sflag:s8] =	ssyncset.done $0x0  }
0x34: {  	[sflag:s8] =	ssyncadd.s32 $0xFFFFD800  }
0x35: {  	_ =	swait.ge [sflag:s8], $0x2800  }
0x36: {  	[sflag:s8] =	ssyncset.done $0x0  }
0x37: {  	[sflag:s8] =	ssyncadd.s32 $0xFFFFD800  }
0x38: {  	_ =	swait.ge [sflag:s8], $0x2800  }
0x39: {  	[sflag:s8] =	ssyncset.done $0x0  }
0x3a: {  	[sflag:s8] =	ssyncadd.s32 $0xFFFFD800  }
0x3b: {  	_ =	swait.ge [sflag:s8], $0x2800  }
0x3c: {  	[sflag:s8] =	ssyncset.done $0x0  }
0x3d: {  	[sflag:s8] =	ssyncadd.s32 $0xFFFFD800  }
0x3e: {  	_ =	swait.ge [sflag:s8], $0x2800  }
0x3f: {  	[sflag:s8] =	ssyncset.done $0x0  }
0x40: {  	s6 =	rddreg [dreg:$0x8];
	[sflag:s8] =	ssyncadd.s32 $0xFFFFD800  }
0x41: {  	[hbm4b:s6+s2] =	stream.linear.scatter [tilespmem:s18], [sflag:$0x3], $0xC800, $0x38;
	[tilespmem:$0x1B780] =	vst v63  }
0x42: {  	_ =	swait.ge [sflag:s9], $0xC800  }
0x43: {  	[sflag:s9] =	ssyncset.done $0x0  }
0x44: {  	[sflag:s9] =	ssyncadd.s32 $0xFFFF3800  }
0x45: {  	[tilespmem:s18], [sflag:$0x1] =	stream.indirect.gather [hbm4b:s3+s17], $0x80, s10, s17, $0xb8;
	[tilespmem:$0x1B780] =	vst v63  }
0x46: {  	_ = 	snop  }
0x47: {  	[tilespmem:s19], [sflag:$0x1] =	stream.indirect.gather [hbm4b:s3+s17], $0x80, s11, s17, $0xb8;
	[tilespmem:$0x1B780] =	vst v63  }
0x48: {  	_ = 	snop  }
0x49: {  	[tilespmem:s21], [sflag:$0x1] =	stream.indirect.gather [hbm4b:s3+s17], $0x80, s12, s17, $0xb8;
	[tilespmem:$0x1B780] =	vst v63  }
0x4a: {  	_ = 	snop  }
0x4b: {  	[tilespmem:s23], [sflag:$0x1] =	stream.indirect.gather [hbm4b:s3+s17], $0x80, s20, s17, $0xb8;
	[tilespmem:$0x1B780] =	vst v63  }
0x4c: {  	_ = 	snop  }
0x4d: {  	[tilespmem:s25], [sflag:$0x1] =	stream.indirect.gather [hbm4b:s3+s17], $0x80, s13, s17, $0xb8;
	[tilespmem:$0x1B780] =	vst v63  }
0x4e: {  	_ =	swait.ge [sflag:s22], $0x2800  }
0x4f: {  	[sflag:s22] =	ssyncset.done $0x0  }
0x50: {  	[sflag:s22] =	ssyncadd.s32 $0xFFFFD800  }
0x51: {  	_ =	swait.ge [sflag:s22], $0x2800  }
0x52: {  	[sflag:s22] =	ssyncset.done $0x0  }
0x53: {  	[sflag:s22] =	ssyncadd.s32 $0xFFFFD800  }
0x54: {  	_ =	swait.ge [sflag:s22], $0x2800  }
0x55: {  	[sflag:s22] =	ssyncset.done $0x0  }
0x56: {  	[sflag:s22] =	ssyncadd.s32 $0xFFFFD800  }
0x57: {  	_ =	swait.ge [sflag:s22], $0x2800  }
0x58: {  	[sflag:s22] =	ssyncset.done $0x0  }
0x59: {  	[sflag:s22] =	ssyncadd.s32 $0xFFFFD800  }
0x5a: {  	_ =	swait.ge [sflag:s22], $0x2800  }
0x5b: {  	[sflag:s22] =	ssyncset.done $0x0  }
0x5c: {  	s6 =	rddreg [dreg:$0x9];
	[sflag:s22] =	ssyncadd.s32 $0xFFFFD800  }
0x5d: {  	[hbm4b:s6+s2] =	stream.linear.scatter [tilespmem:s28], [sflag:$0x4], $0xC800, $0x38;
	[tilespmem:$0x1B780] =	vst v63  }
0x5e: {  	_ =	swait.ge [sflag:s24], $0xC800  }
0x5f: {  	[sflag:s24] =	ssyncset.done $0x0  }
0x60: {  	s6 =	simm.s32 $0x4B0;
	[sflag:s24] =	ssyncadd.s32 $0xFFFF3800  }
0x61: {  	[tilespmem:s28], [sflag:$0x2] =	stream.indirect.gather [hbm4b:s3+s17], $0x80, s6, s17, $0xb8;
	[tilespmem:$0x1B780] =	vst v63  }
0x62: {  	s6 =	simm.s32 $0x500  }
0x63: {  	[tilespmem:s30], [sflag:$0x2] =	stream.indirect.gather [hbm4b:s3+s17], $0x80, s6, s17, $0xb8;
	[tilespmem:$0x1B780] =	vst v63  }
0x64: {  	s6 =	simm.s32 $0x550  }
0x65: {  	[tilespmem:s1], [sflag:$0x2] =	stream.indirect.gather [hbm4b:s3+s17], $0x80, s6, s17, $0xb8;
	[tilespmem:$0x1B780] =	vst v63  }
0x66: {  	s6 =	simm.s32 $0x5A0  }
0x67: {  	[tilespmem:s5], [sflag:$0x2] =	stream.indirect.gather [hbm4b:s3+s17], $0x80, s6, s17, $0xb8;
	[tilespmem:$0x1B780] =	vst v63  }
0x68: {  	s6 =	simm.s32 $0x5F0  }
0x69: {  	[tilespmem:s7], [sflag:$0x2] =	stream.indirect.gather [hbm4b:s3+s17], $0x80, s6, s17, $0xb8;
	[tilespmem:$0x1B780] =	vst v63  }
0x6a: {  	_ =	swait.ge [sflag:s8], $0x2800  }
0x6b: {  	[sflag:s8] =	ssyncset.done $0x0  }
0x6c: {  	[sflag:s8] =	ssyncadd.s32 $0xFFFFD800  }
0x6d: {  	_ =	swait.ge [sflag:s8], $0x2800  }
0x6e: {  	[sflag:s8] =	ssyncset.done $0x0  }
0x6f: {  	[sflag:s8] =	ssyncadd.s32 $0xFFFFD800  }
0x70: {  	_ =	swait.ge [sflag:s8], $0x2800  }
0x71: {  	[sflag:s8] =	ssyncset.done $0x0  }
0x72: {  	[sflag:s8] =	ssyncadd.s32 $0xFFFFD800  }
0x73: {  	_ =	swait.ge [sflag:s8], $0x2800  }
0x74: {  	[sflag:s8] =	ssyncset.done $0x0  }
0x75: {  	[sflag:s8] =	ssyncadd.s32 $0xFFFFD800  }
0x76: {  	_ =	swait.ge [sflag:s8], $0x2800  }
0x77: {  	[sflag:s8] =	ssyncset.done $0x0  }
0x78: {  	[sflag:s8] =	ssyncadd.s32 $0xFFFFD800  }
0x79: {  	[hbm4b:s14+s2] =	stream.linear.scatter [tilespmem:s18], [sflag:$0x3], $0xC800, $0x38;
	[tilespmem:$0x1B780] =	vst v63  }
0x7a: {  	_ =	swait.ge [sflag:s9], $0xC800  }
0x7b: {  	[sflag:s9] =	ssyncset.done $0x0  }
0x7c: {  	s6 =	simm.s32 $0x640;
	[sflag:s9] =	ssyncadd.s32 $0xFFFF3800  }
0x7d: {  	[tilespmem:s18], [sflag:$0x1] =	stream.indirect.gather [hbm4b:s3+s17], $0x80, s6, s17, $0xb8;
	[tilespmem:$0x1B780] =	vst v63  }
0x7e: {  	s6 =	simm.s32 $0x690  }
0x7f: {  	[tilespmem:s19], [sflag:$0x1] =	stream.indirect.gather [hbm4b:s3+s17], $0x80, s6, s17, $0xb8;
	[tilespmem:$0x1B780] =	vst v63  }
0x80: {  	s6 =	simm.s32 $0x6E0  }
0x81: {  	[tilespmem:s21], [sflag:$0x1] =	stream.indirect.gather [hbm4b:s3+s17], $0x80, s6, s17, $0xb8;
	[tilespmem:$0x1B780] =	vst v63  }
0x82: {  	s6 =	simm.s32 $0x730  }
0x83: {  	[tilespmem:s23], [sflag:$0x1] =	stream.indirect.gather [hbm4b:s3+s17], $0x80, s6, s17, $0xb8;
	[tilespmem:$0x1B780] =	vst v63  }
0x84: {  	s6 =	simm.s32 $0x780  }
0x85: {  	[tilespmem:s25], [sflag:$0x1] =	stream.indirect.gather [hbm4b:s3+s17], $0x80, s6, s17, $0xb8;
	[tilespmem:$0x1B780] =	vst v63  }
0x86: {  	_ =	swait.ge [sflag:s22], $0x2800  }
0x87: {  	[sflag:s22] =	ssyncset.done $0x0  }
0x88: {  	[sflag:s22] =	ssyncadd.s32 $0xFFFFD800  }
0x89: {  	_ =	swait.ge [sflag:s22], $0x2800  }
0x8a: {  	[sflag:s22] =	ssyncset.done $0x0  }
0x8b: {  	[sflag:s22] =	ssyncadd.s32 $0xFFFFD800  }
0x8c: {  	_ =	swait.ge [sflag:s22], $0x2800  }
0x8d: {  	[sflag:s22] =	ssyncset.done $0x0  }
0x8e: {  	[sflag:s22] =	ssyncadd.s32 $0xFFFFD800  }
0x8f: {  	_ =	swait.ge [sflag:s22], $0x2800  }
0x90: {  	[sflag:s22] =	ssyncset.done $0x0  }
0x91: {  	[sflag:s22] =	ssyncadd.s32 $0xFFFFD800  }
0x92: {  	_ =	swait.ge [sflag:s22], $0x2800  }
0x93: {  	s29 =	simm.s32 $0xC80;
	[sflag:s22] =	ssyncset.done $0x0  }
0x94: {  	s31 =	sadd.s32 $0x3200, s14;
	s0 =	sadd.s32 $0x1900, s14;
	[sflag:s22] =	ssyncadd.s32 $0xFFFFD800  }
.LBB2_2:
0x95: {  	[hbm4b:s0+s2] =	stream.linear.scatter [tilespmem:s28], [sflag:$0x4], $0xC800, $0x38;
	[tilespmem:$0x1B780] =	vst v63  }
0x96: {  	s0 =	smov.u32 s29  }
0x97: {  	p0 =	sne.s32 s29, $0x7D00;
	s29 =	sadd.s32 $0xC80, s29;
	_ =	swait.ge [sflag:s24], $0xC800  }
0x98: {  	s0 =	sshra.s32 s0, $0x2;
	[sflag:s24] =	ssyncset.done $0x0  }
0x99: {  	s6 =	sadd.s32 $0x4B0, s0;
	[sflag:s24] =	ssyncadd.s32 $0xFFFF3800  }
0x9a: {  	[tilespmem:s28], [sflag:$0x2] =	stream.indirect.gather [hbm4b:s3+s17], $0x80, s6, s17, $0xb8;
	[tilespmem:$0x1B780] =	vst v63  }
0x9b: {  	s6 =	sadd.s32 $0x500, s0  }
0x9c: {  	[tilespmem:s30], [sflag:$0x2] =	stream.indirect.gather [hbm4b:s3+s17], $0x80, s6, s17, $0xb8;
	[tilespmem:$0x1B780] =	vst v63  }
0x9d: {  	s6 =	sadd.s32 $0x550, s0  }
0x9e: {  	[tilespmem:s1], [sflag:$0x2] =	stream.indirect.gather [hbm4b:s3+s17], $0x80, s6, s17, $0xb8;
	[tilespmem:$0x1B780] =	vst v63  }
0x9f: {  	s6 =	sadd.s32 $0x5A0, s0  }
0xa0: {  	[tilespmem:s5], [sflag:$0x2] =	stream.indirect.gather [hbm4b:s3+s17], $0x80, s6, s17, $0xb8;
	[tilespmem:$0x1B780] =	vst v63  }
0xa1: {  	s6 =	sadd.s32 $0x5F0, s0  }
0xa2: {  	[tilespmem:s7], [sflag:$0x2] =	stream.indirect.gather [hbm4b:s3+s17], $0x80, s6, s17, $0xb8;
	[tilespmem:$0x1B780] =	vst v63  }
0xa3: {  	_ =	swait.ge [sflag:s8], $0x2800  }
0xa4: {  	[sflag:s8] =	ssyncset.done $0x0  }
0xa5: {  	[sflag:s8] =	ssyncadd.s32 $0xFFFFD800  }
0xa6: {  	_ =	swait.ge [sflag:s8], $0x2800  }
0xa7: {  	[sflag:s8] =	ssyncset.done $0x0  }
0xa8: {  	[sflag:s8] =	ssyncadd.s32 $0xFFFFD800  }
0xa9: {  	_ =	swait.ge [sflag:s8], $0x2800  }
0xaa: {  	[sflag:s8] =	ssyncset.done $0x0  }
0xab: {  	[sflag:s8] =	ssyncadd.s32 $0xFFFFD800  }
0xac: {  	_ =	swait.ge [sflag:s8], $0x2800  }
0xad: {  	[sflag:s8] =	ssyncset.done $0x0  }
0xae: {  	[sflag:s8] =	ssyncadd.s32 $0xFFFFD800  }
0xaf: {  	_ =	swait.ge [sflag:s8], $0x2800  }
0xb0: {  	[sflag:s8] =	ssyncset.done $0x0  }
0xb1: {  	[sflag:s8] =	ssyncadd.s32 $0xFFFFD800  }
0xb2: {  	[hbm4b:s31+s2] =	stream.linear.scatter [tilespmem:s18], [sflag:$0x3], $0xC800, $0x38;
	[tilespmem:$0x1B780] =	vst v63  }
0xb3: {  	_ =	swait.ge [sflag:s9], $0xC800  }
0xb4: {  	[sflag:s9] =	ssyncset.done $0x0  }
0xb5: {  	s6 =	sadd.s32 $0x640, s0;
	[sflag:s9] =	ssyncadd.s32 $0xFFFF3800  }
0xb6: {  	[tilespmem:s18], [sflag:$0x1] =	stream.indirect.gather [hbm4b:s3+s17], $0x80, s6, s17, $0xb8;
	[tilespmem:$0x1B780] =	vst v63  }
0xb7: {  	s6 =	sadd.s32 $0x690, s0  }
0xb8: {  	[tilespmem:s19], [sflag:$0x1] =	stream.indirect.gather [hbm4b:s3+s17], $0x80, s6, s17, $0xb8;
	[tilespmem:$0x1B780] =	vst v63  }
0xb9: {  	s6 =	sadd.s32 $0x6E0, s0  }
0xba: {  	[tilespmem:s21], [sflag:$0x1] =	stream.indirect.gather [hbm4b:s3+s17], $0x80, s6, s17, $0xb8;
	[tilespmem:$0x1B780] =	vst v63  }
0xbb: {  	s6 =	sadd.s32 $0x730, s0  }
0xbc: {  	[tilespmem:s23], [sflag:$0x1] =	stream.indirect.gather [hbm4b:s3+s17], $0x80, s6, s17, $0xb8;
	[tilespmem:$0x1B780] =	vst v63  }
0xbd: {  	s0 =	sadd.s32 $0x780, s0  }
0xbe: {  	[tilespmem:s25], [sflag:$0x1] =	stream.indirect.gather [hbm4b:s3+s17], $0x80, s0, s17, $0xb8;
	[tilespmem:$0x1B780] =	vst v63  }
0xbf: {  	_ =	swait.ge [sflag:s22], $0x2800  }
0xc0: {  	[sflag:s22] =	ssyncset.done $0x0  }
0xc1: {  	[sflag:s22] =	ssyncadd.s32 $0xFFFFD800  }
0xc2: {  	_ =	swait.ge [sflag:s22], $0x2800  }
0xc3: {  	[sflag:s22] =	ssyncset.done $0x0  }
0xc4: {  	[sflag:s22] =	ssyncadd.s32 $0xFFFFD800  }
0xc5: {  	_ =	swait.ge [sflag:s22], $0x2800  }
0xc6: {  	[sflag:s22] =	ssyncset.done $0x0  }
0xc7: {  	[sflag:s22] =	ssyncadd.s32 $0xFFFFD800  }
0xc8: {  	_ =	swait.ge [sflag:s22], $0x2800  }
.Ltmp0:
0xc9: {  	[sflag:s22] =	ssyncset.done $0x0;
	(pc) =	sbr.rel @p0 .LBB2_2-.Ltmp0, $4  }
0xca: {  	[sflag:s22] =	ssyncadd.s32 $0xFFFFD800  }
0xcb: {  	_ =	swait.ge [sflag:s22], $0x2800  }
0xcc: {  	[sflag:s22] =	ssyncset.done $0x0  }
0xcd: {  	s0 =	sadd.s32 $0x1900, s31;
	s31 =	sadd.s32 $0x3200, s31;
	[sflag:s22] =	ssyncadd.s32 $0xFFFFD800  }
0xce: {  	[hbm4b:s0+s2] =	stream.linear.scatter [tilespmem:s28], [sflag:$0x4], $0xC800, $0x38;
	[tilespmem:$0x1B780] =	vst v63  }
0xcf: {  	_ =	swait.ge [sflag:s8], $0x2800  }
0xd0: {  	[sflag:s8] =	ssyncset.done $0x0  }
0xd1: {  	[sflag:s8] =	ssyncadd.s32 $0xFFFFD800  }
0xd2: {  	_ =	swait.ge [sflag:s8], $0x2800  }
0xd3: {  	[sflag:s8] =	ssyncset.done $0x0  }
0xd4: {  	[sflag:s8] =	ssyncadd.s32 $0xFFFFD800  }
0xd5: {  	_ =	swait.ge [sflag:s8], $0x2800  }
0xd6: {  	[sflag:s8] =	ssyncset.done $0x0  }
0xd7: {  	[sflag:s8] =	ssyncadd.s32 $0xFFFFD800  }
0xd8: {  	_ =	swait.ge [sflag:s8], $0x2800  }
0xd9: {  	[sflag:s8] =	ssyncset.done $0x0  }
0xda: {  	[sflag:s8] =	ssyncadd.s32 $0xFFFFD800  }
0xdb: {  	_ =	swait.ge [sflag:s8], $0x2800  }
0xdc: {  	[sflag:s8] =	ssyncset.done $0x0  }
0xdd: {  	s0 =	simm.s32 $0x0;
	s6 =	rddreg [dreg:$0x4];
	[sflag:s8] =	ssyncadd.s32 $0xFFFFD800  }
0xde: {  	[hbm4b:s6+s0] =	stream.linear.scatter [tilespmem:s18], [sflag:$0x3], $0xC800, $0x38;
	[tilespmem:$0x1B780] =	vst v63  }
0xdf: {  	_ =	swait.ge [sflag:s24], $0xC800  }
0xe0: {  	[sflag:s24] =	ssyncset.done $0x0  }
0xe1: {  	[sflag:s24] =	ssyncadd.s32 $0xFFFF3800  }
0xe2: {  	_ =	swait.ge [sflag:s9], $0xC800  }
0xe3: {  	[sflag:s9] =	ssyncset.done $0x0  }
0xe4: {  	s6 =	rddreg [dreg:$0x5];
	[sflag:s9] =	ssyncadd.s32 $0xFFFF3800  }
0xe5: {  	[tilespmem:s0], [sflag:$0x5] =	stream.linear.gather [hbm4b:s6+s0], $0x2710, $0x38;
	[tilespmem:$0x1B780] =	vst v63  }
0xe6: {  	_ =	swait.ge [sflag:s16], $0x2710  }
0xe7: {  	[sflag:s16] =	ssyncset.done $0x0  }
0xe8: {  	[sflag:s16] =	ssyncadd.s32 $0xFFFFD8F0  }
0xe9: {  	[tilespmem:s18], [sflag:$0x1] =	stream.indirect.gather [hbm4b:s4+s17], $0x80, s0, s17, $0xb8;
	[tilespmem:$0x1B780] =	vst v63  }
0xea: {  	_ = 	snop  }
0xeb: {  	[tilespmem:s19], [sflag:$0x1] =	stream.indirect.gather [hbm4b:s4+s17], $0x80, s17, s17, $0xb8;
	[tilespmem:$0x1B780] =	vst v63  }
0xec: {  	s6 =	simm.s32 $0xA0  }
0xed: {  	[tilespmem:s21], [sflag:$0x1] =	stream.indirect.gather [hbm4b:s4+s17], $0x80, s6, s17, $0xb8;
	[tilespmem:$0x1B780] =	vst v63  }
0xee: {  	s6 =	simm.s32 $0xF0  }
0xef: {  	[tilespmem:s23], [sflag:$0x1] =	stream.indirect.gather [hbm4b:s4+s17], $0x80, s6, s17, $0xb8;
	[tilespmem:$0x1B780] =	vst v63  }
0xf0: {  	s6 =	simm.s32 $0x140  }
0xf1: {  	[tilespmem:s25], [sflag:$0x1] =	stream.indirect.gather [hbm4b:s4+s17], $0x80, s6, s17, $0xb8;
	[tilespmem:$0x1B780] =	vst v63  }
0xf2: {  	s6 =	simm.s32 $0x190  }
0xf3: {  	[tilespmem:s28], [sflag:$0x2] =	stream.indirect.gather [hbm4b:s4+s17], $0x80, s6, s17, $0xb8;
	[tilespmem:$0x1B780] =	vst v63  }
0xf4: {  	s6 =	simm.s32 $0x1E0  }
0xf5: {  	[tilespmem:s30], [sflag:$0x2] =	stream.indirect.gather [hbm4b:s4+s17], $0x80, s6, s17, $0xb8;
	[tilespmem:$0x1B780] =	vst v63  }
0xf6: {  	s6 =	simm.s32 $0x230  }
0xf7: {  	[tilespmem:s1], [sflag:$0x2] =	stream.indirect.gather [hbm4b:s4+s17], $0x80, s6, s17, $0xb8;
	[tilespmem:$0x1B780] =	vst v63  }
0xf8: {  	s6 =	simm.s32 $0x280  }
0xf9: {  	[tilespmem:s5], [sflag:$0x2] =	stream.indirect.gather [hbm4b:s4+s17], $0x80, s6, s17, $0xb8;
	[tilespmem:$0x1B780] =	vst v63  }
0xfa: {  	s6 =	simm.s32 $0x2D0  }
0xfb: {  	[tilespmem:s7], [sflag:$0x2] =	stream.indirect.gather [hbm4b:s4+s17], $0x80, s6, s17, $0xb8;
	[tilespmem:$0x1B780] =	vst v63  }
0xfc: {  	_ =	swait.ge [sflag:s8], $0x2800  }
0xfd: {  	[sflag:s8] =	ssyncset.done $0x0  }
0xfe: {  	[sflag:s8] =	ssyncadd.s32 $0xFFFFD800  }
0xff: {  	_ =	swait.ge [sflag:s8], $0x2800  }
0x100: {  	[sflag:s8] =	ssyncset.done $0x0  }
0x101: {  	[sflag:s8] =	ssyncadd.s32 $0xFFFFD800  }
0x102: {  	_ =	swait.ge [sflag:s8], $0x2800  }
0x103: {  	[sflag:s8] =	ssyncset.done $0x0  }
0x104: {  	[sflag:s8] =	ssyncadd.s32 $0xFFFFD800  }
0x105: {  	_ =	swait.ge [sflag:s8], $0x2800  }
0x106: {  	[sflag:s8] =	ssyncset.done $0x0  }
0x107: {  	[sflag:s8] =	ssyncadd.s32 $0xFFFFD800  }
0x108: {  	_ =	swait.ge [sflag:s8], $0x2800  }
0x109: {  	[sflag:s8] =	ssyncset.done $0x0  }
0x10a: {  	s6 =	rddreg [dreg:$0xa];
	[sflag:s8] =	ssyncadd.s32 $0xFFFFD800  }
0x10b: {  	[hbm4b:s6+s0] =	stream.linear.scatter [tilespmem:s18], [sflag:$0x3], $0xC800, $0x38;
	[tilespmem:$0x1B780] =	vst v63  }
0x10c: {  	_ =	swait.ge [sflag:s9], $0xC800  }
0x10d: {  	[sflag:s9] =	ssyncset.done $0x0  }
0x10e: {  	[sflag:s9] =	ssyncadd.s32 $0xFFFF3800  }
0x10f: {  	[tilespmem:s18], [sflag:$0x1] =	stream.indirect.gather [hbm4b:s4+s17], $0x80, s10, s17, $0xb8;
	[tilespmem:$0x1B780] =	vst v63  }
0x110: {  	_ = 	snop  }
0x111: {  	[tilespmem:s19], [sflag:$0x1] =	stream.indirect.gather [hbm4b:s4+s17], $0x80, s11, s17, $0xb8;
	[tilespmem:$0x1B780] =	vst v63  }
0x112: {  	_ = 	snop  }
0x113: {  	[tilespmem:s21], [sflag:$0x1] =	stream.indirect.gather [hbm4b:s4+s17], $0x80, s12, s17, $0xb8;
	[tilespmem:$0x1B780] =	vst v63  }
0x114: {  	_ = 	snop  }
0x115: {  	[tilespmem:s23], [sflag:$0x1] =	stream.indirect.gather [hbm4b:s4+s17], $0x80, s20, s17, $0xb8;
	[tilespmem:$0x1B780] =	vst v63  }
0x116: {  	_ = 	snop  }
0x117: {  	[tilespmem:s25], [sflag:$0x1] =	stream.indirect.gather [hbm4b:s4+s17], $0x80, s13, s17, $0xb8;
	[tilespmem:$0x1B780] =	vst v63  }
0x118: {  	_ =	swait.ge [sflag:s22], $0x2800  }
0x119: {  	[sflag:s22] =	ssyncset.done $0x0  }
0x11a: {  	[sflag:s22] =	ssyncadd.s32 $0xFFFFD800  }
0x11b: {  	_ =	swait.ge [sflag:s22], $0x2800  }
0x11c: {  	[sflag:s22] =	ssyncset.done $0x0  }
0x11d: {  	[sflag:s22] =	ssyncadd.s32 $0xFFFFD800  }
0x11e: {  	_ =	swait.ge [sflag:s22], $0x2800  }
0x11f: {  	[sflag:s22] =	ssyncset.done $0x0  }
0x120: {  	[sflag:s22] =	ssyncadd.s32 $0xFFFFD800  }
0x121: {  	_ =	swait.ge [sflag:s22], $0x2800  }
0x122: {  	[sflag:s22] =	ssyncset.done $0x0  }
0x123: {  	[sflag:s22] =	ssyncadd.s32 $0xFFFFD800  }
0x124: {  	_ =	swait.ge [sflag:s22], $0x2800  }
0x125: {  	[sflag:s22] =	ssyncset.done $0x0  }
0x126: {  	s6 =	rddreg [dreg:$0xb];
	[sflag:s22] =	ssyncadd.s32 $0xFFFFD800  }
0x127: {  	[hbm4b:s6+s0] =	stream.linear.scatter [tilespmem:s28], [sflag:$0x4], $0xC800, $0x38;
	[tilespmem:$0x1B780] =	vst v63  }
0x128: {  	_ =	swait.ge [sflag:s24], $0xC800  }
0x129: {  	[sflag:s24] =	ssyncset.done $0x0  }
0x12a: {  	s6 =	simm.s32 $0x4B0;
	[sflag:s24] =	ssyncadd.s32 $0xFFFF3800  }
0x12b: {  	[tilespmem:s28], [sflag:$0x2] =	stream.indirect.gather [hbm4b:s4+s17], $0x80, s6, s17, $0xb8;
	[tilespmem:$0x1B780] =	vst v63  }
0x12c: {  	s6 =	simm.s32 $0x500  }
0x12d: {  	[tilespmem:s30], [sflag:$0x2] =	stream.indirect.gather [hbm4b:s4+s17], $0x80, s6, s17, $0xb8;
	[tilespmem:$0x1B780] =	vst v63  }
0x12e: {  	s6 =	simm.s32 $0x550  }
0x12f: {  	[tilespmem:s1], [sflag:$0x2] =	stream.indirect.gather [hbm4b:s4+s17], $0x80, s6, s17, $0xb8;
	[tilespmem:$0x1B780] =	vst v63  }
0x130: {  	s6 =	simm.s32 $0x5A0  }
0x131: {  	[tilespmem:s5], [sflag:$0x2] =	stream.indirect.gather [hbm4b:s4+s17], $0x80, s6, s17, $0xb8;
	[tilespmem:$0x1B780] =	vst v63  }
0x132: {  	s6 =	simm.s32 $0x5F0  }
0x133: {  	[tilespmem:s7], [sflag:$0x2] =	stream.indirect.gather [hbm4b:s4+s17], $0x80, s6, s17, $0xb8;
	[tilespmem:$0x1B780] =	vst v63  }
0x134: {  	_ =	swait.ge [sflag:s8], $0x2800  }
0x135: {  	[sflag:s8] =	ssyncset.done $0x0  }
0x136: {  	[sflag:s8] =	ssyncadd.s32 $0xFFFFD800  }
0x137: {  	_ =	swait.ge [sflag:s8], $0x2800  }
0x138: {  	[sflag:s8] =	ssyncset.done $0x0  }
0x139: {  	[sflag:s8] =	ssyncadd.s32 $0xFFFFD800  }
0x13a: {  	_ =	swait.ge [sflag:s8], $0x2800  }
0x13b: {  	[sflag:s8] =	ssyncset.done $0x0  }
0x13c: {  	[sflag:s8] =	ssyncadd.s32 $0xFFFFD800  }
0x13d: {  	_ =	swait.ge [sflag:s8], $0x2800  }
0x13e: {  	[sflag:s8] =	ssyncset.done $0x0  }
0x13f: {  	[sflag:s8] =	ssyncadd.s32 $0xFFFFD800  }
0x140: {  	_ =	swait.ge [sflag:s8], $0x2800  }
0x141: {  	[sflag:s8] =	ssyncset.done $0x0  }
0x142: {  	[sflag:s8] =	ssyncadd.s32 $0xFFFFD800  }
0x143: {  	[hbm4b:s15+s2] =	stream.linear.scatter [tilespmem:s18], [sflag:$0x3], $0xC800, $0x38;
	[tilespmem:$0x1B780] =	vst v63  }
0x144: {  	_ =	swait.ge [sflag:s9], $0xC800  }
0x145: {  	[sflag:s9] =	ssyncset.done $0x0  }
0x146: {  	s6 =	simm.s32 $0x640;
	[sflag:s9] =	ssyncadd.s32 $0xFFFF3800  }
0x147: {  	[tilespmem:s18], [sflag:$0x1] =	stream.indirect.gather [hbm4b:s4+s17], $0x80, s6, s17, $0xb8;
	[tilespmem:$0x1B780] =	vst v63  }
0x148: {  	s6 =	simm.s32 $0x690  }
0x149: {  	[tilespmem:s19], [sflag:$0x1] =	stream.indirect.gather [hbm4b:s4+s17], $0x80, s6, s17, $0xb8;
	[tilespmem:$0x1B780] =	vst v63  }
0x14a: {  	s6 =	simm.s32 $0x6E0  }
0x14b: {  	[tilespmem:s21], [sflag:$0x1] =	stream.indirect.gather [hbm4b:s4+s17], $0x80, s6, s17, $0xb8;
	[tilespmem:$0x1B780] =	vst v63  }
0x14c: {  	s6 =	simm.s32 $0x730  }
0x14d: {  	[tilespmem:s23], [sflag:$0x1] =	stream.indirect.gather [hbm4b:s4+s17], $0x80, s6, s17, $0xb8;
	[tilespmem:$0x1B780] =	vst v63  }
0x14e: {  	s6 =	simm.s32 $0x780  }
0x14f: {  	[tilespmem:s25], [sflag:$0x1] =	stream.indirect.gather [hbm4b:s4+s17], $0x80, s6, s17, $0xb8;
	[tilespmem:$0x1B780] =	vst v63  }
0x150: {  	_ =	swait.ge [sflag:s22], $0x2800  }
0x151: {  	[sflag:s22] =	ssyncset.done $0x0  }
0x152: {  	[sflag:s22] =	ssyncadd.s32 $0xFFFFD800  }
0x153: {  	_ =	swait.ge [sflag:s22], $0x2800  }
0x154: {  	[sflag:s22] =	ssyncset.done $0x0  }
0x155: {  	[sflag:s22] =	ssyncadd.s32 $0xFFFFD800  }
0x156: {  	_ =	swait.ge [sflag:s22], $0x2800  }
0x157: {  	[sflag:s22] =	ssyncset.done $0x0  }
0x158: {  	[sflag:s22] =	ssyncadd.s32 $0xFFFFD800  }
0x159: {  	_ =	swait.ge [sflag:s22], $0x2800  }
0x15a: {  	[sflag:s22] =	ssyncset.done $0x0  }
0x15b: {  	[sflag:s22] =	ssyncadd.s32 $0xFFFFD800  }
0x15c: {  	_ =	swait.ge [sflag:s22], $0x2800  }
0x15d: {  	s29 =	simm.s32 $0xC80;
	[sflag:s22] =	ssyncset.done $0x0  }
0x15e: {  	s31 =	sadd.s32 $0x3200, s15;
	s0 =	sadd.s32 $0x1900, s15;
	[sflag:s22] =	ssyncadd.s32 $0xFFFFD800  }
.LBB2_4:
0x15f: {  	[hbm4b:s0+s2] =	stream.linear.scatter [tilespmem:s28], [sflag:$0x4], $0xC800, $0x38;
	[tilespmem:$0x1B780] =	vst v63  }
0x160: {  	s0 =	smov.u32 s29  }
0x161: {  	p0 =	sne.s32 s29, $0x7D00;
	s29 =	sadd.s32 $0xC80, s29;
	_ =	swait.ge [sflag:s24], $0xC800  }
0x162: {  	s0 =	sshra.s32 s0, $0x2;
	[sflag:s24] =	ssyncset.done $0x0  }
0x163: {  	s6 =	sadd.s32 $0x4B0, s0;
	[sflag:s24] =	ssyncadd.s32 $0xFFFF3800  }
0x164: {  	[tilespmem:s28], [sflag:$0x2] =	stream.indirect.gather [hbm4b:s4+s17], $0x80, s6, s17, $0xb8;
	[tilespmem:$0x1B780] =	vst v63  }
0x165: {  	s6 =	sadd.s32 $0x500, s0  }
0x166: {  	[tilespmem:s30], [sflag:$0x2] =	stream.indirect.gather [hbm4b:s4+s17], $0x80, s6, s17, $0xb8;
	[tilespmem:$0x1B780] =	vst v63  }
0x167: {  	s6 =	sadd.s32 $0x550, s0  }
0x168: {  	[tilespmem:s1], [sflag:$0x2] =	stream.indirect.gather [hbm4b:s4+s17], $0x80, s6, s17, $0xb8;
	[tilespmem:$0x1B780] =	vst v63  }
0x169: {  	s6 =	sadd.s32 $0x5A0, s0  }
0x16a: {  	[tilespmem:s5], [sflag:$0x2] =	stream.indirect.gather [hbm4b:s4+s17], $0x80, s6, s17, $0xb8;
	[tilespmem:$0x1B780] =	vst v63  }
0x16b: {  	s6 =	sadd.s32 $0x5F0, s0  }
0x16c: {  	[tilespmem:s7], [sflag:$0x2] =	stream.indirect.gather [hbm4b:s4+s17], $0x80, s6, s17, $0xb8;
	[tilespmem:$0x1B780] =	vst v63  }
0x16d: {  	_ =	swait.ge [sflag:s8], $0x2800  }
0x16e: {  	[sflag:s8] =	ssyncset.done $0x0  }
0x16f: {  	[sflag:s8] =	ssyncadd.s32 $0xFFFFD800  }
0x170: {  	_ =	swait.ge [sflag:s8], $0x2800  }
0x171: {  	[sflag:s8] =	ssyncset.done $0x0  }
0x172: {  	[sflag:s8] =	ssyncadd.s32 $0xFFFFD800  }
0x173: {  	_ =	swait.ge [sflag:s8], $0x2800  }
0x174: {  	[sflag:s8] =	ssyncset.done $0x0  }
0x175: {  	[sflag:s8] =	ssyncadd.s32 $0xFFFFD800  }
0x176: {  	_ =	swait.ge [sflag:s8], $0x2800  }
0x177: {  	[sflag:s8] =	ssyncset.done $0x0  }
0x178: {  	[sflag:s8] =	ssyncadd.s32 $0xFFFFD800  }
0x179: {  	_ =	swait.ge [sflag:s8], $0x2800  }
0x17a: {  	[sflag:s8] =	ssyncset.done $0x0  }
0x17b: {  	[sflag:s8] =	ssyncadd.s32 $0xFFFFD800  }
0x17c: {  	[hbm4b:s31+s2] =	stream.linear.scatter [tilespmem:s18], [sflag:$0x3], $0xC800, $0x38;
	[tilespmem:$0x1B780] =	vst v63  }
0x17d: {  	_ =	swait.ge [sflag:s9], $0xC800  }
0x17e: {  	[sflag:s9] =	ssyncset.done $0x0  }
0x17f: {  	s6 =	sadd.s32 $0x640, s0;
	[sflag:s9] =	ssyncadd.s32 $0xFFFF3800  }
0x180: {  	[tilespmem:s18], [sflag:$0x1] =	stream.indirect.gather [hbm4b:s4+s17], $0x80, s6, s17, $0xb8;
	[tilespmem:$0x1B780] =	vst v63  }
0x181: {  	s6 =	sadd.s32 $0x690, s0  }
0x182: {  	[tilespmem:s19], [sflag:$0x1] =	stream.indirect.gather [hbm4b:s4+s17], $0x80, s6, s17, $0xb8;
	[tilespmem:$0x1B780] =	vst v63  }
0x183: {  	s6 =	sadd.s32 $0x6E0, s0  }
0x184: {  	[tilespmem:s21], [sflag:$0x1] =	stream.indirect.gather [hbm4b:s4+s17], $0x80, s6, s17, $0xb8;
	[tilespmem:$0x1B780] =	vst v63  }
0x185: {  	s6 =	sadd.s32 $0x730, s0  }
0x186: {  	[tilespmem:s23], [sflag:$0x1] =	stream.indirect.gather [hbm4b:s4+s17], $0x80, s6, s17, $0xb8;
	[tilespmem:$0x1B780] =	vst v63  }
0x187: {  	s0 =	sadd.s32 $0x780, s0  }
0x188: {  	[tilespmem:s25], [sflag:$0x1] =	stream.indirect.gather [hbm4b:s4+s17], $0x80, s0, s17, $0xb8;
	[tilespmem:$0x1B780] =	vst v63  }
0x189: {  	_ =	swait.ge [sflag:s22], $0x2800  }
0x18a: {  	[sflag:s22] =	ssyncset.done $0x0  }
0x18b: {  	[sflag:s22] =	ssyncadd.s32 $0xFFFFD800  }
0x18c: {  	_ =	swait.ge [sflag:s22], $0x2800  }
0x18d: {  	[sflag:s22] =	ssyncset.done $0x0  }
0x18e: {  	[sflag:s22] =	ssyncadd.s32 $0xFFFFD800  }
0x18f: {  	_ =	swait.ge [sflag:s22], $0x2800  }
0x190: {  	[sflag:s22] =	ssyncset.done $0x0  }
0x191: {  	[sflag:s22] =	ssyncadd.s32 $0xFFFFD800  }
0x192: {  	_ =	swait.ge [sflag:s22], $0x2800  }
.Ltmp1:
0x193: {  	[sflag:s22] =	ssyncset.done $0x0;
	(pc) =	sbr.rel @p0 .LBB2_4-.Ltmp1, $4  }
0x194: {  	[sflag:s22] =	ssyncadd.s32 $0xFFFFD800  }
0x195: {  	_ =	swait.ge [sflag:s22], $0x2800  }
0x196: {  	[sflag:s22] =	ssyncset.done $0x0  }
0x197: {  	s0 =	sadd.s32 $0x1900, s31;
	s31 =	sadd.s32 $0x3200, s31;
	[sflag:s22] =	ssyncadd.s32 $0xFFFFD800  }
0x198: {  	[hbm4b:s0+s2] =	stream.linear.scatter [tilespmem:s28], [sflag:$0x4], $0xC800, $0x38;
	[tilespmem:$0x1B780] =	vst v63  }
0x199: {  	_ =	swait.ge [sflag:s8], $0x2800  }
0x19a: {  	[sflag:s8] =	ssyncset.done $0x0  }
0x19b: {  	[sflag:s8] =	ssyncadd.s32 $0xFFFFD800  }
0x19c: {  	_ =	swait.ge [sflag:s8], $0x2800  }
0x19d: {  	[sflag:s8] =	ssyncset.done $0x0  }
0x19e: {  	[sflag:s8] =	ssyncadd.s32 $0xFFFFD800  }
0x19f: {  	_ =	swait.ge [sflag:s8], $0x2800  }
0x1a0: {  	[sflag:s8] =	ssyncset.done $0x0  }
0x1a1: {  	[sflag:s8] =	ssyncadd.s32 $0xFFFFD800  }
0x1a2: {  	_ =	swait.ge [sflag:s8], $0x2800  }
0x1a3: {  	[sflag:s8] =	ssyncset.done $0x0  }
0x1a4: {  	[sflag:s8] =	ssyncadd.s32 $0xFFFFD800  }
0x1a5: {  	_ =	swait.ge [sflag:s8], $0x2800  }
0x1a6: {  	[sflag:s8] =	ssyncset.done $0x0  }
0x1a7: {  	s29 =	rddreg [dreg:$0x6];
	[sflag:s8] =	ssyncadd.s32 $0xFFFFD800  }
0x1a8: {  	[hbm4b:s29+s2] =	stream.linear.scatter [tilespmem:s18], [sflag:$0x3], $0xC800, $0x38;
	[tilespmem:$0x1B780] =	vst v63  }
0x1a9: {  	_ =	swait.ge [sflag:s24], $0xC800  }
0x1aa: {  	[sflag:s24] =	ssyncset.done $0x0  }
0x1ab: {  	[sflag:s24] =	ssyncadd.s32 $0xFFFF3800  }
0x1ac: {  	_ =	swait.ge [sflag:s9], $0xC800  }
0x1ad: {  	s26 =	sadd.s32 $0x1, s26;
	s31 =	rddreg [dreg:$0x7]  }
0x1ae: {  	p0 =	sne.s32 s26, s31  }
.Ltmp2:
0x1af: {  	_ = 	snop;
	(pc) =	sbr.rel @p0 .LBB2_1-.Ltmp2, $3  }
0x1b0: {  	_ =	sdelay $0x1  }
0x1b1: {  	[sflag:s9] =	ssyncset.done $0x0  }
0x1b2: {  	[sflag:s9] =	ssyncadd.s32 $0xFFFF3800  }
0x1b3: {  	_ =	sfence.sel $0x180000  }
0x1b4: {  	[bflag:$0x0] =	sbarrier.arrive $0xFFFF  }
0x1b5: {  	_ =	strace $0x90000047  }
0x1b6: {  	s0 =	stileid.u32;
	[bflag:$0x2] =	sbarrier.arrive $0xFFFF  }
0x1b7: {  	p0 =	sne.s32 s0, $0x0;
	s0 =	rddreg [dreg:$0x2]  }
0x1b8: {  	s0 =	sadd.s32 @!p0 $0x100000, s0  }
0x1b9: {  	[sflag:s0] =	ssyncadd.tile.s32 @!p0 $0x1;
	_ =	shalt  }
.Lfunc_end2:
_tile_overlayer_lowered:
.L_overlay_start_2:
0x1ba: {  	(tag) =	ssettag $0x2  }
0x1bb: {  	s0 =	rddreg [dreg:$0x0];
	s2 =	stileid.u32  }
0x1bc: {  	s1 =	rddreg [dreg:$0x1];
	p0 =	sne.s32 s2, $0x0  }
0x1bd: {  	s3 =	rddreg [dreg:$0x2];
	[bflag:$0x3] =	sbarrier.arrive $0xFFFF;
	s2 =	simm.s32 @!p0 $0x1C05  }
0x1be: {  	[timem:s3], [sflag:s2] =	dma.local @!p0 [hbm:s0], s1  }
0x1bf: {  	s0 =	simm.s32 @!p0 $0x5  }
0x1c0: {  	_ =	swait.ge @!p0 [sflag:s0], s1  }
0x1c1: {  	s1 =	ssub.s32 @!p0 $0x0, s1;
	[sflag:s0] =	ssyncset.done @!p0 $0x0  }
0x1c2: {  	[sflag:s0] =	ssyncadd.s32 @!p0 s1  }
0x1c3: {  	[bflag:$0x3] =	sbarrier.arrive $0xFFFF  }
0x1c4: {  	_ =	shalt  }

</sc_bundles>
